<compile_context>
chip_gen: v7x
topology: tpu7x:2x2x1
jax: 0.10.2.dev20260603
libtpu: 0.0.44.dev20260713+nightly
codegen_flags: <defaults>
</compile_context>

<pallas_src>
import functools

import jax
import jax.numpy as jnp
from jax import lax
from jax.experimental import pallas as pl
from jax.experimental.pallas import tpu as pltpu
from jax.experimental.pallas import tpu_sc as plsc

_LANES = 16
_CH = 16


def _make_emb_kernel(B, V, D):
    info = plsc.get_sparse_core_info()
    nc, ns = info.num_cores, info.num_subcores
    assert D % nc == 0 and B % ns == 0
    dpc = D // nc
    bpt = B // ns
    assert dpc == _LANES and bpt % (2 * _CH) == 0
    nch = bpt // _CH
    mesh = plsc.VectorSubcoreMesh(core_axis_name="c", subcore_axis_name="s")

    @functools.partial(
        pl.kernel,
        mesh=mesh,
        out_type=jax.ShapeDtypeStruct((D, B), jnp.float32),
        scratch_types=[
            pltpu.VMEM((bpt,), jnp.int32),
            pltpu.VMEM((_CH, dpc, 128), jnp.float32),
            pltpu.VMEM((_CH, dpc, 128), jnp.float32),
            pltpu.VMEM((dpc, bpt), jnp.float32),
            pltpu.SemaphoreType.DMA,
            pltpu.SemaphoreType.DMA,
        ],
        compiler_params=pltpu.CompilerParams(
            use_tc_tiling_on_sc=True,
            needs_layout_passes=False,
            disable_bounds_checks=True,
        ),
    )
    def emb(
        idx_hbm, tabt_hbm, outt_hbm, idx_v, buf0, buf1, oblk, sem0, sem1
    ):
        c = lax.axis_index("c")
        s = lax.axis_index("s")
        row0 = pl.multiple_of(c * dpc, dpc)
        base = s * bpt
        pltpu.async_copy(idx_hbm.at[pl.ds(base, bpt)], idx_v, sem0).wait()

        lanes = jax.lax.iota(jnp.int32, _LANES)

        def issue_chunk(k, buf, sem):
            rv = idx_v[pl.ds(k * _CH, _CH)]
            for j in range(_CH):
                start = pl.multiple_of((rv[j] >> 7) << 7, 128)
                pltpu.async_copy(
                    tabt_hbm.at[pl.ds(row0, dpc), pl.ds(start, 128)],
                    buf.at[j],
                    sem,
                )

        def drain_chunk(k, buf, sem):
            for j in range(_CH):
                pltpu.make_async_copy(
                    tabt_hbm.at[pl.ds(row0, dpc), pl.ds(0, 128)],
                    buf.at[j],
                    sem,
                ).wait()

        def extract_chunk(k, buf):
            rv = idx_v[pl.ds(k * _CH, _CH)]
            for j in range(_CH):
                jr = rv[j] & 127
                col = jnp.full((_LANES,), jr, dtype=jnp.int32)
                v = plsc.load_gather(buf.at[j], [lanes, col])
                out_col = jnp.full((_LANES,), k * _CH + j, dtype=jnp.int32)
                plsc.store_scatter(oblk, [lanes, out_col], v)

        issue_chunk(0, buf0, sem0)
        issue_chunk(1, buf1, sem1)

        def body(m, carry):
            ka = m * 2
            drain_chunk(ka, buf0, sem0)
            extract_chunk(ka, buf0)

            @pl.when(ka + 2 < nch)
            def _():
                issue_chunk(ka + 2, buf0, sem0)

            drain_chunk(ka + 1, buf1, sem1)
            extract_chunk(ka + 1, buf1)

            @pl.when(ka + 3 < nch)
            def _():
                issue_chunk(ka + 3, buf1, sem1)

            return carry

        lax.fori_loop(0, nch // 2, body, 0)
        pltpu.sync_copy(oblk, outt_hbm.at[pl.ds(row0, dpc), pl.ds(base, bpt)])

    return emb


def kernel(y, table):
    (B,) = y.shape
    V, D = table.shape
    emb = _make_emb_kernel(B, V, D)
    out_t = emb(y.astype(jnp.int32), table.T)
    return out_t.T

# --- scband reference (transcript-rebuilt; emitter-appended) ---
"""Pipeline reference for scband-label-embedding-48009144434720 (READ-ONLY COPY).

The authoritative reference and input builder live on the scoring server;
editing this copy changes nothing except your own understanding.
"""

import jax, jax.numpy as jnp
import numpy as np

NUM_CLASSES = 1000000
EMBED_DIM = 32
BATCH = 16384

def setup_inputs(seed: int = 0) -> dict:
    key = jax.random.key(seed)
    k_idx, k_tab = jax.random.split(key)
    y = jax.random.randint(k_idx, (BATCH,), 0, NUM_CLASSES, dtype=jnp.int64)
    table = jax.random.normal(k_tab, (NUM_CLASSES, EMBED_DIM), dtype=jnp.float32)
    return {"y": y, "table": table}

def reference(y, table):
    # nn.Embedding forward: gather rows of the table by index
    return jnp.take(table, y, axis=0)

if __name__ == "__main__":
    import jax
    _d = setup_inputs()
    print(jax.jit(kernel)(*tuple(_d.values())))

</pallas_src>

<mosaic_0001>
#map = affine_map<(d0, d1) -> (0)>
#map1 = affine_map<(d0, d1) -> (0, 0)>
module attributes {stable_mosaic.version = 14 : i64} {
  func.func @emb(%arg0: i32, %arg1: i32, %arg2: memref<16384xi32, #tpu.memory_space<hbm>>, %arg3: memref<32x1000000xf32, #tpu.memory_space<hbm>>, %arg4: memref<32x16384xf32, #tpu.memory_space<hbm>>, %arg5: memref<1024xi32, #tpu.memory_space<vmem>>, %arg6: memref<16x16x128xf32, #tpu.memory_space<vmem>>, %arg7: memref<16x16x128xf32, #tpu.memory_space<vmem>>, %arg8: memref<16x1024xf32, #tpu.memory_space<vmem>>, %arg9: memref<!tpu.dma_semaphore, #tpu.memory_space<semaphore_mem>>, %arg10: memref<!tpu.dma_semaphore, #tpu.memory_space<semaphore_mem>>) attributes {dimension_semantics = [#tpu.dimension_semantics<core_parallel>, #tpu.dimension_semantics<subcore_parallel>], iteration_bounds = array<i64: 2, 16>, scalar_prefetch = 0 : i64, scratch_operands = 6 : i64, tpu.core_type = #tpu.core_type<sc_vector_subcore>, window_params = [{transform_indices = #map}, {transform_indices = #map1}, {transform_indices = #map1}]} {
    %mul3A = arith.constant 16 : i32
    %mul3A_0 = arith.muli %arg0, %mul3A : i32
    %multiple_of3A = tpu.assume_multiple %mul3A_0, 16 : i32
    %mul3A_1 = arith.constant 1024 : i32
    %mul3A_2 = arith.muli %arg1, %mul3A_1 : i32
    %dma_start3A = tpu.memref_slice %arg2[%mul3A_2] : memref<16384xi32, #tpu.memory_space<hbm>> -> memref<1024xi32, #tpu.memory_space<hbm>>
    %dma_start3A_3 = tpu.memref_slice %arg2[%mul3A_2] : memref<16384xi32, #tpu.memory_space<hbm>> -> memref<1024xi32, #tpu.memory_space<hbm>>
    tpu.enqueue_dma source(%dma_start3A_3 : memref<1024xi32, #tpu.memory_space<hbm>>) target(%arg5 : memref<1024xi32, #tpu.memory_space<vmem>>) target_semaphore(%arg9 : memref<!tpu.dma_semaphore, #tpu.memory_space<semaphore_mem>>)
    %dma_wait3A = tpu.memref_slice %arg2[%mul3A_2] : memref<16384xi32, #tpu.memory_space<hbm>> -> memref<1024xi32, #tpu.memory_space<hbm>>
    %dma_wait3A_4 = tpu.memref_slice %arg2[%mul3A_2] : memref<16384xi32, #tpu.memory_space<hbm>> -> memref<1024xi32, #tpu.memory_space<hbm>>
    tpu.wait_dma2 semaphore(%arg9 : memref<!tpu.dma_semaphore, #tpu.memory_space<semaphore_mem>>) src(%dma_wait3A_4 : memref<1024xi32, #tpu.memory_space<hbm>>) dst(%arg5 : memref<1024xi32, #tpu.memory_space<vmem>>)
    %iota3A = tpu.iota {dimensions = array<i32: 0>} : vector<16xi32>
    %get3A = arith.constant 0 : index
    %get3A_5 = tpu.vector_load %arg5[%get3A] {strides = array<i32>} : memref<1024xi32, #tpu.memory_space<vmem>>, vector<16xi32>,
    %slice3A = vector.extract_strided_slice %get3A_5 {offsets = [0], sizes = [1], strides = [1]} : vector<16xi32> to vector<1xi32>
    %squeeze3A = vector.extract %slice3A[0] : i32 from vector<1xi32>
    %shift_right_arithmetic3A = arith.constant 7 : i32
    %shift_right_arithmetic3A_6 = arith.shrsi %squeeze3A, %shift_right_arithmetic3A : i32
    %shift_left3A = arith.constant 7 : i32
    %shift_left3A_7 = arith.shli %shift_right_arithmetic3A_6, %shift_left3A : i32
    %multiple_of3A_8 = tpu.assume_multiple %shift_left3A_7, 128 : i32
    %dma_start3A_9 = arith.constant 0 : i32
    %dma_start3A_10 = arith.constant 0 : i32
    %dma_start3A_11 = arith.constant 0 : i32
    %dma_start3A_12 = tpu.memref_slice %arg6[%dma_start3A_9, %dma_start3A_10, %dma_start3A_11] : memref<16x16x128xf32, #tpu.memory_space<vmem>> -> memref<1x16x128xf32, #tpu.memory_space<vmem>>
    %dma_start3A_13 = tpu.memref_squeeze %dma_start3A_12 : memref<1x16x128xf32, #tpu.memory_space<vmem>> -> memref<16x128xf32, #tpu.memory_space<vmem>>
    %dma_start3A_14 = tpu.memref_slice %arg3[%multiple_of3A, %multiple_of3A_8] : memref<32x1000000xf32, #tpu.memory_space<hbm>> -> memref<16x128xf32, #tpu.memory_space<hbm>>
    %dma_start3A_15 = arith.constant 0 : i32
    %dma_start3A_16 = arith.constant 0 : i32
    %dma_start3A_17 = tpu.memref_slice %arg6[%dma_start3A_9, %dma_start3A_15, %dma_start3A_16] : memref<16x16x128xf32, #tpu.memory_space<vmem>> -> memref<1x16x128xf32, #tpu.memory_space<vmem>>
    %dma_start3A_18 = tpu.memref_squeeze %dma_start3A_17 : memref<1x16x128xf32, #tpu.memory_space<vmem>> -> memref<16x128xf32, #tpu.memory_space<vmem>>
    %dma_start3A_19 = tpu.memref_slice %arg3[%multiple_of3A, %multiple_of3A_8] : memref<32x1000000xf32, #tpu.memory_space<hbm>> -> memref<16x128xf32, #tpu.memory_space<hbm>>
    tpu.enqueue_dma source(%dma_start3A_19 : memref<16x128xf32, #tpu.memory_space<hbm>>) target(%dma_start3A_18 : memref<16x128xf32, #tpu.memory_space<vmem>>) target_semaphore(%arg9 : memref<!tpu.dma_semaphore, #tpu.memory_space<semaphore_mem>>)
    %slice3A_20 = vector.extract_strided_slice %get3A_5 {offsets = [1], sizes = [1], strides = [1]} : vector<16xi32> to vector<1xi32>
    %squeeze3A_21 = vector.extract %slice3A_20[0] : i32 from vector<1xi32>
    %shift_right_arithmetic3A_22 = arith.constant 7 : i32
    %shift_right_arithmetic3A_23 = arith.shrsi %squeeze3A_21, %shift_right_arithmetic3A_22 : i32
    %shift_left3A_24 = arith.constant 7 : i32
    %shift_left3A_25 = arith.shli %shift_right_arithmetic3A_23, %shift_left3A_24 : i32
    %multiple_of3A_26 = tpu.assume_multiple %shift_left3A_25, 128 : i32
    %dma_start3A_27 = arith.constant 1 : i32
    %dma_start3A_28 = arith.constant 0 : i32
    %dma_start3A_29 = arith.constant 0 : i32
    %dma_start3A_30 = tpu.memref_slice %arg6[%dma_start3A_27, %dma_start3A_28, %dma_start3A_29] : memref<16x16x128xf32, #tpu.memory_space<vmem>> -> memref<1x16x128xf32, #tpu.memory_space<vmem>>
    %dma_start3A_31 = tpu.memref_squeeze %dma_start3A_30 : memref<1x16x128xf32, #tpu.memory_space<vmem>> -> memref<16x128xf32, #tpu.memory_space<vmem>>
    %dma_start3A_32 = tpu.memref_slice %arg3[%multiple_of3A, %multiple_of3A_26] : memref<32x1000000xf32, #tpu.memory_space<hbm>> -> memref<16x128xf32, #tpu.memory_space<hbm>>
    %dma_start3A_33 = arith.constant 0 : i32
    %dma_start3A_34 = arith.constant 0 : i32
    %dma_start3A_35 = tpu.memref_slice %arg6[%dma_start3A_27, %dma_start3A_33, %dma_start3A_34] : memref<16x16x128xf32, #tpu.memory_space<vmem>> -> memref<1x16x128xf32, #tpu.memory_space<vmem>>
    %dma_start3A_36 = tpu.memref_squeeze %dma_start3A_35 : memref<1x16x128xf32, #tpu.memory_space<vmem>> -> memref<16x128xf32, #tpu.memory_space<vmem>>
    %dma_start3A_37 = tpu.memref_slice %arg3[%multiple_of3A, %multiple_of3A_26] : memref<32x1000000xf32, #tpu.memory_space<hbm>> -> memref<16x128xf32, #tpu.memory_space<hbm>>
    tpu.enqueue_dma source(%dma_start3A_37 : memref<16x128xf32, #tpu.memory_space<hbm>>) target(%dma_start3A_36 : memref<16x128xf32, #tpu.memory_space<vmem>>) target_semaphore(%arg9 : memref<!tpu.dma_semaphore, #tpu.memory_space<semaphore_mem>>)
    %slice3A_38 = vector.extract_strided_slice %get3A_5 {offsets = [2], sizes = [1], strides = [1]} : vector<16xi32> to vector<1xi32>
    %squeeze3A_39 = vector.extract %slice3A_38[0] : i32 from vector<1xi32>
    %shift_right_arithmetic3A_40 = arith.constant 7 : i32
    %shift_right_arithmetic3A_41 = arith.shrsi %squeeze3A_39, %shift_right_arithmetic3A_40 : i32
    %shift_left3A_42 = arith.constant 7 : i32
    %shift_left3A_43 = arith.shli %shift_right_arithmetic3A_41, %shift_left3A_42 : i32
    %multiple_of3A_44 = tpu.assume_multiple %shift_left3A_43, 128 : i32
    %dma_start3A_45 = arith.constant 2 : i32
    %dma_start3A_46 = arith.constant 0 : i32
    %dma_start3A_47 = arith.constant 0 : i32
    %dma_start3A_48 = tpu.memref_slice %arg6[%dma_start3A_45, %dma_start3A_46, %dma_start3A_47] : memref<16x16x128xf32, #tpu.memory_space<vmem>> -> memref<1x16x128xf32, #tpu.memory_space<vmem>>
    %dma_start3A_49 = tpu.memref_squeeze %dma_start3A_48 : memref<1x16x128xf32, #tpu.memory_space<vmem>> -> memref<16x128xf32, #tpu.memory_space<vmem>>
    %dma_start3A_50 = tpu.memref_slice %arg3[%multiple_of3A, %multiple_of3A_44] : memref<32x1000000xf32, #tpu.memory_space<hbm>> -> memref<16x128xf32, #tpu.memory_space<hbm>>
    %dma_start3A_51 = arith.constant 0 : i32
    %dma_start3A_52 = arith.constant 0 : i32
    %dma_start3A_53 = tpu.memref_slice %arg6[%dma_start3A_45, %dma_start3A_51, %dma_start3A_52] : memref<16x16x128xf32, #tpu.memory_space<vmem>> -> memref<1x16x128xf32, #tpu.memory_space<vmem>>
    %dma_start3A_54 = tpu.memref_squeeze %dma_start3A_53 : memref<1x16x128xf32, #tpu.memory_space<vmem>> -> memref<16x128xf32, #tpu.memory_space<vmem>>
    %dma_start3A_55 = tpu.memref_slice %arg3[%multiple_of3A, %multiple_of3A_44] : memref<32x1000000xf32, #tpu.memory_space<hbm>> -> memref<16x128xf32, #tpu.memory_space<hbm>>
    tpu.enqueue_dma source(%dma_start3A_55 : memref<16x128xf32, #tpu.memory_space<hbm>>) target(%dma_start3A_54 : memref<16x128xf32, #tpu.memory_space<vmem>>) target_semaphore(%arg9 : memref<!tpu.dma_semaphore, #tpu.memory_space<semaphore_mem>>)
    %slice3A_56 = vector.extract_strided_slice %get3A_5 {offsets = [3], sizes = [1], strides = [1]} : vector<16xi32> to vector<1xi32>
    %squeeze3A_57 = vector.extract %slice3A_56[0] : i32 from vector<1xi32>
    %shift_right_arithmetic3A_58 = arith.constant 7 : i32
    %shift_right_arithmetic3A_59 = arith.shrsi %squeeze3A_57, %shift_right_arithmetic3A_58 : i32
    %shift_left3A_60 = arith.constant 7 : i32
    %shift_left3A_61 = arith.shli %shift_right_arithmetic3A_59, %shift_left3A_60 : i32
    %multiple_of3A_62 = tpu.assume_multiple %shift_left3A_61, 128 : i32
    %dma_start3A_63 = arith.constant 3 : i32
    %dma_start3A_64 = arith.constant 0 : i32
    %dma_start3A_65 = arith.constant 0 : i32
    %dma_start3A_66 = tpu.memref_slice %arg6[%dma_start3A_63, %dma_start3A_64, %dma_start3A_65] : memref<16x16x128xf32, #tpu.memory_space<vmem>> -> memref<1x16x128xf32, #tpu.memory_space<vmem>>
    %dma_start3A_67 = tpu.memref_squeeze %dma_start3A_66 : memref<1x16x128xf32, #tpu.memory_space<vmem>> -> memref<16x128xf32, #tpu.memory_space<vmem>>
    %dma_start3A_68 = tpu.memref_slice %arg3[%multiple_of3A, %multiple_of3A_62] : memref<32x1000000xf32, #tpu.memory_space<hbm>> -> memref<16x128xf32, #tpu.memory_space<hbm>>
    %dma_start3A_69 = arith.constant 0 : i32
    %dma_start3A_70 = arith.constant 0 : i32
    %dma_start3A_71 = tpu.memref_slice %arg6[%dma_start3A_63, %dma_start3A_69, %dma_start3A_70] : memref<16x16x128xf32, #tpu.memory_space<vmem>> -> memref<1x16x128xf32, #tpu.memory_space<vmem>>
    %dma_start3A_72 = tpu.memref_squeeze %dma_start3A_71 : memref<1x16x128xf32, #tpu.memory_space<vmem>> -> memref<16x128xf32, #tpu.memory_space<vmem>>
    %dma_start3A_73 = tpu.memref_slice %arg3[%multiple_of3A, %multiple_of3A_62] : memref<32x1000000xf32, #tpu.memory_space<hbm>> -> memref<16x128xf32, #tpu.memory_space<hbm>>
    tpu.enqueue_dma source(%dma_start3A_73 : memref<16x128xf32, #tpu.memory_space<hbm>>) target(%dma_start3A_72 : memref<16x128xf32, #tpu.memory_space<vmem>>) target_semaphore(%arg9 : memref<!tpu.dma_semaphore, #tpu.memory_space<semaphore_mem>>)
    %slice3A_74 = vector.extract_strided_slice %get3A_5 {offsets = [4], sizes = [1], strides = [1]} : vector<16xi32> to vector<1xi32>
    %squeeze3A_75 = vector.extract %slice3A_74[0] : i32 from vector<1xi32>
    %shift_right_arithmetic3A_76 = arith.constant 7 : i32
    %shift_right_arithmetic3A_77 = arith.shrsi %squeeze3A_75, %shift_right_arithmetic3A_76 : i32
    %shift_left3A_78 = arith.constant 7 : i32
    %shift_left3A_79 = arith.shli %shift_right_arithmetic3A_77, %shift_left3A_78 : i32
    %multiple_of3A_80 = tpu.assume_multiple %shift_left3A_79, 128 : i32
    %dma_start3A_81 = arith.constant 4 : i32
    %dma_start3A_82 = arith.constant 0 : i32
    %dma_start3A_83 = arith.constant 0 : i32
    %dma_start3A_84 = tpu.memref_slice %arg6[%dma_start3A_81, %dma_start3A_82, %dma_start3A_83] : memref<16x16x128xf32, #tpu.memory_space<vmem>> -> memref<1x16x128xf32, #tpu.memory_space<vmem>>
    %dma_start3A_85 = tpu.memref_squeeze %dma_start3A_84 : memref<1x16x128xf32, #tpu.memory_space<vmem>> -> memref<16x128xf32, #tpu.memory_space<vmem>>
    %dma_start3A_86 = tpu.memref_slice %arg3[%multiple_of3A, %multiple_of3A_80] : memref<32x1000000xf32, #tpu.memory_space<hbm>> -> memref<16x128xf32, #tpu.memory_space<hbm>>
    %dma_start3A_87 = arith.constant 0 : i32
    %dma_start3A_88 = arith.constant 0 : i32
    %dma_start3A_89 = tpu.memref_slice %arg6[%dma_start3A_81, %dma_start3A_87, %dma_start3A_88] : memref<16x16x128xf32, #tpu.memory_space<vmem>> -> memref<1x16x128xf32, #tpu.memory_space<vmem>>
    %dma_start3A_90 = tpu.memref_squeeze %dma_start3A_89 : memref<1x16x128xf32, #tpu.memory_space<vmem>> -> memref<16x128xf32, #tpu.memory_space<vmem>>
    %dma_start3A_91 = tpu.memref_slice %arg3[%multiple_of3A, %multiple_of3A_80] : memref<32x1000000xf32, #tpu.memory_space<hbm>> -> memref<16x128xf32, #tpu.memory_space<hbm>>
    tpu.enqueue_dma source(%dma_start3A_91 : memref<16x128xf32, #tpu.memory_space<hbm>>) target(%dma_start3A_90 : memref<16x128xf32, #tpu.memory_space<vmem>>) target_semaphore(%arg9 : memref<!tpu.dma_semaphore, #tpu.memory_space<semaphore_mem>>)
    %slice3A_92 = vector.extract_strided_slice %get3A_5 {offsets = [5], sizes = [1], strides = [1]} : vector<16xi32> to vector<1xi32>
    %squeeze3A_93 = vector.extract %slice3A_92[0] : i32 from vector<1xi32>
    %shift_right_arithmetic3A_94 = arith.constant 7 : i32
    %shift_right_arithmetic3A_95 = arith.shrsi %squeeze3A_93, %shift_right_arithmetic3A_94 : i32
    %shift_left3A_96 = arith.constant 7 : i32
    %shift_left3A_97 = arith.shli %shift_right_arithmetic3A_95, %shift_left3A_96 : i32
    %multiple_of3A_98 = tpu.assume_multiple %shift_left3A_97, 128 : i32
    %dma_start3A_99 = arith.constant 5 : i32
    %dma_start3A_100 = arith.constant 0 : i32
    %dma_start3A_101 = arith.constant 0 : i32
    %dma_start3A_102 = tpu.memref_slice %arg6[%dma_start3A_99, %dma_start3A_100, %dma_start3A_101] : memref<16x16x128xf32, #tpu.memory_space<vmem>> -> memref<1x16x128xf32, #tpu.memory_space<vmem>>
    %dma_start3A_103 = tpu.memref_squeeze %dma_start3A_102 : memref<1x16x128xf32, #tpu.memory_space<vmem>> -> memref<16x128xf32, #tpu.memory_space<vmem>>
    %dma_start3A_104 = tpu.memref_slice %arg3[%multiple_of3A, %multiple_of3A_98] : memref<32x1000000xf32, #tpu.memory_space<hbm>> -> memref<16x128xf32, #tpu.memory_space<hbm>>
    %dma_start3A_105 = arith.constant 0 : i32
    %dma_start3A_106 = arith.constant 0 : i32
    %dma_start3A_107 = tpu.memref_slice %arg6[%dma_start3A_99, %dma_start3A_105, %dma_start3A_106] : memref<16x16x128xf32, #tpu.memory_space<vmem>> -> memref<1x16x128xf32, #tpu.memory_space<vmem>>
    %dma_start3A_108 = tpu.memref_squeeze %dma_start3A_107 : memref<1x16x128xf32, #tpu.memory_space<vmem>> -> memref<16x128xf32, #tpu.memory_space<vmem>>
    %dma_start3A_109 = tpu.memref_slice %arg3[%multiple_of3A, %multiple_of3A_98] : memref<32x1000000xf32, #tpu.memory_space<hbm>> -> memref<16x128xf32, #tpu.memory_space<hbm>>
    tpu.enqueue_dma source(%dma_start3A_109 : memref<16x128xf32, #tpu.memory_space<hbm>>) target(%dma_start3A_108 : memref<16x128xf32, #tpu.memory_space<vmem>>) target_semaphore(%arg9 : memref<!tpu.dma_semaphore, #tpu.memory_space<semaphore_mem>>)
    %slice3A_110 = vector.extract_strided_slice %get3A_5 {offsets = [6], sizes = [1], strides = [1]} : vector<16xi32> to vector<1xi32>
    %squeeze3A_111 = vector.extract %slice3A_110[0] : i32 from vector<1xi32>
    %shift_right_arithmetic3A_112 = arith.constant 7 : i32
    %shift_right_arithmetic3A_113 = arith.shrsi %squeeze3A_111, %shift_right_arithmetic3A_112 : i32
    %shift_left3A_114 = arith.constant 7 : i32
    %shift_left3A_115 = arith.shli %shift_right_arithmetic3A_113, %shift_left3A_114 : i32
    %multiple_of3A_116 = tpu.assume_multiple %shift_left3A_115, 128 : i32
    %dma_start3A_117 = arith.constant 6 : i32
    %dma_start3A_118 = arith.constant 0 : i32
    %dma_start3A_119 = arith.constant 0 : i32
    %dma_start3A_120 = tpu.memref_slice %arg6[%dma_start3A_117, %dma_start3A_118, %dma_start3A_119] : memref<16x16x128xf32, #tpu.memory_space<vmem>> -> memref<1x16x128xf32, #tpu.memory_space<vmem>>
    %dma_start3A_121 = tpu.memref_squeeze %dma_start3A_120 : memref<1x16x128xf32, #tpu.memory_space<vmem>> -> memref<16x128xf32, #tpu.memory_space<vmem>>
    %dma_start3A_122 = tpu.memref_slice %arg3[%multiple_of3A, %multiple_of3A_116] : memref<32x1000000xf32, #tpu.memory_space<hbm>> -> memref<16x128xf32, #tpu.memory_space<hbm>>
    %dma_start3A_123 = arith.constant 0 : i32
    %dma_start3A_124 = arith.constant 0 : i32
    %dma_start3A_125 = tpu.memref_slice %arg6[%dma_start3A_117, %dma_start3A_123, %dma_start3A_124] : memref<16x16x128xf32, #tpu.memory_space<vmem>> -> memref<1x16x128xf32, #tpu.memory_space<vmem>>
    %dma_start3A_126 = tpu.memref_squeeze %dma_start3A_125 : memref<1x16x128xf32, #tpu.memory_space<vmem>> -> memref<16x128xf32, #tpu.memory_space<vmem>>
    %dma_start3A_127 = tpu.memref_slice %arg3[%multiple_of3A, %multiple_of3A_116] : memref<32x1000000xf32, #tpu.memory_space<hbm>> -> memref<16x128xf32, #tpu.memory_space<hbm>>
    tpu.enqueue_dma source(%dma_start3A_127 : memref<16x128xf32, #tpu.memory_space<hbm>>) target(%dma_start3A_126 : memref<16x128xf32, #tpu.memory_space<vmem>>) target_semaphore(%arg9 : memref<!tpu.dma_semaphore, #tpu.memory_space<semaphore_mem>>)
    %slice3A_128 = vector.extract_strided_slice %get3A_5 {offsets = [7], sizes = [1], strides = [1]} : vector<16xi32> to vector<1xi32>
    %squeeze3A_129 = vector.extract %slice3A_128[0] : i32 from vector<1xi32>
    %shift_right_arithmetic3A_130 = arith.constant 7 : i32
    %shift_right_arithmetic3A_131 = arith.shrsi %squeeze3A_129, %shift_right_arithmetic3A_130 : i32
    %shift_left3A_132 = arith.constant 7 : i32
    %shift_left3A_133 = arith.shli %shift_right_arithmetic3A_131, %shift_left3A_132 : i32
    %multiple_of3A_134 = tpu.assume_multiple %shift_left3A_133, 128 : i32
    %dma_start3A_135 = arith.constant 7 : i32
    %dma_start3A_136 = arith.constant 0 : i32
    %dma_start3A_137 = arith.constant 0 : i32
    %dma_start3A_138 = tpu.memref_slice %arg6[%dma_start3A_135, %dma_start3A_136, %dma_start3A_137] : memref<16x16x128xf32, #tpu.memory_space<vmem>> -> memref<1x16x128xf32, #tpu.memory_space<vmem>>
    %dma_start3A_139 = tpu.memref_squeeze %dma_start3A_138 : memref<1x16x128xf32, #tpu.memory_space<vmem>> -> memref<16x128xf32, #tpu.memory_space<vmem>>
    %dma_start3A_140 = tpu.memref_slice %arg3[%multiple_of3A, %multiple_of3A_134] : memref<32x1000000xf32, #tpu.memory_space<hbm>> -> memref<16x128xf32, #tpu.memory_space<hbm>>
    %dma_start3A_141 = arith.constant 0 : i32
    %dma_start3A_142 = arith.constant 0 : i32
    %dma_start3A_143 = tpu.memref_slice %arg6[%dma_start3A_135, %dma_start3A_141, %dma_start3A_142] : memref<16x16x128xf32, #tpu.memory_space<vmem>> -> memref<1x16x128xf32, #tpu.memory_space<vmem>>
    %dma_start3A_144 = tpu.memref_squeeze %dma_start3A_143 : memref<1x16x128xf32, #tpu.memory_space<vmem>> -> memref<16x128xf32, #tpu.memory_space<vmem>>
    %dma_start3A_145 = tpu.memref_slice %arg3[%multiple_of3A, %multiple_of3A_134] : memref<32x1000000xf32, #tpu.memory_space<hbm>> -> memref<16x128xf32, #tpu.memory_space<hbm>>
    tpu.enqueue_dma source(%dma_start3A_145 : memref<16x128xf32, #tpu.memory_space<hbm>>) target(%dma_start3A_144 : memref<16x128xf32, #tpu.memory_space<vmem>>) target_semaphore(%arg9 : memref<!tpu.dma_semaphore, #tpu.memory_space<semaphore_mem>>)
    %slice3A_146 = vector.extract_strided_slice %get3A_5 {offsets = [8], sizes = [1], strides = [1]} : vector<16xi32> to vector<1xi32>
    %squeeze3A_147 = vector.extract %slice3A_146[0] : i32 from vector<1xi32>
    %shift_right_arithmetic3A_148 = arith.constant 7 : i32
    %shift_right_arithmetic3A_149 = arith.shrsi %squeeze3A_147, %shift_right_arithmetic3A_148 : i32
    %shift_left3A_150 = arith.constant 7 : i32
    %shift_left3A_151 = arith.shli %shift_right_arithmetic3A_149, %shift_left3A_150 : i32
    %multiple_of3A_152 = tpu.assume_multiple %shift_left3A_151, 128 : i32
    %dma_start3A_153 = arith.constant 8 : i32
    %dma_start3A_154 = arith.constant 0 : i32
    %dma_start3A_155 = arith.constant 0 : i32
    %dma_start3A_156 = tpu.memref_slice %arg6[%dma_start3A_153, %dma_start3A_154, %dma_start3A_155] : memref<16x16x128xf32, #tpu.memory_space<vmem>> -> memref<1x16x128xf32, #tpu.memory_space<vmem>>
    %dma_start3A_157 = tpu.memref_squeeze %dma_start3A_156 : memref<1x16x128xf32, #tpu.memory_space<vmem>> -> memref<16x128xf32, #tpu.memory_space<vmem>>
    %dma_start3A_158 = tpu.memref_slice %arg3[%multiple_of3A, %multiple_of3A_152] : memref<32x1000000xf32, #tpu.memory_space<hbm>> -> memref<16x128xf32, #tpu.memory_space<hbm>>
    %dma_start3A_159 = arith.constant 0 : i32
    %dma_start3A_160 = arith.constant 0 : i32
    %dma_start3A_161 = tpu.memref_slice %arg6[%dma_start3A_153, %dma_start3A_159, %dma_start3A_160] : memref<16x16x128xf32, #tpu.memory_space<vmem>> -> memref<1x16x128xf32, #tpu.memory_space<vmem>>
    %dma_start3A_162 = tpu.memref_squeeze %dma_start3A_161 : memref<1x16x128xf32, #tpu.memory_space<vmem>> -> memref<16x128xf32, #tpu.memory_space<vmem>>
    %dma_start3A_163 = tpu.memref_slice %arg3[%multiple_of3A, %multiple_of3A_152] : memref<32x1000000xf32, #tpu.memory_space<hbm>> -> memref<16x128xf32, #tpu.memory_space<hbm>>
    tpu.enqueue_dma source(%dma_start3A_163 : memref<16x128xf32, #tpu.memory_space<hbm>>) target(%dma_start3A_162 : memref<16x128xf32, #tpu.memory_space<vmem>>) target_semaphore(%arg9 : memref<!tpu.dma_semaphore, #tpu.memory_space<semaphore_mem>>)
    %slice3A_164 = vector.extract_strided_slice %get3A_5 {offsets = [9], sizes = [1], strides = [1]} : vector<16xi32> to vector<1xi32>
    %squeeze3A_165 = vector.extract %slice3A_164[0] : i32 from vector<1xi32>
    %shift_right_arithmetic3A_166 = arith.constant 7 : i32
    %shift_right_arithmetic3A_167 = arith.shrsi %squeeze3A_165, %shift_right_arithmetic3A_166 : i32
    %shift_left3A_168 = arith.constant 7 : i32
    %shift_left3A_169 = arith.shli %shift_right_arithmetic3A_167, %shift_left3A_168 : i32
    %multiple_of3A_170 = tpu.assume_multiple %shift_left3A_169, 128 : i32
    %dma_start3A_171 = arith.constant 9 : i32
    %dma_start3A_172 = arith.constant 0 : i32
    %dma_start3A_173 = arith.constant 0 : i32
    %dma_start3A_174 = tpu.memref_slice %arg6[%dma_start3A_171, %dma_start3A_172, %dma_start3A_173] : memref<16x16x128xf32, #tpu.memory_space<vmem>> -> memref<1x16x128xf32, #tpu.memory_space<vmem>>
    %dma_start3A_175 = tpu.memref_squeeze %dma_start3A_174 : memref<1x16x128xf32, #tpu.memory_space<vmem>> -> memref<16x128xf32, #tpu.memory_space<vmem>>
    %dma_start3A_176 = tpu.memref_slice %arg3[%multiple_of3A, %multiple_of3A_170] : memref<32x1000000xf32, #tpu.memory_space<hbm>> -> memref<16x128xf32, #tpu.memory_space<hbm>>
    %dma_start3A_177 = arith.constant 0 : i32
    %dma_start3A_178 = arith.constant 0 : i32
    %dma_start3A_179 = tpu.memref_slice %arg6[%dma_start3A_171, %dma_start3A_177, %dma_start3A_178] : memref<16x16x128xf32, #tpu.memory_space<vmem>> -> memref<1x16x128xf32, #tpu.memory_space<vmem>>
    %dma_start3A_180 = tpu.memref_squeeze %dma_start3A_179 : memref<1x16x128xf32, #tpu.memory_space<vmem>> -> memref<16x128xf32, #tpu.memory_space<vmem>>
    %dma_start3A_181 = tpu.memref_slice %arg3[%multiple_of3A, %multiple_of3A_170] : memref<32x1000000xf32, #tpu.memory_space<hbm>> -> memref<16x128xf32, #tpu.memory_space<hbm>>
    tpu.enqueue_dma source(%dma_start3A_181 : memref<16x128xf32, #tpu.memory_space<hbm>>) target(%dma_start3A_180 : memref<16x128xf32, #tpu.memory_space<vmem>>) target_semaphore(%arg9 : memref<!tpu.dma_semaphore, #tpu.memory_space<semaphore_mem>>)
    %slice3A_182 = vector.extract_strided_slice %get3A_5 {offsets = [10], sizes = [1], strides = [1]} : vector<16xi32> to vector<1xi32>
    %squeeze3A_183 = vector.extract %slice3A_182[0] : i32 from vector<1xi32>
    %shift_right_arithmetic3A_184 = arith.constant 7 : i32
    %shift_right_arithmetic3A_185 = arith.shrsi %squeeze3A_183, %shift_right_arithmetic3A_184 : i32
    %shift_left3A_186 = arith.constant 7 : i32
    %shift_left3A_187 = arith.shli %shift_right_arithmetic3A_185, %shift_left3A_186 : i32
    %multiple_of3A_188 = tpu.assume_multiple %shift_left3A_187, 128 : i32
    %dma_start3A_189 = arith.constant 10 : i32
    %dma_start3A_190 = arith.constant 0 : i32
    %dma_start3A_191 = arith.constant 0 : i32
    %dma_start3A_192 = tpu.memref_slice %arg6[%dma_start3A_189, %dma_start3A_190, %dma_start3A_191] : memref<16x16x128xf32, #tpu.memory_space<vmem>> -> memref<1x16x128xf32, #tpu.memory_space<vmem>>
    %dma_start3A_193 = tpu.memref_squeeze %dma_start3A_192 : memref<1x16x128xf32, #tpu.memory_space<vmem>> -> memref<16x128xf32, #tpu.memory_space<vmem>>
    %dma_start3A_194 = tpu.memref_slice %arg3[%multiple_of3A, %multiple_of3A_188] : memref<32x1000000xf32, #tpu.memory_space<hbm>> -> memref<16x128xf32, #tpu.memory_space<hbm>>
    %dma_start3A_195 = arith.constant 0 : i32
    %dma_start3A_196 = arith.constant 0 : i32
    %dma_start3A_197 = tpu.memref_slice %arg6[%dma_start3A_189, %dma_start3A_195, %dma_start3A_196] : memref<16x16x128xf32, #tpu.memory_space<vmem>> -> memref<1x16x128xf32, #tpu.memory_space<vmem>>
    %dma_start3A_198 = tpu.memref_squeeze %dma_start3A_197 : memref<1x16x128xf32, #tpu.memory_space<vmem>> -> memref<16x128xf32, #tpu.memory_space<vmem>>
    %dma_start3A_199 = tpu.memref_slice %arg3[%multiple_of3A, %multiple_of3A_188] : memref<32x1000000xf32, #tpu.memory_space<hbm>> -> memref<16x128xf32, #tpu.memory_space<hbm>>
    tpu.enqueue_dma source(%dma_start3A_199 : memref<16x128xf32, #tpu.memory_space<hbm>>) target(%dma_start3A_198 : memref<16x128xf32, #tpu.memory_space<vmem>>) target_semaphore(%arg9 : memref<!tpu.dma_semaphore, #tpu.memory_space<semaphore_mem>>)
    %slice3A_200 = vector.extract_strided_slice %get3A_5 {offsets = [11], sizes = [1], strides = [1]} : vector<16xi32> to vector<1xi32>
    %squeeze3A_201 = vector.extract %slice3A_200[0] : i32 from vector<1xi32>
    %shift_right_arithmetic3A_202 = arith.constant 7 : i32
    %shift_right_arithmetic3A_203 = arith.shrsi %squeeze3A_201, %shift_right_arithmetic3A_202 : i32
    %shift_left3A_204 = arith.constant 7 : i32
    %shift_left3A_205 = arith.shli %shift_right_arithmetic3A_203, %shift_left3A_204 : i32
    %multiple_of3A_206 = tpu.assume_multiple %shift_left3A_205, 128 : i32
    %dma_start3A_207 = arith.constant 11 : i32
    %dma_start3A_208 = arith.constant 0 : i32
    %dma_start3A_209 = arith.constant 0 : i32
    %dma_start3A_210 = tpu.memref_slice %arg6[%dma_start3A_207, %dma_start3A_208, %dma_start3A_209] : memref<16x16x128xf32, #tpu.memory_space<vmem>> -> memref<1x16x128xf32, #tpu.memory_space<vmem>>
    %dma_start3A_211 = tpu.memref_squeeze %dma_start3A_210 : memref<1x16x128xf32, #tpu.memory_space<vmem>> -> memref<16x128xf32, #tpu.memory_space<vmem>>
    %dma_start3A_212 = tpu.memref_slice %arg3[%multiple_of3A, %multiple_of3A_206] : memref<32x1000000xf32, #tpu.memory_space<hbm>> -> memref<16x128xf32, #tpu.memory_space<hbm>>
    %dma_start3A_213 = arith.constant 0 : i32
    %dma_start3A_214 = arith.constant 0 : i32
    %dma_start3A_215 = tpu.memref_slice %arg6[%dma_start3A_207, %dma_start3A_213, %dma_start3A_214] : memref<16x16x128xf32, #tpu.memory_space<vmem>> -> memref<1x16x128xf32, #tpu.memory_space<vmem>>
    %dma_start3A_216 = tpu.memref_squeeze %dma_start3A_215 : memref<1x16x128xf32, #tpu.memory_space<vmem>> -> memref<16x128xf32, #tpu.memory_space<vmem>>
    %dma_start3A_217 = tpu.memref_slice %arg3[%multiple_of3A, %multiple_of3A_206] : memref<32x1000000xf32, #tpu.memory_space<hbm>> -> memref<16x128xf32, #tpu.memory_space<hbm>>
    tpu.enqueue_dma source(%dma_start3A_217 : memref<16x128xf32, #tpu.memory_space<hbm>>) target(%dma_start3A_216 : memref<16x128xf32, #tpu.memory_space<vmem>>) target_semaphore(%arg9 : memref<!tpu.dma_semaphore, #tpu.memory_space<semaphore_mem>>)
    %slice3A_218 = vector.extract_strided_slice %get3A_5 {offsets = [12], sizes = [1], strides = [1]} : vector<16xi32> to vector<1xi32>
    %squeeze3A_219 = vector.extract %slice3A_218[0] : i32 from vector<1xi32>
    %shift_right_arithmetic3A_220 = arith.constant 7 : i32
    %shift_right_arithmetic3A_221 = arith.shrsi %squeeze3A_219, %shift_right_arithmetic3A_220 : i32
    %shift_left3A_222 = arith.constant 7 : i32
    %shift_left3A_223 = arith.shli %shift_right_arithmetic3A_221, %shift_left3A_222 : i32
    %multiple_of3A_224 = tpu.assume_multiple %shift_left3A_223, 128 : i32
    %dma_start3A_225 = arith.constant 12 : i32
    %dma_start3A_226 = arith.constant 0 : i32
    %dma_start3A_227 = arith.constant 0 : i32
    %dma_start3A_228 = tpu.memref_slice %arg6[%dma_start3A_225, %dma_start3A_226, %dma_start3A_227] : memref<16x16x128xf32, #tpu.memory_space<vmem>> -> memref<1x16x128xf32, #tpu.memory_space<vmem>>
    %dma_start3A_229 = tpu.memref_squeeze %dma_start3A_228 : memref<1x16x128xf32, #tpu.memory_space<vmem>> -> memref<16x128xf32, #tpu.memory_space<vmem>>
    %dma_start3A_230 = tpu.memref_slice %arg3[%multiple_of3A, %multiple_of3A_224] : memref<32x1000000xf32, #tpu.memory_space<hbm>> -> memref<16x128xf32, #tpu.memory_space<hbm>>
    %dma_start3A_231 = arith.constant 0 : i32
    %dma_start3A_232 = arith.constant 0 : i32
    %dma_start3A_233 = tpu.memref_slice %arg6[%dma_start3A_225, %dma_start3A_231, %dma_start3A_232] : memref<16x16x128xf32, #tpu.memory_space<vmem>> -> memref<1x16x128xf32, #tpu.memory_space<vmem>>
    %dma_start3A_234 = tpu.memref_squeeze %dma_start3A_233 : memref<1x16x128xf32, #tpu.memory_space<vmem>> -> memref<16x128xf32, #tpu.memory_space<vmem>>
    %dma_start3A_235 = tpu.memref_slice %arg3[%multiple_of3A, %multiple_of3A_224] : memref<32x1000000xf32, #tpu.memory_space<hbm>> -> memref<16x128xf32, #tpu.memory_space<hbm>>
    tpu.enqueue_dma source(%dma_start3A_235 : memref<16x128xf32, #tpu.memory_space<hbm>>) target(%dma_start3A_234 : memref<16x128xf32, #tpu.memory_space<vmem>>) target_semaphore(%arg9 : memref<!tpu.dma_semaphore, #tpu.memory_space<semaphore_mem>>)
    %slice3A_236 = vector.extract_strided_slice %get3A_5 {offsets = [13], sizes = [1], strides = [1]} : vector<16xi32> to vector<1xi32>
    %squeeze3A_237 = vector.extract %slice3A_236[0] : i32 from vector<1xi32>
    %shift_right_arithmetic3A_238 = arith.constant 7 : i32
    %shift_right_arithmetic3A_239 = arith.shrsi %squeeze3A_237, %shift_right_arithmetic3A_238 : i32
    %shift_left3A_240 = arith.constant 7 : i32
    %shift_left3A_241 = arith.shli %shift_right_arithmetic3A_239, %shift_left3A_240 : i32
    %multiple_of3A_242 = tpu.assume_multiple %shift_left3A_241, 128 : i32
    %dma_start3A_243 = arith.constant 13 : i32
    %dma_start3A_244 = arith.constant 0 : i32
    %dma_start3A_245 = arith.constant 0 : i32
    %dma_start3A_246 = tpu.memref_slice %arg6[%dma_start3A_243, %dma_start3A_244, %dma_start3A_245] : memref<16x16x128xf32, #tpu.memory_space<vmem>> -> memref<1x16x128xf32, #tpu.memory_space<vmem>>
    %dma_start3A_247 = tpu.memref_squeeze %dma_start3A_246 : memref<1x16x128xf32, #tpu.memory_space<vmem>> -> memref<16x128xf32, #tpu.memory_space<vmem>>
    %dma_start3A_248 = tpu.memref_slice %arg3[%multiple_of3A, %multiple_of3A_242] : memref<32x1000000xf32, #tpu.memory_space<hbm>> -> memref<16x128xf32, #tpu.memory_space<hbm>>
    %dma_start3A_249 = arith.constant 0 : i32
    %dma_start3A_250 = arith.constant 0 : i32
    %dma_start3A_251 = tpu.memref_slice %arg6[%dma_start3A_243, %dma_start3A_249, %dma_start3A_250] : memref<16x16x128xf32, #tpu.memory_space<vmem>> -> memref<1x16x128xf32, #tpu.memory_space<vmem>>
    %dma_start3A_252 = tpu.memref_squeeze %dma_start3A_251 : memref<1x16x128xf32, #tpu.memory_space<vmem>> -> memref<16x128xf32, #tpu.memory_space<vmem>>
    %dma_start3A_253 = tpu.memref_slice %arg3[%multiple_of3A, %multiple_of3A_242] : memref<32x1000000xf32, #tpu.memory_space<hbm>> -> memref<16x128xf32, #tpu.memory_space<hbm>>
    tpu.enqueue_dma source(%dma_start3A_253 : memref<16x128xf32, #tpu.memory_space<hbm>>) target(%dma_start3A_252 : memref<16x128xf32, #tpu.memory_space<vmem>>) target_semaphore(%arg9 : memref<!tpu.dma_semaphore, #tpu.memory_space<semaphore_mem>>)
    %slice3A_254 = vector.extract_strided_slice %get3A_5 {offsets = [14], sizes = [1], strides = [1]} : vector<16xi32> to vector<1xi32>
    %squeeze3A_255 = vector.extract %slice3A_254[0] : i32 from vector<1xi32>
    %shift_right_arithmetic3A_256 = arith.constant 7 : i32
    %shift_right_arithmetic3A_257 = arith.shrsi %squeeze3A_255, %shift_right_arithmetic3A_256 : i32
    %shift_left3A_258 = arith.constant 7 : i32
    %shift_left3A_259 = arith.shli %shift_right_arithmetic3A_257, %shift_left3A_258 : i32
    %multiple_of3A_260 = tpu.assume_multiple %shift_left3A_259, 128 : i32
    %dma_start3A_261 = arith.constant 14 : i32
    %dma_start3A_262 = arith.constant 0 : i32
    %dma_start3A_263 = arith.constant 0 : i32
    %dma_start3A_264 = tpu.memref_slice %arg6[%dma_start3A_261, %dma_start3A_262, %dma_start3A_263] : memref<16x16x128xf32, #tpu.memory_space<vmem>> -> memref<1x16x128xf32, #tpu.memory_space<vmem>>
    %dma_start3A_265 = tpu.memref_squeeze %dma_start3A_264 : memref<1x16x128xf32, #tpu.memory_space<vmem>> -> memref<16x128xf32, #tpu.memory_space<vmem>>
    %dma_start3A_266 = tpu.memref_slice %arg3[%multiple_of3A, %multiple_of3A_260] : memref<32x1000000xf32, #tpu.memory_space<hbm>> -> memref<16x128xf32, #tpu.memory_space<hbm>>
    %dma_start3A_267 = arith.constant 0 : i32
    %dma_start3A_268 = arith.constant 0 : i32
    %dma_start3A_269 = tpu.memref_slice %arg6[%dma_start3A_261, %dma_start3A_267, %dma_start3A_268] : memref<16x16x128xf32, #tpu.memory_space<vmem>> -> memref<1x16x128xf32, #tpu.memory_space<vmem>>
    %dma_start3A_270 = tpu.memref_squeeze %dma_start3A_269 : memref<1x16x128xf32, #tpu.memory_space<vmem>> -> memref<16x128xf32, #tpu.memory_space<vmem>>
    %dma_start3A_271 = tpu.memref_slice %arg3[%multiple_of3A, %multiple_of3A_260] : memref<32x1000000xf32, #tpu.memory_space<hbm>> -> memref<16x128xf32, #tpu.memory_space<hbm>>
    tpu.enqueue_dma source(%dma_start3A_271 : memref<16x128xf32, #tpu.memory_space<hbm>>) target(%dma_start3A_270 : memref<16x128xf32, #tpu.memory_space<vmem>>) target_semaphore(%arg9 : memref<!tpu.dma_semaphore, #tpu.memory_space<semaphore_mem>>)
    %slice3A_272 = vector.extract_strided_slice %get3A_5 {offsets = [15], sizes = [1], strides = [1]} : vector<16xi32> to vector<1xi32>
    %squeeze3A_273 = vector.extract %slice3A_272[0] : i32 from vector<1xi32>
    %shift_right_arithmetic3A_274 = arith.constant 7 : i32
    %shift_right_arithmetic3A_275 = arith.shrsi %squeeze3A_273, %shift_right_arithmetic3A_274 : i32
    %shift_left3A_276 = arith.constant 7 : i32
    %shift_left3A_277 = arith.shli %shift_right_arithmetic3A_275, %shift_left3A_276 : i32
    %multiple_of3A_278 = tpu.assume_multiple %shift_left3A_277, 128 : i32
    %dma_start3A_279 = arith.constant 15 : i32
    %dma_start3A_280 = arith.constant 0 : i32
    %dma_start3A_281 = arith.constant 0 : i32
    %dma_start3A_282 = tpu.memref_slice %arg6[%dma_start3A_279, %dma_start3A_280, %dma_start3A_281] : memref<16x16x128xf32, #tpu.memory_space<vmem>> -> memref<1x16x128xf32, #tpu.memory_space<vmem>>
    %dma_start3A_283 = tpu.memref_squeeze %dma_start3A_282 : memref<1x16x128xf32, #tpu.memory_space<vmem>> -> memref<16x128xf32, #tpu.memory_space<vmem>>
    %dma_start3A_284 = tpu.memref_slice %arg3[%multiple_of3A, %multiple_of3A_278] : memref<32x1000000xf32, #tpu.memory_space<hbm>> -> memref<16x128xf32, #tpu.memory_space<hbm>>
    %dma_start3A_285 = arith.constant 0 : i32
    %dma_start3A_286 = arith.constant 0 : i32
    %dma_start3A_287 = tpu.memref_slice %arg6[%dma_start3A_279, %dma_start3A_285, %dma_start3A_286] : memref<16x16x128xf32, #tpu.memory_space<vmem>> -> memref<1x16x128xf32, #tpu.memory_space<vmem>>
    %dma_start3A_288 = tpu.memref_squeeze %dma_start3A_287 : memref<1x16x128xf32, #tpu.memory_space<vmem>> -> memref<16x128xf32, #tpu.memory_space<vmem>>
    %dma_start3A_289 = tpu.memref_slice %arg3[%multiple_of3A, %multiple_of3A_278] : memref<32x1000000xf32, #tpu.memory_space<hbm>> -> memref<16x128xf32, #tpu.memory_space<hbm>>
    tpu.enqueue_dma source(%dma_start3A_289 : memref<16x128xf32, #tpu.memory_space<hbm>>) target(%dma_start3A_288 : memref<16x128xf32, #tpu.memory_space<vmem>>) target_semaphore(%arg9 : memref<!tpu.dma_semaphore, #tpu.memory_space<semaphore_mem>>)
    %get3A_290 = arith.constant 16 : index
    %get3A_291 = tpu.vector_load %arg5[%get3A_290] {strides = array<i32>} : memref<1024xi32, #tpu.memory_space<vmem>>, vector<16xi32>,
    %slice3A_292 = vector.extract_strided_slice %get3A_291 {offsets = [0], sizes = [1], strides = [1]} : vector<16xi32> to vector<1xi32>
    %squeeze3A_293 = vector.extract %slice3A_292[0] : i32 from vector<1xi32>
    %shift_right_arithmetic3A_294 = arith.constant 7 : i32
    %shift_right_arithmetic3A_295 = arith.shrsi %squeeze3A_293, %shift_right_arithmetic3A_294 : i32
    %shift_left3A_296 = arith.constant 7 : i32
    %shift_left3A_297 = arith.shli %shift_right_arithmetic3A_295, %shift_left3A_296 : i32
    %multiple_of3A_298 = tpu.assume_multiple %shift_left3A_297, 128 : i32
    %dma_start3A_299 = arith.constant 0 : i32
    %dma_start3A_300 = arith.constant 0 : i32
    %dma_start3A_301 = arith.constant 0 : i32
    %dma_start3A_302 = tpu.memref_slice %arg7[%dma_start3A_299, %dma_start3A_300, %dma_start3A_301] : memref<16x16x128xf32, #tpu.memory_space<vmem>> -> memref<1x16x128xf32, #tpu.memory_space<vmem>>
    %dma_start3A_303 = tpu.memref_squeeze %dma_start3A_302 : memref<1x16x128xf32, #tpu.memory_space<vmem>> -> memref<16x128xf32, #tpu.memory_space<vmem>>
    %dma_start3A_304 = tpu.memref_slice %arg3[%multiple_of3A, %multiple_of3A_298] : memref<32x1000000xf32, #tpu.memory_space<hbm>> -> memref<16x128xf32, #tpu.memory_space<hbm>>
    %dma_start3A_305 = arith.constant 0 : i32
    %dma_start3A_306 = arith.constant 0 : i32
    %dma_start3A_307 = tpu.memref_slice %arg7[%dma_start3A_299, %dma_start3A_305, %dma_start3A_306] : memref<16x16x128xf32, #tpu.memory_space<vmem>> -> memref<1x16x128xf32, #tpu.memory_space<vmem>>
    %dma_start3A_308 = tpu.memref_squeeze %dma_start3A_307 : memref<1x16x128xf32, #tpu.memory_space<vmem>> -> memref<16x128xf32, #tpu.memory_space<vmem>>
    %dma_start3A_309 = tpu.memref_slice %arg3[%multiple_of3A, %multiple_of3A_298] : memref<32x1000000xf32, #tpu.memory_space<hbm>> -> memref<16x128xf32, #tpu.memory_space<hbm>>
    tpu.enqueue_dma source(%dma_start3A_309 : memref<16x128xf32, #tpu.memory_space<hbm>>) target(%dma_start3A_308 : memref<16x128xf32, #tpu.memory_space<vmem>>) target_semaphore(%arg10 : memref<!tpu.dma_semaphore, #tpu.memory_space<semaphore_mem>>)
    %slice3A_310 = vector.extract_strided_slice %get3A_291 {offsets = [1], sizes = [1], strides = [1]} : vector<16xi32> to vector<1xi32>
    %squeeze3A_311 = vector.extract %slice3A_310[0] : i32 from vector<1xi32>
    %shift_right_arithmetic3A_312 = arith.constant 7 : i32
    %shift_right_arithmetic3A_313 = arith.shrsi %squeeze3A_311, %shift_right_arithmetic3A_312 : i32
    %shift_left3A_314 = arith.constant 7 : i32
    %shift_left3A_315 = arith.shli %shift_right_arithmetic3A_313, %shift_left3A_314 : i32
    %multiple_of3A_316 = tpu.assume_multiple %shift_left3A_315, 128 : i32
    %dma_start3A_317 = arith.constant 1 : i32
    %dma_start3A_318 = arith.constant 0 : i32
    %dma_start3A_319 = arith.constant 0 : i32
    %dma_start3A_320 = tpu.memref_slice %arg7[%dma_start3A_317, %dma_start3A_318, %dma_start3A_319] : memref<16x16x128xf32, #tpu.memory_space<vmem>> -> memref<1x16x128xf32, #tpu.memory_space<vmem>>
    %dma_start3A_321 = tpu.memref_squeeze %dma_start3A_320 : memref<1x16x128xf32, #tpu.memory_space<vmem>> -> memref<16x128xf32, #tpu.memory_space<vmem>>
    %dma_start3A_322 = tpu.memref_slice %arg3[%multiple_of3A, %multiple_of3A_316] : memref<32x1000000xf32, #tpu.memory_space<hbm>> -> memref<16x128xf32, #tpu.memory_space<hbm>>
    %dma_start3A_323 = arith.constant 0 : i32
    %dma_start3A_324 = arith.constant 0 : i32
    %dma_start3A_325 = tpu.memref_slice %arg7[%dma_start3A_317, %dma_start3A_323, %dma_start3A_324] : memref<16x16x128xf32, #tpu.memory_space<vmem>> -> memref<1x16x128xf32, #tpu.memory_space<vmem>>
    %dma_start3A_326 = tpu.memref_squeeze %dma_start3A_325 : memref<1x16x128xf32, #tpu.memory_space<vmem>> -> memref<16x128xf32, #tpu.memory_space<vmem>>
    %dma_start3A_327 = tpu.memref_slice %arg3[%multiple_of3A, %multiple_of3A_316] : memref<32x1000000xf32, #tpu.memory_space<hbm>> -> memref<16x128xf32, #tpu.memory_space<hbm>>
    tpu.enqueue_dma source(%dma_start3A_327 : memref<16x128xf32, #tpu.memory_space<hbm>>) target(%dma_start3A_326 : memref<16x128xf32, #tpu.memory_space<vmem>>) target_semaphore(%arg10 : memref<!tpu.dma_semaphore, #tpu.memory_space<semaphore_mem>>)
    %slice3A_328 = vector.extract_strided_slice %get3A_291 {offsets = [2], sizes = [1], strides = [1]} : vector<16xi32> to vector<1xi32>
    %squeeze3A_329 = vector.extract %slice3A_328[0] : i32 from vector<1xi32>
    %shift_right_arithmetic3A_330 = arith.constant 7 : i32
    %shift_right_arithmetic3A_331 = arith.shrsi %squeeze3A_329, %shift_right_arithmetic3A_330 : i32
    %shift_left3A_332 = arith.constant 7 : i32
    %shift_left3A_333 = arith.shli %shift_right_arithmetic3A_331, %shift_left3A_332 : i32
    %multiple_of3A_334 = tpu.assume_multiple %shift_left3A_333, 128 : i32
    %dma_start3A_335 = arith.constant 2 : i32
    %dma_start3A_336 = arith.constant 0 : i32
    %dma_start3A_337 = arith.constant 0 : i32
    %dma_start3A_338 = tpu.memref_slice %arg7[%dma_start3A_335, %dma_start3A_336, %dma_start3A_337] : memref<16x16x128xf32, #tpu.memory_space<vmem>> -> memref<1x16x128xf32, #tpu.memory_space<vmem>>
    %dma_start3A_339 = tpu.memref_squeeze %dma_start3A_338 : memref<1x16x128xf32, #tpu.memory_space<vmem>> -> memref<16x128xf32, #tpu.memory_space<vmem>>
    %dma_start3A_340 = tpu.memref_slice %arg3[%multiple_of3A, %multiple_of3A_334] : memref<32x1000000xf32, #tpu.memory_space<hbm>> -> memref<16x128xf32, #tpu.memory_space<hbm>>
    %dma_start3A_341 = arith.constant 0 : i32
    %dma_start3A_342 = arith.constant 0 : i32
    %dma_start3A_343 = tpu.memref_slice %arg7[%dma_start3A_335, %dma_start3A_341, %dma_start3A_342] : memref<16x16x128xf32, #tpu.memory_space<vmem>> -> memref<1x16x128xf32, #tpu.memory_space<vmem>>
    %dma_start3A_344 = tpu.memref_squeeze %dma_start3A_343 : memref<1x16x128xf32, #tpu.memory_space<vmem>> -> memref<16x128xf32, #tpu.memory_space<vmem>>
    %dma_start3A_345 = tpu.memref_slice %arg3[%multiple_of3A, %multiple_of3A_334] : memref<32x1000000xf32, #tpu.memory_space<hbm>> -> memref<16x128xf32, #tpu.memory_space<hbm>>
    tpu.enqueue_dma source(%dma_start3A_345 : memref<16x128xf32, #tpu.memory_space<hbm>>) target(%dma_start3A_344 : memref<16x128xf32, #tpu.memory_space<vmem>>) target_semaphore(%arg10 : memref<!tpu.dma_semaphore, #tpu.memory_space<semaphore_mem>>)
    %slice3A_346 = vector.extract_strided_slice %get3A_291 {offsets = [3], sizes = [1], strides = [1]} : vector<16xi32> to vector<1xi32>
    %squeeze3A_347 = vector.extract %slice3A_346[0] : i32 from vector<1xi32>
    %shift_right_arithmetic3A_348 = arith.constant 7 : i32
    %shift_right_arithmetic3A_349 = arith.shrsi %squeeze3A_347, %shift_right_arithmetic3A_348 : i32
    %shift_left3A_350 = arith.constant 7 : i32
    %shift_left3A_351 = arith.shli %shift_right_arithmetic3A_349, %shift_left3A_350 : i32
    %multiple_of3A_352 = tpu.assume_multiple %shift_left3A_351, 128 : i32
    %dma_start3A_353 = arith.constant 3 : i32
    %dma_start3A_354 = arith.constant 0 : i32
    %dma_start3A_355 = arith.constant 0 : i32
    %dma_start3A_356 = tpu.memref_slice %arg7[%dma_start3A_353, %dma_start3A_354, %dma_start3A_355] : memref<16x16x128xf32, #tpu.memory_space<vmem>> -> memref<1x16x128xf32, #tpu.memory_space<vmem>>
    %dma_start3A_357 = tpu.memref_squeeze %dma_start3A_356 : memref<1x16x128xf32, #tpu.memory_space<vmem>> -> memref<16x128xf32, #tpu.memory_space<vmem>>
    %dma_start3A_358 = tpu.memref_slice %arg3[%multiple_of3A, %multiple_of3A_352] : memref<32x1000000xf32, #tpu.memory_space<hbm>> -> memref<16x128xf32, #tpu.memory_space<hbm>>
    %dma_start3A_359 = arith.constant 0 : i32
    %dma_start3A_360 = arith.constant 0 : i32
    %dma_start3A_361 = tpu.memref_slice %arg7[%dma_start3A_353, %dma_start3A_359, %dma_start3A_360] : memref<16x16x128xf32, #tpu.memory_space<vmem>> -> memref<1x16x128xf32, #tpu.memory_space<vmem>>
    %dma_start3A_362 = tpu.memref_squeeze %dma_start3A_361 : memref<1x16x128xf32, #tpu.memory_space<vmem>> -> memref<16x128xf32, #tpu.memory_space<vmem>>
    %dma_start3A_363 = tpu.memref_slice %arg3[%multiple_of3A, %multiple_of3A_352] : memref<32x1000000xf32, #tpu.memory_space<hbm>> -> memref<16x128xf32, #tpu.memory_space<hbm>>
    tpu.enqueue_dma source(%dma_start3A_363 : memref<16x128xf32, #tpu.memory_space<hbm>>) target(%dma_start3A_362 : memref<16x128xf32, #tpu.memory_space<vmem>>) target_semaphore(%arg10 : memref<!tpu.dma_semaphore, #tpu.memory_space<semaphore_mem>>)
    %slice3A_364 = vector.extract_strided_slice %get3A_291 {offsets = [4], sizes = [1], strides = [1]} : vector<16xi32> to vector<1xi32>
    %squeeze3A_365 = vector.extract %slice3A_364[0] : i32 from vector<1xi32>
    %shift_right_arithmetic3A_366 = arith.constant 7 : i32
    %shift_right_arithmetic3A_367 = arith.shrsi %squeeze3A_365, %shift_right_arithmetic3A_366 : i32
    %shift_left3A_368 = arith.constant 7 : i32
    %shift_left3A_369 = arith.shli %shift_right_arithmetic3A_367, %shift_left3A_368 : i32
    %multiple_of3A_370 = tpu.assume_multiple %shift_left3A_369, 128 : i32
    %dma_start3A_371 = arith.constant 4 : i32
    %dma_start3A_372 = arith.constant 0 : i32
    %dma_start3A_373 = arith.constant 0 : i32
    %dma_start3A_374 = tpu.memref_slice %arg7[%dma_start3A_371, %dma_start3A_372, %dma_start3A_373] : memref<16x16x128xf32, #tpu.memory_space<vmem>> -> memref<1x16x128xf32, #tpu.memory_space<vmem>>
    %dma_start3A_375 = tpu.memref_squeeze %dma_start3A_374 : memref<1x16x128xf32, #tpu.memory_space<vmem>> -> memref<16x128xf32, #tpu.memory_space<vmem>>
    %dma_start3A_376 = tpu.memref_slice %arg3[%multiple_of3A, %multiple_of3A_370] : memref<32x1000000xf32, #tpu.memory_space<hbm>> -> memref<16x128xf32, #tpu.memory_space<hbm>>
    %dma_start3A_377 = arith.constant 0 : i32
    %dma_start3A_378 = arith.constant 0 : i32
    %dma_start3A_379 = tpu.memref_slice %arg7[%dma_start3A_371, %dma_start3A_377, %dma_start3A_378] : memref<16x16x128xf32, #tpu.memory_space<vmem>> -> memref<1x16x128xf32, #tpu.memory_space<vmem>>
    %dma_start3A_380 = tpu.memref_squeeze %dma_start3A_379 : memref<1x16x128xf32, #tpu.memory_space<vmem>> -> memref<16x128xf32, #tpu.memory_space<vmem>>
    %dma_start3A_381 = tpu.memref_slice %arg3[%multiple_of3A, %multiple_of3A_370] : memref<32x1000000xf32, #tpu.memory_space<hbm>> -> memref<16x128xf32, #tpu.memory_space<hbm>>
    tpu.enqueue_dma source(%dma_start3A_381 : memref<16x128xf32, #tpu.memory_space<hbm>>) target(%dma_start3A_380 : memref<16x128xf32, #tpu.memory_space<vmem>>) target_semaphore(%arg10 : memref<!tpu.dma_semaphore, #tpu.memory_space<semaphore_mem>>)
    %slice3A_382 = vector.extract_strided_slice %get3A_291 {offsets = [5], sizes = [1], strides = [1]} : vector<16xi32> to vector<1xi32>
    %squeeze3A_383 = vector.extract %slice3A_382[0] : i32 from vector<1xi32>
    %shift_right_arithmetic3A_384 = arith.constant 7 : i32
    %shift_right_arithmetic3A_385 = arith.shrsi %squeeze3A_383, %shift_right_arithmetic3A_384 : i32
    %shift_left3A_386 = arith.constant 7 : i32
    %shift_left3A_387 = arith.shli %shift_right_arithmetic3A_385, %shift_left3A_386 : i32
    %multiple_of3A_388 = tpu.assume_multiple %shift_left3A_387, 128 : i32
    %dma_start3A_389 = arith.constant 5 : i32
    %dma_start3A_390 = arith.constant 0 : i32
    %dma_start3A_391 = arith.constant 0 : i32
    %dma_start3A_392 = tpu.memref_slice %arg7[%dma_start3A_389, %dma_start3A_390, %dma_start3A_391] : memref<16x16x128xf32, #tpu.memory_space<vmem>> -> memref<1x16x128xf32, #tpu.memory_space<vmem>>
    %dma_start3A_393 = tpu.memref_squeeze %dma_start3A_392 : memref<1x16x128xf32, #tpu.memory_space<vmem>> -> memref<16x128xf32, #tpu.memory_space<vmem>>
    %dma_start3A_394 = tpu.memref_slice %arg3[%multiple_of3A, %multiple_of3A_388] : memref<32x1000000xf32, #tpu.memory_space<hbm>> -> memref<16x128xf32, #tpu.memory_space<hbm>>
    %dma_start3A_395 = arith.constant 0 : i32
    %dma_start3A_396 = arith.constant 0 : i32
    %dma_start3A_397 = tpu.memref_slice %arg7[%dma_start3A_389, %dma_start3A_395, %dma_start3A_396] : memref<16x16x128xf32, #tpu.memory_space<vmem>> -> memref<1x16x128xf32, #tpu.memory_space<vmem>>
    %dma_start3A_398 = tpu.memref_squeeze %dma_start3A_397 : memref<1x16x128xf32, #tpu.memory_space<vmem>> -> memref<16x128xf32, #tpu.memory_space<vmem>>
    %dma_start3A_399 = tpu.memref_slice %arg3[%multiple_of3A, %multiple_of3A_388] : memref<32x1000000xf32, #tpu.memory_space<hbm>> -> memref<16x128xf32, #tpu.memory_space<hbm>>
    tpu.enqueue_dma source(%dma_start3A_399 : memref<16x128xf32, #tpu.memory_space<hbm>>) target(%dma_start3A_398 : memref<16x128xf32, #tpu.memory_space<vmem>>) target_semaphore(%arg10 : memref<!tpu.dma_semaphore, #tpu.memory_space<semaphore_mem>>)
    %slice3A_400 = vector.extract_strided_slice %get3A_291 {offsets = [6], sizes = [1], strides = [1]} : vector<16xi32> to vector<1xi32>
    %squeeze3A_401 = vector.extract %slice3A_400[0] : i32 from vector<1xi32>
    %shift_right_arithmetic3A_402 = arith.constant 7 : i32
    %shift_right_arithmetic3A_403 = arith.shrsi %squeeze3A_401, %shift_right_arithmetic3A_402 : i32
    %shift_left3A_404 = arith.constant 7 : i32
    %shift_left3A_405 = arith.shli %shift_right_arithmetic3A_403, %shift_left3A_404 : i32
    %multiple_of3A_406 = tpu.assume_multiple %shift_left3A_405, 128 : i32
    %dma_start3A_407 = arith.constant 6 : i32
    %dma_start3A_408 = arith.constant 0 : i32
    %dma_start3A_409 = arith.constant 0 : i32
    %dma_start3A_410 = tpu.memref_slice %arg7[%dma_start3A_407, %dma_start3A_408, %dma_start3A_409] : memref<16x16x128xf32, #tpu.memory_space<vmem>> -> memref<1x16x128xf32, #tpu.memory_space<vmem>>
    %dma_start3A_411 = tpu.memref_squeeze %dma_start3A_410 : memref<1x16x128xf32, #tpu.memory_space<vmem>> -> memref<16x128xf32, #tpu.memory_space<vmem>>
    %dma_start3A_412 = tpu.memref_slice %arg3[%multiple_of3A, %multiple_of3A_406] : memref<32x1000000xf32, #tpu.memory_space<hbm>> -> memref<16x128xf32, #tpu.memory_space<hbm>>
    %dma_start3A_413 = arith.constant 0 : i32
    %dma_start3A_414 = arith.constant 0 : i32
    %dma_start3A_415 = tpu.memref_slice %arg7[%dma_start3A_407, %dma_start3A_413, %dma_start3A_414] : memref<16x16x128xf32, #tpu.memory_space<vmem>> -> memref<1x16x128xf32, #tpu.memory_space<vmem>>
    %dma_start3A_416 = tpu.memref_squeeze %dma_start3A_415 : memref<1x16x128xf32, #tpu.memory_space<vmem>> -> memref<16x128xf32, #tpu.memory_space<vmem>>
    %dma_start3A_417 = tpu.memref_slice %arg3[%multiple_of3A, %multiple_of3A_406] : memref<32x1000000xf32, #tpu.memory_space<hbm>> -> memref<16x128xf32, #tpu.memory_space<hbm>>
    tpu.enqueue_dma source(%dma_start3A_417 : memref<16x128xf32, #tpu.memory_space<hbm>>) target(%dma_start3A_416 : memref<16x128xf32, #tpu.memory_space<vmem>>) target_semaphore(%arg10 : memref<!tpu.dma_semaphore, #tpu.memory_space<semaphore_mem>>)
    %slice3A_418 = vector.extract_strided_slice %get3A_291 {offsets = [7], sizes = [1], strides = [1]} : vector<16xi32> to vector<1xi32>
    %squeeze3A_419 = vector.extract %slice3A_418[0] : i32 from vector<1xi32>
    %shift_right_arithmetic3A_420 = arith.constant 7 : i32
    %shift_right_arithmetic3A_421 = arith.shrsi %squeeze3A_419, %shift_right_arithmetic3A_420 : i32
    %shift_left3A_422 = arith.constant 7 : i32
    %shift_left3A_423 = arith.shli %shift_right_arithmetic3A_421, %shift_left3A_422 : i32
    %multiple_of3A_424 = tpu.assume_multiple %shift_left3A_423, 128 : i32
    %dma_start3A_425 = arith.constant 7 : i32
    %dma_start3A_426 = arith.constant 0 : i32
    %dma_start3A_427 = arith.constant 0 : i32
    %dma_start3A_428 = tpu.memref_slice %arg7[%dma_start3A_425, %dma_start3A_426, %dma_start3A_427] : memref<16x16x128xf32, #tpu.memory_space<vmem>> -> memref<1x16x128xf32, #tpu.memory_space<vmem>>
    %dma_start3A_429 = tpu.memref_squeeze %dma_start3A_428 : memref<1x16x128xf32, #tpu.memory_space<vmem>> -> memref<16x128xf32, #tpu.memory_space<vmem>>
    %dma_start3A_430 = tpu.memref_slice %arg3[%multiple_of3A, %multiple_of3A_424] : memref<32x1000000xf32, #tpu.memory_space<hbm>> -> memref<16x128xf32, #tpu.memory_space<hbm>>
    %dma_start3A_431 = arith.constant 0 : i32
    %dma_start3A_432 = arith.constant 0 : i32
    %dma_start3A_433 = tpu.memref_slice %arg7[%dma_start3A_425, %dma_start3A_431, %dma_start3A_432] : memref<16x16x128xf32, #tpu.memory_space<vmem>> -> memref<1x16x128xf32, #tpu.memory_space<vmem>>
    %dma_start3A_434 = tpu.memref_squeeze %dma_start3A_433 : memref<1x16x128xf32, #tpu.memory_space<vmem>> -> memref<16x128xf32, #tpu.memory_space<vmem>>
    %dma_start3A_435 = tpu.memref_slice %arg3[%multiple_of3A, %multiple_of3A_424] : memref<32x1000000xf32, #tpu.memory_space<hbm>> -> memref<16x128xf32, #tpu.memory_space<hbm>>
    tpu.enqueue_dma source(%dma_start3A_435 : memref<16x128xf32, #tpu.memory_space<hbm>>) target(%dma_start3A_434 : memref<16x128xf32, #tpu.memory_space<vmem>>) target_semaphore(%arg10 : memref<!tpu.dma_semaphore, #tpu.memory_space<semaphore_mem>>)
    %slice3A_436 = vector.extract_strided_slice %get3A_291 {offsets = [8], sizes = [1], strides = [1]} : vector<16xi32> to vector<1xi32>
    %squeeze3A_437 = vector.extract %slice3A_436[0] : i32 from vector<1xi32>
    %shift_right_arithmetic3A_438 = arith.constant 7 : i32
    %shift_right_arithmetic3A_439 = arith.shrsi %squeeze3A_437, %shift_right_arithmetic3A_438 : i32
    %shift_left3A_440 = arith.constant 7 : i32
    %shift_left3A_441 = arith.shli %shift_right_arithmetic3A_439, %shift_left3A_440 : i32
    %multiple_of3A_442 = tpu.assume_multiple %shift_left3A_441, 128 : i32
    %dma_start3A_443 = arith.constant 8 : i32
    %dma_start3A_444 = arith.constant 0 : i32
    %dma_start3A_445 = arith.constant 0 : i32
    %dma_start3A_446 = tpu.memref_slice %arg7[%dma_start3A_443, %dma_start3A_444, %dma_start3A_445] : memref<16x16x128xf32, #tpu.memory_space<vmem>> -> memref<1x16x128xf32, #tpu.memory_space<vmem>>
    %dma_start3A_447 = tpu.memref_squeeze %dma_start3A_446 : memref<1x16x128xf32, #tpu.memory_space<vmem>> -> memref<16x128xf32, #tpu.memory_space<vmem>>
    %dma_start3A_448 = tpu.memref_slice %arg3[%multiple_of3A, %multiple_of3A_442] : memref<32x1000000xf32, #tpu.memory_space<hbm>> -> memref<16x128xf32, #tpu.memory_space<hbm>>
    %dma_start3A_449 = arith.constant 0 : i32
    %dma_start3A_450 = arith.constant 0 : i32
    %dma_start3A_451 = tpu.memref_slice %arg7[%dma_start3A_443, %dma_start3A_449, %dma_start3A_450] : memref<16x16x128xf32, #tpu.memory_space<vmem>> -> memref<1x16x128xf32, #tpu.memory_space<vmem>>
    %dma_start3A_452 = tpu.memref_squeeze %dma_start3A_451 : memref<1x16x128xf32, #tpu.memory_space<vmem>> -> memref<16x128xf32, #tpu.memory_space<vmem>>
    %dma_start3A_453 = tpu.memref_slice %arg3[%multiple_of3A, %multiple_of3A_442] : memref<32x1000000xf32, #tpu.memory_space<hbm>> -> memref<16x128xf32, #tpu.memory_space<hbm>>
    tpu.enqueue_dma source(%dma_start3A_453 : memref<16x128xf32, #tpu.memory_space<hbm>>) target(%dma_start3A_452 : memref<16x128xf32, #tpu.memory_space<vmem>>) target_semaphore(%arg10 : memref<!tpu.dma_semaphore, #tpu.memory_space<semaphore_mem>>)
    %slice3A_454 = vector.extract_strided_slice %get3A_291 {offsets = [9], sizes = [1], strides = [1]} : vector<16xi32> to vector<1xi32>
    %squeeze3A_455 = vector.extract %slice3A_454[0] : i32 from vector<1xi32>
    %shift_right_arithmetic3A_456 = arith.constant 7 : i32
    %shift_right_arithmetic3A_457 = arith.shrsi %squeeze3A_455, %shift_right_arithmetic3A_456 : i32
    %shift_left3A_458 = arith.constant 7 : i32
    %shift_left3A_459 = arith.shli %shift_right_arithmetic3A_457, %shift_left3A_458 : i32
    %multiple_of3A_460 = tpu.assume_multiple %shift_left3A_459, 128 : i32
    %dma_start3A_461 = arith.constant 9 : i32
    %dma_start3A_462 = arith.constant 0 : i32
    %dma_start3A_463 = arith.constant 0 : i32
    %dma_start3A_464 = tpu.memref_slice %arg7[%dma_start3A_461, %dma_start3A_462, %dma_start3A_463] : memref<16x16x128xf32, #tpu.memory_space<vmem>> -> memref<1x16x128xf32, #tpu.memory_space<vmem>>
    %dma_start3A_465 = tpu.memref_squeeze %dma_start3A_464 : memref<1x16x128xf32, #tpu.memory_space<vmem>> -> memref<16x128xf32, #tpu.memory_space<vmem>>
    %dma_start3A_466 = tpu.memref_slice %arg3[%multiple_of3A, %multiple_of3A_460] : memref<32x1000000xf32, #tpu.memory_space<hbm>> -> memref<16x128xf32, #tpu.memory_space<hbm>>
    %dma_start3A_467 = arith.constant 0 : i32
    %dma_start3A_468 = arith.constant 0 : i32
    %dma_start3A_469 = tpu.memref_slice %arg7[%dma_start3A_461, %dma_start3A_467, %dma_start3A_468] : memref<16x16x128xf32, #tpu.memory_space<vmem>> -> memref<1x16x128xf32, #tpu.memory_space<vmem>>
    %dma_start3A_470 = tpu.memref_squeeze %dma_start3A_469 : memref<1x16x128xf32, #tpu.memory_space<vmem>> -> memref<16x128xf32, #tpu.memory_space<vmem>>
    %dma_start3A_471 = tpu.memref_slice %arg3[%multiple_of3A, %multiple_of3A_460] : memref<32x1000000xf32, #tpu.memory_space<hbm>> -> memref<16x128xf32, #tpu.memory_space<hbm>>
    tpu.enqueue_dma source(%dma_start3A_471 : memref<16x128xf32, #tpu.memory_space<hbm>>) target(%dma_start3A_470 : memref<16x128xf32, #tpu.memory_space<vmem>>) target_semaphore(%arg10 : memref<!tpu.dma_semaphore, #tpu.memory_space<semaphore_mem>>)
    %slice3A_472 = vector.extract_strided_slice %get3A_291 {offsets = [10], sizes = [1], strides = [1]} : vector<16xi32> to vector<1xi32>
    %squeeze3A_473 = vector.extract %slice3A_472[0] : i32 from vector<1xi32>
    %shift_right_arithmetic3A_474 = arith.constant 7 : i32
    %shift_right_arithmetic3A_475 = arith.shrsi %squeeze3A_473, %shift_right_arithmetic3A_474 : i32
    %shift_left3A_476 = arith.constant 7 : i32
    %shift_left3A_477 = arith.shli %shift_right_arithmetic3A_475, %shift_left3A_476 : i32
    %multiple_of3A_478 = tpu.assume_multiple %shift_left3A_477, 128 : i32
    %dma_start3A_479 = arith.constant 10 : i32
    %dma_start3A_480 = arith.constant 0 : i32
    %dma_start3A_481 = arith.constant 0 : i32
    %dma_start3A_482 = tpu.memref_slice %arg7[%dma_start3A_479, %dma_start3A_480, %dma_start3A_481] : memref<16x16x128xf32, #tpu.memory_space<vmem>> -> memref<1x16x128xf32, #tpu.memory_space<vmem>>
    %dma_start3A_483 = tpu.memref_squeeze %dma_start3A_482 : memref<1x16x128xf32, #tpu.memory_space<vmem>> -> memref<16x128xf32, #tpu.memory_space<vmem>>
    %dma_start3A_484 = tpu.memref_slice %arg3[%multiple_of3A, %multiple_of3A_478] : memref<32x1000000xf32, #tpu.memory_space<hbm>> -> memref<16x128xf32, #tpu.memory_space<hbm>>
    %dma_start3A_485 = arith.constant 0 : i32
    %dma_start3A_486 = arith.constant 0 : i32
    %dma_start3A_487 = tpu.memref_slice %arg7[%dma_start3A_479, %dma_start3A_485, %dma_start3A_486] : memref<16x16x128xf32, #tpu.memory_space<vmem>> -> memref<1x16x128xf32, #tpu.memory_space<vmem>>
    %dma_start3A_488 = tpu.memref_squeeze %dma_start3A_487 : memref<1x16x128xf32, #tpu.memory_space<vmem>> -> memref<16x128xf32, #tpu.memory_space<vmem>>
    %dma_start3A_489 = tpu.memref_slice %arg3[%multiple_of3A, %multiple_of3A_478] : memref<32x1000000xf32, #tpu.memory_space<hbm>> -> memref<16x128xf32, #tpu.memory_space<hbm>>
    tpu.enqueue_dma source(%dma_start3A_489 : memref<16x128xf32, #tpu.memory_space<hbm>>) target(%dma_start3A_488 : memref<16x128xf32, #tpu.memory_space<vmem>>) target_semaphore(%arg10 : memref<!tpu.dma_semaphore, #tpu.memory_space<semaphore_mem>>)
    %slice3A_490 = vector.extract_strided_slice %get3A_291 {offsets = [11], sizes = [1], strides = [1]} : vector<16xi32> to vector<1xi32>
    %squeeze3A_491 = vector.extract %slice3A_490[0] : i32 from vector<1xi32>
    %shift_right_arithmetic3A_492 = arith.constant 7 : i32
    %shift_right_arithmetic3A_493 = arith.shrsi %squeeze3A_491, %shift_right_arithmetic3A_492 : i32
    %shift_left3A_494 = arith.constant 7 : i32
    %shift_left3A_495 = arith.shli %shift_right_arithmetic3A_493, %shift_left3A_494 : i32
    %multiple_of3A_496 = tpu.assume_multiple %shift_left3A_495, 128 : i32
    %dma_start3A_497 = arith.constant 11 : i32
    %dma_start3A_498 = arith.constant 0 : i32
    %dma_start3A_499 = arith.constant 0 : i32
    %dma_start3A_500 = tpu.memref_slice %arg7[%dma_start3A_497, %dma_start3A_498, %dma_start3A_499] : memref<16x16x128xf32, #tpu.memory_space<vmem>> -> memref<1x16x128xf32, #tpu.memory_space<vmem>>
    %dma_start3A_501 = tpu.memref_squeeze %dma_start3A_500 : memref<1x16x128xf32, #tpu.memory_space<vmem>> -> memref<16x128xf32, #tpu.memory_space<vmem>>
    %dma_start3A_502 = tpu.memref_slice %arg3[%multiple_of3A, %multiple_of3A_496] : memref<32x1000000xf32, #tpu.memory_space<hbm>> -> memref<16x128xf32, #tpu.memory_space<hbm>>
    %dma_start3A_503 = arith.constant 0 : i32
    %dma_start3A_504 = arith.constant 0 : i32
    %dma_start3A_505 = tpu.memref_slice %arg7[%dma_start3A_497, %dma_start3A_503, %dma_start3A_504] : memref<16x16x128xf32, #tpu.memory_space<vmem>> -> memref<1x16x128xf32, #tpu.memory_space<vmem>>
    %dma_start3A_506 = tpu.memref_squeeze %dma_start3A_505 : memref<1x16x128xf32, #tpu.memory_space<vmem>> -> memref<16x128xf32, #tpu.memory_space<vmem>>
    %dma_start3A_507 = tpu.memref_slice %arg3[%multiple_of3A, %multiple_of3A_496] : memref<32x1000000xf32, #tpu.memory_space<hbm>> -> memref<16x128xf32, #tpu.memory_space<hbm>>
    tpu.enqueue_dma source(%dma_start3A_507 : memref<16x128xf32, #tpu.memory_space<hbm>>) target(%dma_start3A_506 : memref<16x128xf32, #tpu.memory_space<vmem>>) target_semaphore(%arg10 : memref<!tpu.dma_semaphore, #tpu.memory_space<semaphore_mem>>)
    %slice3A_508 = vector.extract_strided_slice %get3A_291 {offsets = [12], sizes = [1], strides = [1]} : vector<16xi32> to vector<1xi32>
    %squeeze3A_509 = vector.extract %slice3A_508[0] : i32 from vector<1xi32>
    %shift_right_arithmetic3A_510 = arith.constant 7 : i32
    %shift_right_arithmetic3A_511 = arith.shrsi %squeeze3A_509, %shift_right_arithmetic3A_510 : i32
    %shift_left3A_512 = arith.constant 7 : i32
    %shift_left3A_513 = arith.shli %shift_right_arithmetic3A_511, %shift_left3A_512 : i32
    %multiple_of3A_514 = tpu.assume_multiple %shift_left3A_513, 128 : i32
    %dma_start3A_515 = arith.constant 12 : i32
    %dma_start3A_516 = arith.constant 0 : i32
    %dma_start3A_517 = arith.constant 0 : i32
    %dma_start3A_518 = tpu.memref_slice %arg7[%dma_start3A_515, %dma_start3A_516, %dma_start3A_517] : memref<16x16x128xf32, #tpu.memory_space<vmem>> -> memref<1x16x128xf32, #tpu.memory_space<vmem>>
    %dma_start3A_519 = tpu.memref_squeeze %dma_start3A_518 : memref<1x16x128xf32, #tpu.memory_space<vmem>> -> memref<16x128xf32, #tpu.memory_space<vmem>>
    %dma_start3A_520 = tpu.memref_slice %arg3[%multiple_of3A, %multiple_of3A_514] : memref<32x1000000xf32, #tpu.memory_space<hbm>> -> memref<16x128xf32, #tpu.memory_space<hbm>>
    %dma_start3A_521 = arith.constant 0 : i32
    %dma_start3A_522 = arith.constant 0 : i32
    %dma_start3A_523 = tpu.memref_slice %arg7[%dma_start3A_515, %dma_start3A_521, %dma_start3A_522] : memref<16x16x128xf32, #tpu.memory_space<vmem>> -> memref<1x16x128xf32, #tpu.memory_space<vmem>>
    %dma_start3A_524 = tpu.memref_squeeze %dma_start3A_523 : memref<1x16x128xf32, #tpu.memory_space<vmem>> -> memref<16x128xf32, #tpu.memory_space<vmem>>
    %dma_start3A_525 = tpu.memref_slice %arg3[%multiple_of3A, %multiple_of3A_514] : memref<32x1000000xf32, #tpu.memory_space<hbm>> -> memref<16x128xf32, #tpu.memory_space<hbm>>
    tpu.enqueue_dma source(%dma_start3A_525 : memref<16x128xf32, #tpu.memory_space<hbm>>) target(%dma_start3A_524 : memref<16x128xf32, #tpu.memory_space<vmem>>) target_semaphore(%arg10 : memref<!tpu.dma_semaphore, #tpu.memory_space<semaphore_mem>>)
    %slice3A_526 = vector.extract_strided_slice %get3A_291 {offsets = [13], sizes = [1], strides = [1]} : vector<16xi32> to vector<1xi32>
    %squeeze3A_527 = vector.extract %slice3A_526[0] : i32 from vector<1xi32>
    %shift_right_arithmetic3A_528 = arith.constant 7 : i32
    %shift_right_arithmetic3A_529 = arith.shrsi %squeeze3A_527, %shift_right_arithmetic3A_528 : i32
    %shift_left3A_530 = arith.constant 7 : i32
    %shift_left3A_531 = arith.shli %shift_right_arithmetic3A_529, %shift_left3A_530 : i32
    %multiple_of3A_532 = tpu.assume_multiple %shift_left3A_531, 128 : i32
    %dma_start3A_533 = arith.constant 13 : i32
    %dma_start3A_534 = arith.constant 0 : i32
    %dma_start3A_535 = arith.constant 0 : i32
    %dma_start3A_536 = tpu.memref_slice %arg7[%dma_start3A_533, %dma_start3A_534, %dma_start3A_535] : memref<16x16x128xf32, #tpu.memory_space<vmem>> -> memref<1x16x128xf32, #tpu.memory_space<vmem>>
    %dma_start3A_537 = tpu.memref_squeeze %dma_start3A_536 : memref<1x16x128xf32, #tpu.memory_space<vmem>> -> memref<16x128xf32, #tpu.memory_space<vmem>>
    %dma_start3A_538 = tpu.memref_slice %arg3[%multiple_of3A, %multiple_of3A_532] : memref<32x1000000xf32, #tpu.memory_space<hbm>> -> memref<16x128xf32, #tpu.memory_space<hbm>>
    %dma_start3A_539 = arith.constant 0 : i32
    %dma_start3A_540 = arith.constant 0 : i32
    %dma_start3A_541 = tpu.memref_slice %arg7[%dma_start3A_533, %dma_start3A_539, %dma_start3A_540] : memref<16x16x128xf32, #tpu.memory_space<vmem>> -> memref<1x16x128xf32, #tpu.memory_space<vmem>>
    %dma_start3A_542 = tpu.memref_squeeze %dma_start3A_541 : memref<1x16x128xf32, #tpu.memory_space<vmem>> -> memref<16x128xf32, #tpu.memory_space<vmem>>
    %dma_start3A_543 = tpu.memref_slice %arg3[%multiple_of3A, %multiple_of3A_532] : memref<32x1000000xf32, #tpu.memory_space<hbm>> -> memref<16x128xf32, #tpu.memory_space<hbm>>
    tpu.enqueue_dma source(%dma_start3A_543 : memref<16x128xf32, #tpu.memory_space<hbm>>) target(%dma_start3A_542 : memref<16x128xf32, #tpu.memory_space<vmem>>) target_semaphore(%arg10 : memref<!tpu.dma_semaphore, #tpu.memory_space<semaphore_mem>>)
    %slice3A_544 = vector.extract_strided_slice %get3A_291 {offsets = [14], sizes = [1], strides = [1]} : vector<16xi32> to vector<1xi32>
    %squeeze3A_545 = vector.extract %slice3A_544[0] : i32 from vector<1xi32>
    %shift_right_arithmetic3A_546 = arith.constant 7 : i32
    %shift_right_arithmetic3A_547 = arith.shrsi %squeeze3A_545, %shift_right_arithmetic3A_546 : i32
    %shift_left3A_548 = arith.constant 7 : i32
    %shift_left3A_549 = arith.shli %shift_right_arithmetic3A_547, %shift_left3A_548 : i32
    %multiple_of3A_550 = tpu.assume_multiple %shift_left3A_549, 128 : i32
    %dma_start3A_551 = arith.constant 14 : i32
    %dma_start3A_552 = arith.constant 0 : i32
    %dma_start3A_553 = arith.constant 0 : i32
    %dma_start3A_554 = tpu.memref_slice %arg7[%dma_start3A_551, %dma_start3A_552, %dma_start3A_553] : memref<16x16x128xf32, #tpu.memory_space<vmem>> -> memref<1x16x128xf32, #tpu.memory_space<vmem>>
    %dma_start3A_555 = tpu.memref_squeeze %dma_start3A_554 : memref<1x16x128xf32, #tpu.memory_space<vmem>> -> memref<16x128xf32, #tpu.memory_space<vmem>>
    %dma_start3A_556 = tpu.memref_slice %arg3[%multiple_of3A, %multiple_of3A_550] : memref<32x1000000xf32, #tpu.memory_space<hbm>> -> memref<16x128xf32, #tpu.memory_space<hbm>>
    %dma_start3A_557 = arith.constant 0 : i32
    %dma_start3A_558 = arith.constant 0 : i32
    %dma_start3A_559 = tpu.memref_slice %arg7[%dma_start3A_551, %dma_start3A_557, %dma_start3A_558] : memref<16x16x128xf32, #tpu.memory_space<vmem>> -> memref<1x16x128xf32, #tpu.memory_space<vmem>>
    %dma_start3A_560 = tpu.memref_squeeze %dma_start3A_559 : memref<1x16x128xf32, #tpu.memory_space<vmem>> -> memref<16x128xf32, #tpu.memory_space<vmem>>
    %dma_start3A_561 = tpu.memref_slice %arg3[%multiple_of3A, %multiple_of3A_550] : memref<32x1000000xf32, #tpu.memory_space<hbm>> -> memref<16x128xf32, #tpu.memory_space<hbm>>
    tpu.enqueue_dma source(%dma_start3A_561 : memref<16x128xf32, #tpu.memory_space<hbm>>) target(%dma_start3A_560 : memref<16x128xf32, #tpu.memory_space<vmem>>) target_semaphore(%arg10 : memref<!tpu.dma_semaphore, #tpu.memory_space<semaphore_mem>>)
    %slice3A_562 = vector.extract_strided_slice %get3A_291 {offsets = [15], sizes = [1], strides = [1]} : vector<16xi32> to vector<1xi32>
    %squeeze3A_563 = vector.extract %slice3A_562[0] : i32 from vector<1xi32>
    %shift_right_arithmetic3A_564 = arith.constant 7 : i32
    %shift_right_arithmetic3A_565 = arith.shrsi %squeeze3A_563, %shift_right_arithmetic3A_564 : i32
    %shift_left3A_566 = arith.constant 7 : i32
    %shift_left3A_567 = arith.shli %shift_right_arithmetic3A_565, %shift_left3A_566 : i32
    %multiple_of3A_568 = tpu.assume_multiple %shift_left3A_567, 128 : i32
    %dma_start3A_569 = arith.constant 15 : i32
    %dma_start3A_570 = arith.constant 0 : i32
    %dma_start3A_571 = arith.constant 0 : i32
    %dma_start3A_572 = tpu.memref_slice %arg7[%dma_start3A_569, %dma_start3A_570, %dma_start3A_571] : memref<16x16x128xf32, #tpu.memory_space<vmem>> -> memref<1x16x128xf32, #tpu.memory_space<vmem>>
    %dma_start3A_573 = tpu.memref_squeeze %dma_start3A_572 : memref<1x16x128xf32, #tpu.memory_space<vmem>> -> memref<16x128xf32, #tpu.memory_space<vmem>>
    %dma_start3A_574 = tpu.memref_slice %arg3[%multiple_of3A, %multiple_of3A_568] : memref<32x1000000xf32, #tpu.memory_space<hbm>> -> memref<16x128xf32, #tpu.memory_space<hbm>>
    %dma_start3A_575 = arith.constant 0 : i32
    %dma_start3A_576 = arith.constant 0 : i32
    %dma_start3A_577 = tpu.memref_slice %arg7[%dma_start3A_569, %dma_start3A_575, %dma_start3A_576] : memref<16x16x128xf32, #tpu.memory_space<vmem>> -> memref<1x16x128xf32, #tpu.memory_space<vmem>>
    %dma_start3A_578 = tpu.memref_squeeze %dma_start3A_577 : memref<1x16x128xf32, #tpu.memory_space<vmem>> -> memref<16x128xf32, #tpu.memory_space<vmem>>
    %dma_start3A_579 = tpu.memref_slice %arg3[%multiple_of3A, %multiple_of3A_568] : memref<32x1000000xf32, #tpu.memory_space<hbm>> -> memref<16x128xf32, #tpu.memory_space<hbm>>
    tpu.enqueue_dma source(%dma_start3A_579 : memref<16x128xf32, #tpu.memory_space<hbm>>) target(%dma_start3A_578 : memref<16x128xf32, #tpu.memory_space<vmem>>) target_semaphore(%arg10 : memref<!tpu.dma_semaphore, #tpu.memory_space<semaphore_mem>>)
    %scan3A = arith.constant 0 : i32
    %scan3A_580 = arith.constant 0 : i32
    %scan3A_581 = arith.constant 32 : i32
    %scan3A_582 = arith.addi %scan3A_580, %scan3A_581 : i32
    %scan3A_583 = arith.constant 1 : i32
    scf.for %scan3A_585 = %scan3A_580 to %scan3A_582 step %scan3A_583  : i32 {
      %mul3A_586 = arith.constant 2 : i32
      %mul3A_587 = arith.muli %scan3A_585, %mul3A_586 : i32
      %dma_wait3A_588 = arith.constant 0 : i32
      %dma_wait3A_589 = arith.constant 0 : i32
      %dma_wait3A_590 = arith.constant 0 : i32
      %dma_wait3A_591 = tpu.memref_slice %arg6[%dma_wait3A_588, %dma_wait3A_589, %dma_wait3A_590] : memref<16x16x128xf32, #tpu.memory_space<vmem>> -> memref<1x16x128xf32, #tpu.memory_space<vmem>>
      %dma_wait3A_592 = tpu.memref_squeeze %dma_wait3A_591 : memref<1x16x128xf32, #tpu.memory_space<vmem>> -> memref<16x128xf32, #tpu.memory_space<vmem>>
      %dma_wait3A_593 = arith.constant 0 : i32
      %dma_wait3A_594 = tpu.memref_slice %arg3[%multiple_of3A, %dma_wait3A_593] : memref<32x1000000xf32, #tpu.memory_space<hbm>> -> memref<16x128xf32, #tpu.memory_space<hbm>>
      %dma_wait3A_595 = arith.constant 0 : i32
      %dma_wait3A_596 = arith.constant 0 : i32
      %dma_wait3A_597 = tpu.memref_slice %arg6[%dma_wait3A_588, %dma_wait3A_595, %dma_wait3A_596] : memref<16x16x128xf32, #tpu.memory_space<vmem>> -> memref<1x16x128xf32, #tpu.memory_space<vmem>>
      %dma_wait3A_598 = tpu.memref_squeeze %dma_wait3A_597 : memref<1x16x128xf32, #tpu.memory_space<vmem>> -> memref<16x128xf32, #tpu.memory_space<vmem>>
      %dma_wait3A_599 = arith.constant 0 : i32
      %dma_wait3A_600 = tpu.memref_slice %arg3[%multiple_of3A, %dma_wait3A_599] : memref<32x1000000xf32, #tpu.memory_space<hbm>> -> memref<16x128xf32, #tpu.memory_space<hbm>>
      tpu.wait_dma2 semaphore(%arg9 : memref<!tpu.dma_semaphore, #tpu.memory_space<semaphore_mem>>) src(%dma_wait3A_600 : memref<16x128xf32, #tpu.memory_space<hbm>>) dst(%dma_wait3A_598 : memref<16x128xf32, #tpu.memory_space<vmem>>)
      %dma_wait3A_601 = arith.constant 1 : i32
      %dma_wait3A_602 = arith.constant 0 : i32
      %dma_wait3A_603 = arith.constant 0 : i32
      %dma_wait3A_604 = tpu.memref_slice %arg6[%dma_wait3A_601, %dma_wait3A_602, %dma_wait3A_603] : memref<16x16x128xf32, #tpu.memory_space<vmem>> -> memref<1x16x128xf32, #tpu.memory_space<vmem>>
      %dma_wait3A_605 = tpu.memref_squeeze %dma_wait3A_604 : memref<1x16x128xf32, #tpu.memory_space<vmem>> -> memref<16x128xf32, #tpu.memory_space<vmem>>
      %dma_wait3A_606 = arith.constant 0 : i32
      %dma_wait3A_607 = tpu.memref_slice %arg3[%multiple_of3A, %dma_wait3A_606] : memref<32x1000000xf32, #tpu.memory_space<hbm>> -> memref<16x128xf32, #tpu.memory_space<hbm>>
      %dma_wait3A_608 = arith.constant 0 : i32
      %dma_wait3A_609 = arith.constant 0 : i32
      %dma_wait3A_610 = tpu.memref_slice %arg6[%dma_wait3A_601, %dma_wait3A_608, %dma_wait3A_609] : memref<16x16x128xf32, #tpu.memory_space<vmem>> -> memref<1x16x128xf32, #tpu.memory_space<vmem>>
      %dma_wait3A_611 = tpu.memref_squeeze %dma_wait3A_610 : memref<1x16x128xf32, #tpu.memory_space<vmem>> -> memref<16x128xf32, #tpu.memory_space<vmem>>
      %dma_wait3A_612 = arith.constant 0 : i32
      %dma_wait3A_613 = tpu.memref_slice %arg3[%multiple_of3A, %dma_wait3A_612] : memref<32x1000000xf32, #tpu.memory_space<hbm>> -> memref<16x128xf32, #tpu.memory_space<hbm>>
      tpu.wait_dma2 semaphore(%arg9 : memref<!tpu.dma_semaphore, #tpu.memory_space<semaphore_mem>>) src(%dma_wait3A_613 : memref<16x128xf32, #tpu.memory_space<hbm>>) dst(%dma_wait3A_611 : memref<16x128xf32, #tpu.memory_space<vmem>>)
      %dma_wait3A_614 = arith.constant 2 : i32
      %dma_wait3A_615 = arith.constant 0 : i32
      %dma_wait3A_616 = arith.constant 0 : i32
      %dma_wait3A_617 = tpu.memref_slice %arg6[%dma_wait3A_614, %dma_wait3A_615, %dma_wait3A_616] : memref<16x16x128xf32, #tpu.memory_space<vmem>> -> memref<1x16x128xf32, #tpu.memory_space<vmem>>
      %dma_wait3A_618 = tpu.memref_squeeze %dma_wait3A_617 : memref<1x16x128xf32, #tpu.memory_space<vmem>> -> memref<16x128xf32, #tpu.memory_space<vmem>>
      %dma_wait3A_619 = arith.constant 0 : i32
      %dma_wait3A_620 = tpu.memref_slice %arg3[%multiple_of3A, %dma_wait3A_619] : memref<32x1000000xf32, #tpu.memory_space<hbm>> -> memref<16x128xf32, #tpu.memory_space<hbm>>
      %dma_wait3A_621 = arith.constant 0 : i32
      %dma_wait3A_622 = arith.constant 0 : i32
      %dma_wait3A_623 = tpu.memref_slice %arg6[%dma_wait3A_614, %dma_wait3A_621, %dma_wait3A_622] : memref<16x16x128xf32, #tpu.memory_space<vmem>> -> memref<1x16x128xf32, #tpu.memory_space<vmem>>
      %dma_wait3A_624 = tpu.memref_squeeze %dma_wait3A_623 : memref<1x16x128xf32, #tpu.memory_space<vmem>> -> memref<16x128xf32, #tpu.memory_space<vmem>>
      %dma_wait3A_625 = arith.constant 0 : i32
      %dma_wait3A_626 = tpu.memref_slice %arg3[%multiple_of3A, %dma_wait3A_625] : memref<32x1000000xf32, #tpu.memory_space<hbm>> -> memref<16x128xf32, #tpu.memory_space<hbm>>
      tpu.wait_dma2 semaphore(%arg9 : memref<!tpu.dma_semaphore, #tpu.memory_space<semaphore_mem>>) src(%dma_wait3A_626 : memref<16x128xf32, #tpu.memory_space<hbm>>) dst(%dma_wait3A_624 : memref<16x128xf32, #tpu.memory_space<vmem>>)
      %dma_wait3A_627 = arith.constant 3 : i32
      %dma_wait3A_628 = arith.constant 0 : i32
      %dma_wait3A_629 = arith.constant 0 : i32
      %dma_wait3A_630 = tpu.memref_slice %arg6[%dma_wait3A_627, %dma_wait3A_628, %dma_wait3A_629] : memref<16x16x128xf32, #tpu.memory_space<vmem>> -> memref<1x16x128xf32, #tpu.memory_space<vmem>>
      %dma_wait3A_631 = tpu.memref_squeeze %dma_wait3A_630 : memref<1x16x128xf32, #tpu.memory_space<vmem>> -> memref<16x128xf32, #tpu.memory_space<vmem>>
      %dma_wait3A_632 = arith.constant 0 : i32
      %dma_wait3A_633 = tpu.memref_slice %arg3[%multiple_of3A, %dma_wait3A_632] : memref<32x1000000xf32, #tpu.memory_space<hbm>> -> memref<16x128xf32, #tpu.memory_space<hbm>>
      %dma_wait3A_634 = arith.constant 0 : i32
      %dma_wait3A_635 = arith.constant 0 : i32
      %dma_wait3A_636 = tpu.memref_slice %arg6[%dma_wait3A_627, %dma_wait3A_634, %dma_wait3A_635] : memref<16x16x128xf32, #tpu.memory_space<vmem>> -> memref<1x16x128xf32, #tpu.memory_space<vmem>>
      %dma_wait3A_637 = tpu.memref_squeeze %dma_wait3A_636 : memref<1x16x128xf32, #tpu.memory_space<vmem>> -> memref<16x128xf32, #tpu.memory_space<vmem>>
      %dma_wait3A_638 = arith.constant 0 : i32
      %dma_wait3A_639 = tpu.memref_slice %arg3[%multiple_of3A, %dma_wait3A_638] : memref<32x1000000xf32, #tpu.memory_space<hbm>> -> memref<16x128xf32, #tpu.memory_space<hbm>>
      tpu.wait_dma2 semaphore(%arg9 : memref<!tpu.dma_semaphore, #tpu.memory_space<semaphore_mem>>) src(%dma_wait3A_639 : memref<16x128xf32, #tpu.memory_space<hbm>>) dst(%dma_wait3A_637 : memref<16x128xf32, #tpu.memory_space<vmem>>)
      %dma_wait3A_640 = arith.constant 4 : i32
      %dma_wait3A_641 = arith.constant 0 : i32
      %dma_wait3A_642 = arith.constant 0 : i32
      %dma_wait3A_643 = tpu.memref_slice %arg6[%dma_wait3A_640, %dma_wait3A_641, %dma_wait3A_642] : memref<16x16x128xf32, #tpu.memory_space<vmem>> -> memref<1x16x128xf32, #tpu.memory_space<vmem>>
      %dma_wait3A_644 = tpu.memref_squeeze %dma_wait3A_643 : memref<1x16x128xf32, #tpu.memory_space<vmem>> -> memref<16x128xf32, #tpu.memory_space<vmem>>
      %dma_wait3A_645 = arith.constant 0 : i32
      %dma_wait3A_646 = tpu.memref_slice %arg3[%multiple_of3A, %dma_wait3A_645] : memref<32x1000000xf32, #tpu.memory_space<hbm>> -> memref<16x128xf32, #tpu.memory_space<hbm>>
      %dma_wait3A_647 = arith.constant 0 : i32
      %dma_wait3A_648 = arith.constant 0 : i32
      %dma_wait3A_649 = tpu.memref_slice %arg6[%dma_wait3A_640, %dma_wait3A_647, %dma_wait3A_648] : memref<16x16x128xf32, #tpu.memory_space<vmem>> -> memref<1x16x128xf32, #tpu.memory_space<vmem>>
      %dma_wait3A_650 = tpu.memref_squeeze %dma_wait3A_649 : memref<1x16x128xf32, #tpu.memory_space<vmem>> -> memref<16x128xf32, #tpu.memory_space<vmem>>
      %dma_wait3A_651 = arith.constant 0 : i32
      %dma_wait3A_652 = tpu.memref_slice %arg3[%multiple_of3A, %dma_wait3A_651] : memref<32x1000000xf32, #tpu.memory_space<hbm>> -> memref<16x128xf32, #tpu.memory_space<hbm>>
      tpu.wait_dma2 semaphore(%arg9 : memref<!tpu.dma_semaphore, #tpu.memory_space<semaphore_mem>>) src(%dma_wait3A_652 : memref<16x128xf32, #tpu.memory_space<hbm>>) dst(%dma_wait3A_650 : memref<16x128xf32, #tpu.memory_space<vmem>>)
      %dma_wait3A_653 = arith.constant 5 : i32
      %dma_wait3A_654 = arith.constant 0 : i32
      %dma_wait3A_655 = arith.constant 0 : i32
      %dma_wait3A_656 = tpu.memref_slice %arg6[%dma_wait3A_653, %dma_wait3A_654, %dma_wait3A_655] : memref<16x16x128xf32, #tpu.memory_space<vmem>> -> memref<1x16x128xf32, #tpu.memory_space<vmem>>
      %dma_wait3A_657 = tpu.memref_squeeze %dma_wait3A_656 : memref<1x16x128xf32, #tpu.memory_space<vmem>> -> memref<16x128xf32, #tpu.memory_space<vmem>>
      %dma_wait3A_658 = arith.constant 0 : i32
      %dma_wait3A_659 = tpu.memref_slice %arg3[%multiple_of3A, %dma_wait3A_658] : memref<32x1000000xf32, #tpu.memory_space<hbm>> -> memref<16x128xf32, #tpu.memory_space<hbm>>
      %dma_wait3A_660 = arith.constant 0 : i32
      %dma_wait3A_661 = arith.constant 0 : i32
      %dma_wait3A_662 = tpu.memref_slice %arg6[%dma_wait3A_653, %dma_wait3A_660, %dma_wait3A_661] : memref<16x16x128xf32, #tpu.memory_space<vmem>> -> memref<1x16x128xf32, #tpu.memory_space<vmem>>
      %dma_wait3A_663 = tpu.memref_squeeze %dma_wait3A_662 : memref<1x16x128xf32, #tpu.memory_space<vmem>> -> memref<16x128xf32, #tpu.memory_space<vmem>>
      %dma_wait3A_664 = arith.constant 0 : i32
      %dma_wait3A_665 = tpu.memref_slice %arg3[%multiple_of3A, %dma_wait3A_664] : memref<32x1000000xf32, #tpu.memory_space<hbm>> -> memref<16x128xf32, #tpu.memory_space<hbm>>
      tpu.wait_dma2 semaphore(%arg9 : memref<!tpu.dma_semaphore, #tpu.memory_space<semaphore_mem>>) src(%dma_wait3A_665 : memref<16x128xf32, #tpu.memory_space<hbm>>) dst(%dma_wait3A_663 : memref<16x128xf32, #tpu.memory_space<vmem>>)
      %dma_wait3A_666 = arith.constant 6 : i32
      %dma_wait3A_667 = arith.constant 0 : i32
      %dma_wait3A_668 = arith.constant 0 : i32
      %dma_wait3A_669 = tpu.memref_slice %arg6[%dma_wait3A_666, %dma_wait3A_667, %dma_wait3A_668] : memref<16x16x128xf32, #tpu.memory_space<vmem>> -> memref<1x16x128xf32, #tpu.memory_space<vmem>>
      %dma_wait3A_670 = tpu.memref_squeeze %dma_wait3A_669 : memref<1x16x128xf32, #tpu.memory_space<vmem>> -> memref<16x128xf32, #tpu.memory_space<vmem>>
      %dma_wait3A_671 = arith.constant 0 : i32
      %dma_wait3A_672 = tpu.memref_slice %arg3[%multiple_of3A, %dma_wait3A_671] : memref<32x1000000xf32, #tpu.memory_space<hbm>> -> memref<16x128xf32, #tpu.memory_space<hbm>>
      %dma_wait3A_673 = arith.constant 0 : i32
      %dma_wait3A_674 = arith.constant 0 : i32
      %dma_wait3A_675 = tpu.memref_slice %arg6[%dma_wait3A_666, %dma_wait3A_673, %dma_wait3A_674] : memref<16x16x128xf32, #tpu.memory_space<vmem>> -> memref<1x16x128xf32, #tpu.memory_space<vmem>>
      %dma_wait3A_676 = tpu.memref_squeeze %dma_wait3A_675 : memref<1x16x128xf32, #tpu.memory_space<vmem>> -> memref<16x128xf32, #tpu.memory_space<vmem>>
      %dma_wait3A_677 = arith.constant 0 : i32
      %dma_wait3A_678 = tpu.memref_slice %arg3[%multiple_of3A, %dma_wait3A_677] : memref<32x1000000xf32, #tpu.memory_space<hbm>> -> memref<16x128xf32, #tpu.memory_space<hbm>>
      tpu.wait_dma2 semaphore(%arg9 : memref<!tpu.dma_semaphore, #tpu.memory_space<semaphore_mem>>) src(%dma_wait3A_678 : memref<16x128xf32, #tpu.memory_space<hbm>>) dst(%dma_wait3A_676 : memref<16x128xf32, #tpu.memory_space<vmem>>)
      %dma_wait3A_679 = arith.constant 7 : i32
      %dma_wait3A_680 = arith.constant 0 : i32
      %dma_wait3A_681 = arith.constant 0 : i32
      %dma_wait3A_682 = tpu.memref_slice %arg6[%dma_wait3A_679, %dma_wait3A_680, %dma_wait3A_681] : memref<16x16x128xf32, #tpu.memory_space<vmem>> -> memref<1x16x128xf32, #tpu.memory_space<vmem>>
      %dma_wait3A_683 = tpu.memref_squeeze %dma_wait3A_682 : memref<1x16x128xf32, #tpu.memory_space<vmem>> -> memref<16x128xf32, #tpu.memory_space<vmem>>
      %dma_wait3A_684 = arith.constant 0 : i32
      %dma_wait3A_685 = tpu.memref_slice %arg3[%multiple_of3A, %dma_wait3A_684] : memref<32x1000000xf32, #tpu.memory_space<hbm>> -> memref<16x128xf32, #tpu.memory_space<hbm>>
      %dma_wait3A_686 = arith.constant 0 : i32
      %dma_wait3A_687 = arith.constant 0 : i32
      %dma_wait3A_688 = tpu.memref_slice %arg6[%dma_wait3A_679, %dma_wait3A_686, %dma_wait3A_687] : memref<16x16x128xf32, #tpu.memory_space<vmem>> -> memref<1x16x128xf32, #tpu.memory_space<vmem>>
      %dma_wait3A_689 = tpu.memref_squeeze %dma_wait3A_688 : memref<1x16x128xf32, #tpu.memory_space<vmem>> -> memref<16x128xf32, #tpu.memory_space<vmem>>
      %dma_wait3A_690 = arith.constant 0 : i32
      %dma_wait3A_691 = tpu.memref_slice %arg3[%multiple_of3A, %dma_wait3A_690] : memref<32x1000000xf32, #tpu.memory_space<hbm>> -> memref<16x128xf32, #tpu.memory_space<hbm>>
      tpu.wait_dma2 semaphore(%arg9 : memref<!tpu.dma_semaphore, #tpu.memory_space<semaphore_mem>>) src(%dma_wait3A_691 : memref<16x128xf32, #tpu.memory_space<hbm>>) dst(%dma_wait3A_689 : memref<16x128xf32, #tpu.memory_space<vmem>>)
      %dma_wait3A_692 = arith.constant 8 : i32
      %dma_wait3A_693 = arith.constant 0 : i32
      %dma_wait3A_694 = arith.constant 0 : i32
      %dma_wait3A_695 = tpu.memref_slice %arg6[%dma_wait3A_692, %dma_wait3A_693, %dma_wait3A_694] : memref<16x16x128xf32, #tpu.memory_space<vmem>> -> memref<1x16x128xf32, #tpu.memory_space<vmem>>
      %dma_wait3A_696 = tpu.memref_squeeze %dma_wait3A_695 : memref<1x16x128xf32, #tpu.memory_space<vmem>> -> memref<16x128xf32, #tpu.memory_space<vmem>>
      %dma_wait3A_697 = arith.constant 0 : i32
      %dma_wait3A_698 = tpu.memref_slice %arg3[%multiple_of3A, %dma_wait3A_697] : memref<32x1000000xf32, #tpu.memory_space<hbm>> -> memref<16x128xf32, #tpu.memory_space<hbm>>
      %dma_wait3A_699 = arith.constant 0 : i32
      %dma_wait3A_700 = arith.constant 0 : i32
      %dma_wait3A_701 = tpu.memref_slice %arg6[%dma_wait3A_692, %dma_wait3A_699, %dma_wait3A_700] : memref<16x16x128xf32, #tpu.memory_space<vmem>> -> memref<1x16x128xf32, #tpu.memory_space<vmem>>
      %dma_wait3A_702 = tpu.memref_squeeze %dma_wait3A_701 : memref<1x16x128xf32, #tpu.memory_space<vmem>> -> memref<16x128xf32, #tpu.memory_space<vmem>>
      %dma_wait3A_703 = arith.constant 0 : i32
      %dma_wait3A_704 = tpu.memref_slice %arg3[%multiple_of3A, %dma_wait3A_703] : memref<32x1000000xf32, #tpu.memory_space<hbm>> -> memref<16x128xf32, #tpu.memory_space<hbm>>
      tpu.wait_dma2 semaphore(%arg9 : memref<!tpu.dma_semaphore, #tpu.memory_space<semaphore_mem>>) src(%dma_wait3A_704 : memref<16x128xf32, #tpu.memory_space<hbm>>) dst(%dma_wait3A_702 : memref<16x128xf32, #tpu.memory_space<vmem>>)
      %dma_wait3A_705 = arith.constant 9 : i32
      %dma_wait3A_706 = arith.constant 0 : i32
      %dma_wait3A_707 = arith.constant 0 : i32
      %dma_wait3A_708 = tpu.memref_slice %arg6[%dma_wait3A_705, %dma_wait3A_706, %dma_wait3A_707] : memref<16x16x128xf32, #tpu.memory_space<vmem>> -> memref<1x16x128xf32, #tpu.memory_space<vmem>>
      %dma_wait3A_709 = tpu.memref_squeeze %dma_wait3A_708 : memref<1x16x128xf32, #tpu.memory_space<vmem>> -> memref<16x128xf32, #tpu.memory_space<vmem>>
      %dma_wait3A_710 = arith.constant 0 : i32
      %dma_wait3A_711 = tpu.memref_slice %arg3[%multiple_of3A, %dma_wait3A_710] : memref<32x1000000xf32, #tpu.memory_space<hbm>> -> memref<16x128xf32, #tpu.memory_space<hbm>>
      %dma_wait3A_712 = arith.constant 0 : i32
      %dma_wait3A_713 = arith.constant 0 : i32
      %dma_wait3A_714 = tpu.memref_slice %arg6[%dma_wait3A_705, %dma_wait3A_712, %dma_wait3A_713] : memref<16x16x128xf32, #tpu.memory_space<vmem>> -> memref<1x16x128xf32, #tpu.memory_space<vmem>>
      %dma_wait3A_715 = tpu.memref_squeeze %dma_wait3A_714 : memref<1x16x128xf32, #tpu.memory_space<vmem>> -> memref<16x128xf32, #tpu.memory_space<vmem>>
      %dma_wait3A_716 = arith.constant 0 : i32
      %dma_wait3A_717 = tpu.memref_slice %arg3[%multiple_of3A, %dma_wait3A_716] : memref<32x1000000xf32, #tpu.memory_space<hbm>> -> memref<16x128xf32, #tpu.memory_space<hbm>>
      tpu.wait_dma2 semaphore(%arg9 : memref<!tpu.dma_semaphore, #tpu.memory_space<semaphore_mem>>) src(%dma_wait3A_717 : memref<16x128xf32, #tpu.memory_space<hbm>>) dst(%dma_wait3A_715 : memref<16x128xf32, #tpu.memory_space<vmem>>)
      %dma_wait3A_718 = arith.constant 10 : i32
      %dma_wait3A_719 = arith.constant 0 : i32
      %dma_wait3A_720 = arith.constant 0 : i32
      %dma_wait3A_721 = tpu.memref_slice %arg6[%dma_wait3A_718, %dma_wait3A_719, %dma_wait3A_720] : memref<16x16x128xf32, #tpu.memory_space<vmem>> -> memref<1x16x128xf32, #tpu.memory_space<vmem>>
      %dma_wait3A_722 = tpu.memref_squeeze %dma_wait3A_721 : memref<1x16x128xf32, #tpu.memory_space<vmem>> -> memref<16x128xf32, #tpu.memory_space<vmem>>
      %dma_wait3A_723 = arith.constant 0 : i32
      %dma_wait3A_724 = tpu.memref_slice %arg3[%multiple_of3A, %dma_wait3A_723] : memref<32x1000000xf32, #tpu.memory_space<hbm>> -> memref<16x128xf32, #tpu.memory_space<hbm>>
      %dma_wait3A_725 = arith.constant 0 : i32
      %dma_wait3A_726 = arith.constant 0 : i32
      %dma_wait3A_727 = tpu.memref_slice %arg6[%dma_wait3A_718, %dma_wait3A_725, %dma_wait3A_726] : memref<16x16x128xf32, #tpu.memory_space<vmem>> -> memref<1x16x128xf32, #tpu.memory_space<vmem>>
      %dma_wait3A_728 = tpu.memref_squeeze %dma_wait3A_727 : memref<1x16x128xf32, #tpu.memory_space<vmem>> -> memref<16x128xf32, #tpu.memory_space<vmem>>
      %dma_wait3A_729 = arith.constant 0 : i32
      %dma_wait3A_730 = tpu.memref_slice %arg3[%multiple_of3A, %dma_wait3A_729] : memref<32x1000000xf32, #tpu.memory_space<hbm>> -> memref<16x128xf32, #tpu.memory_space<hbm>>
      tpu.wait_dma2 semaphore(%arg9 : memref<!tpu.dma_semaphore, #tpu.memory_space<semaphore_mem>>) src(%dma_wait3A_730 : memref<16x128xf32, #tpu.memory_space<hbm>>) dst(%dma_wait3A_728 : memref<16x128xf32, #tpu.memory_space<vmem>>)
      %dma_wait3A_731 = arith.constant 11 : i32
      %dma_wait3A_732 = arith.constant 0 : i32
      %dma_wait3A_733 = arith.constant 0 : i32
      %dma_wait3A_734 = tpu.memref_slice %arg6[%dma_wait3A_731, %dma_wait3A_732, %dma_wait3A_733] : memref<16x16x128xf32, #tpu.memory_space<vmem>> -> memref<1x16x128xf32, #tpu.memory_space<vmem>>
      %dma_wait3A_735 = tpu.memref_squeeze %dma_wait3A_734 : memref<1x16x128xf32, #tpu.memory_space<vmem>> -> memref<16x128xf32, #tpu.memory_space<vmem>>
      %dma_wait3A_736 = arith.constant 0 : i32
      %dma_wait3A_737 = tpu.memref_slice %arg3[%multiple_of3A, %dma_wait3A_736] : memref<32x1000000xf32, #tpu.memory_space<hbm>> -> memref<16x128xf32, #tpu.memory_space<hbm>>
      %dma_wait3A_738 = arith.constant 0 : i32
      %dma_wait3A_739 = arith.constant 0 : i32
      %dma_wait3A_740 = tpu.memref_slice %arg6[%dma_wait3A_731, %dma_wait3A_738, %dma_wait3A_739] : memref<16x16x128xf32, #tpu.memory_space<vmem>> -> memref<1x16x128xf32, #tpu.memory_space<vmem>>
      %dma_wait3A_741 = tpu.memref_squeeze %dma_wait3A_740 : memref<1x16x128xf32, #tpu.memory_space<vmem>> -> memref<16x128xf32, #tpu.memory_space<vmem>>
      %dma_wait3A_742 = arith.constant 0 : i32
      %dma_wait3A_743 = tpu.memref_slice %arg3[%multiple_of3A, %dma_wait3A_742] : memref<32x1000000xf32, #tpu.memory_space<hbm>> -> memref<16x128xf32, #tpu.memory_space<hbm>>
      tpu.wait_dma2 semaphore(%arg9 : memref<!tpu.dma_semaphore, #tpu.memory_space<semaphore_mem>>) src(%dma_wait3A_743 : memref<16x128xf32, #tpu.memory_space<hbm>>) dst(%dma_wait3A_741 : memref<16x128xf32, #tpu.memory_space<vmem>>)
      %dma_wait3A_744 = arith.constant 12 : i32
      %dma_wait3A_745 = arith.constant 0 : i32
      %dma_wait3A_746 = arith.constant 0 : i32
      %dma_wait3A_747 = tpu.memref_slice %arg6[%dma_wait3A_744, %dma_wait3A_745, %dma_wait3A_746] : memref<16x16x128xf32, #tpu.memory_space<vmem>> -> memref<1x16x128xf32, #tpu.memory_space<vmem>>
      %dma_wait3A_748 = tpu.memref_squeeze %dma_wait3A_747 : memref<1x16x128xf32, #tpu.memory_space<vmem>> -> memref<16x128xf32, #tpu.memory_space<vmem>>
      %dma_wait3A_749 = arith.constant 0 : i32
      %dma_wait3A_750 = tpu.memref_slice %arg3[%multiple_of3A, %dma_wait3A_749] : memref<32x1000000xf32, #tpu.memory_space<hbm>> -> memref<16x128xf32, #tpu.memory_space<hbm>>
      %dma_wait3A_751 = arith.constant 0 : i32
      %dma_wait3A_752 = arith.constant 0 : i32
      %dma_wait3A_753 = tpu.memref_slice %arg6[%dma_wait3A_744, %dma_wait3A_751, %dma_wait3A_752] : memref<16x16x128xf32, #tpu.memory_space<vmem>> -> memref<1x16x128xf32, #tpu.memory_space<vmem>>
      %dma_wait3A_754 = tpu.memref_squeeze %dma_wait3A_753 : memref<1x16x128xf32, #tpu.memory_space<vmem>> -> memref<16x128xf32, #tpu.memory_space<vmem>>
      %dma_wait3A_755 = arith.constant 0 : i32
      %dma_wait3A_756 = tpu.memref_slice %arg3[%multiple_of3A, %dma_wait3A_755] : memref<32x1000000xf32, #tpu.memory_space<hbm>> -> memref<16x128xf32, #tpu.memory_space<hbm>>
      tpu.wait_dma2 semaphore(%arg9 : memref<!tpu.dma_semaphore, #tpu.memory_space<semaphore_mem>>) src(%dma_wait3A_756 : memref<16x128xf32, #tpu.memory_space<hbm>>) dst(%dma_wait3A_754 : memref<16x128xf32, #tpu.memory_space<vmem>>)
      %dma_wait3A_757 = arith.constant 13 : i32
      %dma_wait3A_758 = arith.constant 0 : i32
      %dma_wait3A_759 = arith.constant 0 : i32
      %dma_wait3A_760 = tpu.memref_slice %arg6[%dma_wait3A_757, %dma_wait3A_758, %dma_wait3A_759] : memref<16x16x128xf32, #tpu.memory_space<vmem>> -> memref<1x16x128xf32, #tpu.memory_space<vmem>>
      %dma_wait3A_761 = tpu.memref_squeeze %dma_wait3A_760 : memref<1x16x128xf32, #tpu.memory_space<vmem>> -> memref<16x128xf32, #tpu.memory_space<vmem>>
      %dma_wait3A_762 = arith.constant 0 : i32
      %dma_wait3A_763 = tpu.memref_slice %arg3[%multiple_of3A, %dma_wait3A_762] : memref<32x1000000xf32, #tpu.memory_space<hbm>> -> memref<16x128xf32, #tpu.memory_space<hbm>>
      %dma_wait3A_764 = arith.constant 0 : i32
      %dma_wait3A_765 = arith.constant 0 : i32
      %dma_wait3A_766 = tpu.memref_slice %arg6[%dma_wait3A_757, %dma_wait3A_764, %dma_wait3A_765] : memref<16x16x128xf32, #tpu.memory_space<vmem>> -> memref<1x16x128xf32, #tpu.memory_space<vmem>>
      %dma_wait3A_767 = tpu.memref_squeeze %dma_wait3A_766 : memref<1x16x128xf32, #tpu.memory_space<vmem>> -> memref<16x128xf32, #tpu.memory_space<vmem>>
      %dma_wait3A_768 = arith.constant 0 : i32
      %dma_wait3A_769 = tpu.memref_slice %arg3[%multiple_of3A, %dma_wait3A_768] : memref<32x1000000xf32, #tpu.memory_space<hbm>> -> memref<16x128xf32, #tpu.memory_space<hbm>>
      tpu.wait_dma2 semaphore(%arg9 : memref<!tpu.dma_semaphore, #tpu.memory_space<semaphore_mem>>) src(%dma_wait3A_769 : memref<16x128xf32, #tpu.memory_space<hbm>>) dst(%dma_wait3A_767 : memref<16x128xf32, #tpu.memory_space<vmem>>)
      %dma_wait3A_770 = arith.constant 14 : i32
      %dma_wait3A_771 = arith.constant 0 : i32
      %dma_wait3A_772 = arith.constant 0 : i32
      %dma_wait3A_773 = tpu.memref_slice %arg6[%dma_wait3A_770, %dma_wait3A_771, %dma_wait3A_772] : memref<16x16x128xf32, #tpu.memory_space<vmem>> -> memref<1x16x128xf32, #tpu.memory_space<vmem>>
      %dma_wait3A_774 = tpu.memref_squeeze %dma_wait3A_773 : memref<1x16x128xf32, #tpu.memory_space<vmem>> -> memref<16x128xf32, #tpu.memory_space<vmem>>
      %dma_wait3A_775 = arith.constant 0 : i32
      %dma_wait3A_776 = tpu.memref_slice %arg3[%multiple_of3A, %dma_wait3A_775] : memref<32x1000000xf32, #tpu.memory_space<hbm>> -> memref<16x128xf32, #tpu.memory_space<hbm>>
      %dma_wait3A_777 = arith.constant 0 : i32
      %dma_wait3A_778 = arith.constant 0 : i32
      %dma_wait3A_779 = tpu.memref_slice %arg6[%dma_wait3A_770, %dma_wait3A_777, %dma_wait3A_778] : memref<16x16x128xf32, #tpu.memory_space<vmem>> -> memref<1x16x128xf32, #tpu.memory_space<vmem>>
      %dma_wait3A_780 = tpu.memref_squeeze %dma_wait3A_779 : memref<1x16x128xf32, #tpu.memory_space<vmem>> -> memref<16x128xf32, #tpu.memory_space<vmem>>
      %dma_wait3A_781 = arith.constant 0 : i32
      %dma_wait3A_782 = tpu.memref_slice %arg3[%multiple_of3A, %dma_wait3A_781] : memref<32x1000000xf32, #tpu.memory_space<hbm>> -> memref<16x128xf32, #tpu.memory_space<hbm>>
      tpu.wait_dma2 semaphore(%arg9 : memref<!tpu.dma_semaphore, #tpu.memory_space<semaphore_mem>>) src(%dma_wait3A_782 : memref<16x128xf32, #tpu.memory_space<hbm>>) dst(%dma_wait3A_780 : memref<16x128xf32, #tpu.memory_space<vmem>>)
      %dma_wait3A_783 = arith.constant 15 : i32
      %dma_wait3A_784 = arith.constant 0 : i32
      %dma_wait3A_785 = arith.constant 0 : i32
      %dma_wait3A_786 = tpu.memref_slice %arg6[%dma_wait3A_783, %dma_wait3A_784, %dma_wait3A_785] : memref<16x16x128xf32, #tpu.memory_space<vmem>> -> memref<1x16x128xf32, #tpu.memory_space<vmem>>
      %dma_wait3A_787 = tpu.memref_squeeze %dma_wait3A_786 : memref<1x16x128xf32, #tpu.memory_space<vmem>> -> memref<16x128xf32, #tpu.memory_space<vmem>>
      %dma_wait3A_788 = arith.constant 0 : i32
      %dma_wait3A_789 = tpu.memref_slice %arg3[%multiple_of3A, %dma_wait3A_788] : memref<32x1000000xf32, #tpu.memory_space<hbm>> -> memref<16x128xf32, #tpu.memory_space<hbm>>
      %dma_wait3A_790 = arith.constant 0 : i32
      %dma_wait3A_791 = arith.constant 0 : i32
      %dma_wait3A_792 = tpu.memref_slice %arg6[%dma_wait3A_783, %dma_wait3A_790, %dma_wait3A_791] : memref<16x16x128xf32, #tpu.memory_space<vmem>> -> memref<1x16x128xf32, #tpu.memory_space<vmem>>
      %dma_wait3A_793 = tpu.memref_squeeze %dma_wait3A_792 : memref<1x16x128xf32, #tpu.memory_space<vmem>> -> memref<16x128xf32, #tpu.memory_space<vmem>>
      %dma_wait3A_794 = arith.constant 0 : i32
      %dma_wait3A_795 = tpu.memref_slice %arg3[%multiple_of3A, %dma_wait3A_794] : memref<32x1000000xf32, #tpu.memory_space<hbm>> -> memref<16x128xf32, #tpu.memory_space<hbm>>
      tpu.wait_dma2 semaphore(%arg9 : memref<!tpu.dma_semaphore, #tpu.memory_space<semaphore_mem>>) src(%dma_wait3A_795 : memref<16x128xf32, #tpu.memory_space<hbm>>) dst(%dma_wait3A_793 : memref<16x128xf32, #tpu.memory_space<vmem>>)
      %mul3A_796 = arith.constant 16 : i32
      %mul3A_797 = arith.muli %mul3A_587, %mul3A_796 : i32
      %get3A_798 = arith.index_cast %mul3A_797 : i32 to index
      %get3A_799 = tpu.vector_load %arg5[%get3A_798] {strides = array<i32>} : memref<1024xi32, #tpu.memory_space<vmem>>, vector<16xi32>,
      %slice3A_800 = vector.extract_strided_slice %get3A_799 {offsets = [0], sizes = [1], strides = [1]} : vector<16xi32> to vector<1xi32>
      %squeeze3A_801 = vector.extract %slice3A_800[0] : i32 from vector<1xi32>
      %and3A = arith.constant 127 : i32
      %and3A_802 = arith.andi %squeeze3A_801, %and3A : i32
      %broadcast_in_dim3A = vector.broadcast %and3A_802 : i32 to vector<16xi32>
      %gather3A = arith.constant 0 : i32
      %gather3A_803 = arith.constant 0 : i32
      %gather3A_804 = arith.constant 0 : i32
      %gather3A_805 = tpu.memref_slice %arg6[%gather3A, %gather3A_803, %gather3A_804] : memref<16x16x128xf32, #tpu.memory_space<vmem>> -> memref<1x16x128xf32, #tpu.memory_space<vmem>>
      %gather3A_806 = tpu.memref_squeeze %gather3A_805 : memref<1x16x128xf32, #tpu.memory_space<vmem>> -> memref<16x128xf32, #tpu.memory_space<vmem>>
      %gather3A_807 = tpu.vector_load_idx %gather3A_806[%iota3A, %broadcast_in_dim3A] : memref<16x128xf32, #tpu.memory_space<vmem>>[vector<16xi32>, vector<16xi32>], vector<16xf32>,
      %mul3A_808 = arith.constant 16 : i32
      %mul3A_809 = arith.muli %mul3A_587, %mul3A_808 : i32
      %add3A = arith.constant 0 : i32
      %add3A_810 = arith.addi %mul3A_809, %add3A : i32
      %broadcast_in_dim3A_811 = vector.broadcast %add3A_810 : i32 to vector<16xi32>
      tpu.vector_store_idx %arg8[%iota3A, %broadcast_in_dim3A_811], %gather3A_807 : memref<16x1024xf32, #tpu.memory_space<vmem>>[vector<16xi32>, vector<16xi32>], vector<16xf32>,
      %slice3A_812 = vector.extract_strided_slice %get3A_799 {offsets = [1], sizes = [1], strides = [1]} : vector<16xi32> to vector<1xi32>
      %squeeze3A_813 = vector.extract %slice3A_812[0] : i32 from vector<1xi32>
      %and3A_814 = arith.constant 127 : i32
      %and3A_815 = arith.andi %squeeze3A_813, %and3A_814 : i32
      %broadcast_in_dim3A_816 = vector.broadcast %and3A_815 : i32 to vector<16xi32>
      %gather3A_817 = arith.constant 1 : i32
      %gather3A_818 = arith.constant 0 : i32
      %gather3A_819 = arith.constant 0 : i32
      %gather3A_820 = tpu.memref_slice %arg6[%gather3A_817, %gather3A_818, %gather3A_819] : memref<16x16x128xf32, #tpu.memory_space<vmem>> -> memref<1x16x128xf32, #tpu.memory_space<vmem>>
      %gather3A_821 = tpu.memref_squeeze %gather3A_820 : memref<1x16x128xf32, #tpu.memory_space<vmem>> -> memref<16x128xf32, #tpu.memory_space<vmem>>
      %gather3A_822 = tpu.vector_load_idx %gather3A_821[%iota3A, %broadcast_in_dim3A_816] : memref<16x128xf32, #tpu.memory_space<vmem>>[vector<16xi32>, vector<16xi32>], vector<16xf32>,
      %mul3A_823 = arith.constant 16 : i32
      %mul3A_824 = arith.muli %mul3A_587, %mul3A_823 : i32
      %add3A_825 = arith.constant 1 : i32
      %add3A_826 = arith.addi %mul3A_824, %add3A_825 : i32
      %broadcast_in_dim3A_827 = vector.broadcast %add3A_826 : i32 to vector<16xi32>
      tpu.vector_store_idx %arg8[%iota3A, %broadcast_in_dim3A_827], %gather3A_822 : memref<16x1024xf32, #tpu.memory_space<vmem>>[vector<16xi32>, vector<16xi32>], vector<16xf32>,
      %slice3A_828 = vector.extract_strided_slice %get3A_799 {offsets = [2], sizes = [1], strides = [1]} : vector<16xi32> to vector<1xi32>
      %squeeze3A_829 = vector.extract %slice3A_828[0] : i32 from vector<1xi32>
      %and3A_830 = arith.constant 127 : i32
      %and3A_831 = arith.andi %squeeze3A_829, %and3A_830 : i32
      %broadcast_in_dim3A_832 = vector.broadcast %and3A_831 : i32 to vector<16xi32>
      %gather3A_833 = arith.constant 2 : i32
      %gather3A_834 = arith.constant 0 : i32
      %gather3A_835 = arith.constant 0 : i32
      %gather3A_836 = tpu.memref_slice %arg6[%gather3A_833, %gather3A_834, %gather3A_835] : memref<16x16x128xf32, #tpu.memory_space<vmem>> -> memref<1x16x128xf32, #tpu.memory_space<vmem>>
      %gather3A_837 = tpu.memref_squeeze %gather3A_836 : memref<1x16x128xf32, #tpu.memory_space<vmem>> -> memref<16x128xf32, #tpu.memory_space<vmem>>
      %gather3A_838 = tpu.vector_load_idx %gather3A_837[%iota3A, %broadcast_in_dim3A_832] : memref<16x128xf32, #tpu.memory_space<vmem>>[vector<16xi32>, vector<16xi32>], vector<16xf32>,
      %mul3A_839 = arith.constant 16 : i32
      %mul3A_840 = arith.muli %mul3A_587, %mul3A_839 : i32
      %add3A_841 = arith.constant 2 : i32
      %add3A_842 = arith.addi %mul3A_840, %add3A_841 : i32
      %broadcast_in_dim3A_843 = vector.broadcast %add3A_842 : i32 to vector<16xi32>
      tpu.vector_store_idx %arg8[%iota3A, %broadcast_in_dim3A_843], %gather3A_838 : memref<16x1024xf32, #tpu.memory_space<vmem>>[vector<16xi32>, vector<16xi32>], vector<16xf32>,
      %slice3A_844 = vector.extract_strided_slice %get3A_799 {offsets = [3], sizes = [1], strides = [1]} : vector<16xi32> to vector<1xi32>
      %squeeze3A_845 = vector.extract %slice3A_844[0] : i32 from vector<1xi32>
      %and3A_846 = arith.constant 127 : i32
      %and3A_847 = arith.andi %squeeze3A_845, %and3A_846 : i32
      %broadcast_in_dim3A_848 = vector.broadcast %and3A_847 : i32 to vector<16xi32>
      %gather3A_849 = arith.constant 3 : i32
      %gather3A_850 = arith.constant 0 : i32
      %gather3A_851 = arith.constant 0 : i32
      %gather3A_852 = tpu.memref_slice %arg6[%gather3A_849, %gather3A_850, %gather3A_851] : memref<16x16x128xf32, #tpu.memory_space<vmem>> -> memref<1x16x128xf32, #tpu.memory_space<vmem>>
      %gather3A_853 = tpu.memref_squeeze %gather3A_852 : memref<1x16x128xf32, #tpu.memory_space<vmem>> -> memref<16x128xf32, #tpu.memory_space<vmem>>
      %gather3A_854 = tpu.vector_load_idx %gather3A_853[%iota3A, %broadcast_in_dim3A_848] : memref<16x128xf32, #tpu.memory_space<vmem>>[vector<16xi32>, vector<16xi32>], vector<16xf32>,
      %mul3A_855 = arith.constant 16 : i32
      %mul3A_856 = arith.muli %mul3A_587, %mul3A_855 : i32
      %add3A_857 = arith.constant 3 : i32
      %add3A_858 = arith.addi %mul3A_856, %add3A_857 : i32
      %broadcast_in_dim3A_859 = vector.broadcast %add3A_858 : i32 to vector<16xi32>
      tpu.vector_store_idx %arg8[%iota3A, %broadcast_in_dim3A_859], %gather3A_854 : memref<16x1024xf32, #tpu.memory_space<vmem>>[vector<16xi32>, vector<16xi32>], vector<16xf32>,
      %slice3A_860 = vector.extract_strided_slice %get3A_799 {offsets = [4], sizes = [1], strides = [1]} : vector<16xi32> to vector<1xi32>
      %squeeze3A_861 = vector.extract %slice3A_860[0] : i32 from vector<1xi32>
      %and3A_862 = arith.constant 127 : i32
      %and3A_863 = arith.andi %squeeze3A_861, %and3A_862 : i32
      %broadcast_in_dim3A_864 = vector.broadcast %and3A_863 : i32 to vector<16xi32>
      %gather3A_865 = arith.constant 4 : i32
      %gather3A_866 = arith.constant 0 : i32
      %gather3A_867 = arith.constant 0 : i32
      %gather3A_868 = tpu.memref_slice %arg6[%gather3A_865, %gather3A_866, %gather3A_867] : memref<16x16x128xf32, #tpu.memory_space<vmem>> -> memref<1x16x128xf32, #tpu.memory_space<vmem>>
      %gather3A_869 = tpu.memref_squeeze %gather3A_868 : memref<1x16x128xf32, #tpu.memory_space<vmem>> -> memref<16x128xf32, #tpu.memory_space<vmem>>
      %gather3A_870 = tpu.vector_load_idx %gather3A_869[%iota3A, %broadcast_in_dim3A_864] : memref<16x128xf32, #tpu.memory_space<vmem>>[vector<16xi32>, vector<16xi32>], vector<16xf32>,
      %mul3A_871 = arith.constant 16 : i32
      %mul3A_872 = arith.muli %mul3A_587, %mul3A_871 : i32
      %add3A_873 = arith.constant 4 : i32
      %add3A_874 = arith.addi %mul3A_872, %add3A_873 : i32
      %broadcast_in_dim3A_875 = vector.broadcast %add3A_874 : i32 to vector<16xi32>
      tpu.vector_store_idx %arg8[%iota3A, %broadcast_in_dim3A_875], %gather3A_870 : memref<16x1024xf32, #tpu.memory_space<vmem>>[vector<16xi32>, vector<16xi32>], vector<16xf32>,
      %slice3A_876 = vector.extract_strided_slice %get3A_799 {offsets = [5], sizes = [1], strides = [1]} : vector<16xi32> to vector<1xi32>
      %squeeze3A_877 = vector.extract %slice3A_876[0] : i32 from vector<1xi32>
      %and3A_878 = arith.constant 127 : i32
      %and3A_879 = arith.andi %squeeze3A_877, %and3A_878 : i32
      %broadcast_in_dim3A_880 = vector.broadcast %and3A_879 : i32 to vector<16xi32>
      %gather3A_881 = arith.constant 5 : i32
      %gather3A_882 = arith.constant 0 : i32
      %gather3A_883 = arith.constant 0 : i32
      %gather3A_884 = tpu.memref_slice %arg6[%gather3A_881, %gather3A_882, %gather3A_883] : memref<16x16x128xf32, #tpu.memory_space<vmem>> -> memref<1x16x128xf32, #tpu.memory_space<vmem>>
      %gather3A_885 = tpu.memref_squeeze %gather3A_884 : memref<1x16x128xf32, #tpu.memory_space<vmem>> -> memref<16x128xf32, #tpu.memory_space<vmem>>
      %gather3A_886 = tpu.vector_load_idx %gather3A_885[%iota3A, %broadcast_in_dim3A_880] : memref<16x128xf32, #tpu.memory_space<vmem>>[vector<16xi32>, vector<16xi32>], vector<16xf32>,
      %mul3A_887 = arith.constant 16 : i32
      %mul3A_888 = arith.muli %mul3A_587, %mul3A_887 : i32
      %add3A_889 = arith.constant 5 : i32
      %add3A_890 = arith.addi %mul3A_888, %add3A_889 : i32
      %broadcast_in_dim3A_891 = vector.broadcast %add3A_890 : i32 to vector<16xi32>
      tpu.vector_store_idx %arg8[%iota3A, %broadcast_in_dim3A_891], %gather3A_886 : memref<16x1024xf32, #tpu.memory_space<vmem>>[vector<16xi32>, vector<16xi32>], vector<16xf32>,
      %slice3A_892 = vector.extract_strided_slice %get3A_799 {offsets = [6], sizes = [1], strides = [1]} : vector<16xi32> to vector<1xi32>
      %squeeze3A_893 = vector.extract %slice3A_892[0] : i32 from vector<1xi32>
      %and3A_894 = arith.constant 127 : i32
      %and3A_895 = arith.andi %squeeze3A_893, %and3A_894 : i32
      %broadcast_in_dim3A_896 = vector.broadcast %and3A_895 : i32 to vector<16xi32>
      %gather3A_897 = arith.constant 6 : i32
      %gather3A_898 = arith.constant 0 : i32
      %gather3A_899 = arith.constant 0 : i32
      %gather3A_900 = tpu.memref_slice %arg6[%gather3A_897, %gather3A_898, %gather3A_899] : memref<16x16x128xf32, #tpu.memory_space<vmem>> -> memref<1x16x128xf32, #tpu.memory_space<vmem>>
      %gather3A_901 = tpu.memref_squeeze %gather3A_900 : memref<1x16x128xf32, #tpu.memory_space<vmem>> -> memref<16x128xf32, #tpu.memory_space<vmem>>
      %gather3A_902 = tpu.vector_load_idx %gather3A_901[%iota3A, %broadcast_in_dim3A_896] : memref<16x128xf32, #tpu.memory_space<vmem>>[vector<16xi32>, vector<16xi32>], vector<16xf32>,
      %mul3A_903 = arith.constant 16 : i32
      %mul3A_904 = arith.muli %mul3A_587, %mul3A_903 : i32
      %add3A_905 = arith.constant 6 : i32
      %add3A_906 = arith.addi %mul3A_904, %add3A_905 : i32
      %broadcast_in_dim3A_907 = vector.broadcast %add3A_906 : i32 to vector<16xi32>
      tpu.vector_store_idx %arg8[%iota3A, %broadcast_in_dim3A_907], %gather3A_902 : memref<16x1024xf32, #tpu.memory_space<vmem>>[vector<16xi32>, vector<16xi32>], vector<16xf32>,
      %slice3A_908 = vector.extract_strided_slice %get3A_799 {offsets = [7], sizes = [1], strides = [1]} : vector<16xi32> to vector<1xi32>
      %squeeze3A_909 = vector.extract %slice3A_908[0] : i32 from vector<1xi32>
      %and3A_910 = arith.constant 127 : i32
      %and3A_911 = arith.andi %squeeze3A_909, %and3A_910 : i32
      %broadcast_in_dim3A_912 = vector.broadcast %and3A_911 : i32 to vector<16xi32>
      %gather3A_913 = arith.constant 7 : i32
      %gather3A_914 = arith.constant 0 : i32
      %gather3A_915 = arith.constant 0 : i32
      %gather3A_916 = tpu.memref_slice %arg6[%gather3A_913, %gather3A_914, %gather3A_915] : memref<16x16x128xf32, #tpu.memory_space<vmem>> -> memref<1x16x128xf32, #tpu.memory_space<vmem>>
      %gather3A_917 = tpu.memref_squeeze %gather3A_916 : memref<1x16x128xf32, #tpu.memory_space<vmem>> -> memref<16x128xf32, #tpu.memory_space<vmem>>
      %gather3A_918 = tpu.vector_load_idx %gather3A_917[%iota3A, %broadcast_in_dim3A_912] : memref<16x128xf32, #tpu.memory_space<vmem>>[vector<16xi32>, vector<16xi32>], vector<16xf32>,
      %mul3A_919 = arith.constant 16 : i32
      %mul3A_920 = arith.muli %mul3A_587, %mul3A_919 : i32
      %add3A_921 = arith.constant 7 : i32
      %add3A_922 = arith.addi %mul3A_920, %add3A_921 : i32
      %broadcast_in_dim3A_923 = vector.broadcast %add3A_922 : i32 to vector<16xi32>
      tpu.vector_store_idx %arg8[%iota3A, %broadcast_in_dim3A_923], %gather3A_918 : memref<16x1024xf32, #tpu.memory_space<vmem>>[vector<16xi32>, vector<16xi32>], vector<16xf32>,
      %slice3A_924 = vector.extract_strided_slice %get3A_799 {offsets = [8], sizes = [1], strides = [1]} : vector<16xi32> to vector<1xi32>
      %squeeze3A_925 = vector.extract %slice3A_924[0] : i32 from vector<1xi32>
      %and3A_926 = arith.constant 127 : i32
      %and3A_927 = arith.andi %squeeze3A_925, %and3A_926 : i32
      %broadcast_in_dim3A_928 = vector.broadcast %and3A_927 : i32 to vector<16xi32>
      %gather3A_929 = arith.constant 8 : i32
      %gather3A_930 = arith.constant 0 : i32
      %gather3A_931 = arith.constant 0 : i32
      %gather3A_932 = tpu.memref_slice %arg6[%gather3A_929, %gather3A_930, %gather3A_931] : memref<16x16x128xf32, #tpu.memory_space<vmem>> -> memref<1x16x128xf32, #tpu.memory_space<vmem>>
      %gather3A_933 = tpu.memref_squeeze %gather3A_932 : memref<1x16x128xf32, #tpu.memory_space<vmem>> -> memref<16x128xf32, #tpu.memory_space<vmem>>
      %gather3A_934 = tpu.vector_load_idx %gather3A_933[%iota3A, %broadcast_in_dim3A_928] : memref<16x128xf32, #tpu.memory_space<vmem>>[vector<16xi32>, vector<16xi32>], vector<16xf32>,
      %mul3A_935 = arith.constant 16 : i32
      %mul3A_936 = arith.muli %mul3A_587, %mul3A_935 : i32
      %add3A_937 = arith.constant 8 : i32
      %add3A_938 = arith.addi %mul3A_936, %add3A_937 : i32
      %broadcast_in_dim3A_939 = vector.broadcast %add3A_938 : i32 to vector<16xi32>
      tpu.vector_store_idx %arg8[%iota3A, %broadcast_in_dim3A_939], %gather3A_934 : memref<16x1024xf32, #tpu.memory_space<vmem>>[vector<16xi32>, vector<16xi32>], vector<16xf32>,
      %slice3A_940 = vector.extract_strided_slice %get3A_799 {offsets = [9], sizes = [1], strides = [1]} : vector<16xi32> to vector<1xi32>
      %squeeze3A_941 = vector.extract %slice3A_940[0] : i32 from vector<1xi32>
      %and3A_942 = arith.constant 127 : i32
      %and3A_943 = arith.andi %squeeze3A_941, %and3A_942 : i32
      %broadcast_in_dim3A_944 = vector.broadcast %and3A_943 : i32 to vector<16xi32>
      %gather3A_945 = arith.constant 9 : i32
      %gather3A_946 = arith.constant 0 : i32
      %gather3A_947 = arith.constant 0 : i32
      %gather3A_948 = tpu.memref_slice %arg6[%gather3A_945, %gather3A_946, %gather3A_947] : memref<16x16x128xf32, #tpu.memory_space<vmem>> -> memref<1x16x128xf32, #tpu.memory_space<vmem>>
      %gather3A_949 = tpu.memref_squeeze %gather3A_948 : memref<1x16x128xf32, #tpu.memory_space<vmem>> -> memref<16x128xf32, #tpu.memory_space<vmem>>
      %gather3A_950 = tpu.vector_load_idx %gather3A_949[%iota3A, %broadcast_in_dim3A_944] : memref<16x128xf32, #tpu.memory_space<vmem>>[vector<16xi32>, vector<16xi32>], vector<16xf32>,
      %mul3A_951 = arith.constant 16 : i32
      %mul3A_952 = arith.muli %mul3A_587, %mul3A_951 : i32
      %add3A_953 = arith.constant 9 : i32
      %add3A_954 = arith.addi %mul3A_952, %add3A_953 : i32
      %broadcast_in_dim3A_955 = vector.broadcast %add3A_954 : i32 to vector<16xi32>
      tpu.vector_store_idx %arg8[%iota3A, %broadcast_in_dim3A_955], %gather3A_950 : memref<16x1024xf32, #tpu.memory_space<vmem>>[vector<16xi32>, vector<16xi32>], vector<16xf32>,
      %slice3A_956 = vector.extract_strided_slice %get3A_799 {offsets = [10], sizes = [1], strides = [1]} : vector<16xi32> to vector<1xi32>
      %squeeze3A_957 = vector.extract %slice3A_956[0] : i32 from vector<1xi32>
      %and3A_958 = arith.constant 127 : i32
      %and3A_959 = arith.andi %squeeze3A_957, %and3A_958 : i32
      %broadcast_in_dim3A_960 = vector.broadcast %and3A_959 : i32 to vector<16xi32>
      %gather3A_961 = arith.constant 10 : i32
      %gather3A_962 = arith.constant 0 : i32
      %gather3A_963 = arith.constant 0 : i32
      %gather3A_964 = tpu.memref_slice %arg6[%gather3A_961, %gather3A_962, %gather3A_963] : memref<16x16x128xf32, #tpu.memory_space<vmem>> -> memref<1x16x128xf32, #tpu.memory_space<vmem>>
      %gather3A_965 = tpu.memref_squeeze %gather3A_964 : memref<1x16x128xf32, #tpu.memory_space<vmem>> -> memref<16x128xf32, #tpu.memory_space<vmem>>
      %gather3A_966 = tpu.vector_load_idx %gather3A_965[%iota3A, %broadcast_in_dim3A_960] : memref<16x128xf32, #tpu.memory_space<vmem>>[vector<16xi32>, vector<16xi32>], vector<16xf32>,
      %mul3A_967 = arith.constant 16 : i32
      %mul3A_968 = arith.muli %mul3A_587, %mul3A_967 : i32
      %add3A_969 = arith.constant 10 : i32
      %add3A_970 = arith.addi %mul3A_968, %add3A_969 : i32
      %broadcast_in_dim3A_971 = vector.broadcast %add3A_970 : i32 to vector<16xi32>
      tpu.vector_store_idx %arg8[%iota3A, %broadcast_in_dim3A_971], %gather3A_966 : memref<16x1024xf32, #tpu.memory_space<vmem>>[vector<16xi32>, vector<16xi32>], vector<16xf32>,
      %slice3A_972 = vector.extract_strided_slice %get3A_799 {offsets = [11], sizes = [1], strides = [1]} : vector<16xi32> to vector<1xi32>
      %squeeze3A_973 = vector.extract %slice3A_972[0] : i32 from vector<1xi32>
      %and3A_974 = arith.constant 127 : i32
      %and3A_975 = arith.andi %squeeze3A_973, %and3A_974 : i32
      %broadcast_in_dim3A_976 = vector.broadcast %and3A_975 : i32 to vector<16xi32>
      %gather3A_977 = arith.constant 11 : i32
      %gather3A_978 = arith.constant 0 : i32
      %gather3A_979 = arith.constant 0 : i32
      %gather3A_980 = tpu.memref_slice %arg6[%gather3A_977, %gather3A_978, %gather3A_979] : memref<16x16x128xf32, #tpu.memory_space<vmem>> -> memref<1x16x128xf32, #tpu.memory_space<vmem>>
      %gather3A_981 = tpu.memref_squeeze %gather3A_980 : memref<1x16x128xf32, #tpu.memory_space<vmem>> -> memref<16x128xf32, #tpu.memory_space<vmem>>
      %gather3A_982 = tpu.vector_load_idx %gather3A_981[%iota3A, %broadcast_in_dim3A_976] : memref<16x128xf32, #tpu.memory_space<vmem>>[vector<16xi32>, vector<16xi32>], vector<16xf32>,
      %mul3A_983 = arith.constant 16 : i32
      %mul3A_984 = arith.muli %mul3A_587, %mul3A_983 : i32
      %add3A_985 = arith.constant 11 : i32
      %add3A_986 = arith.addi %mul3A_984, %add3A_985 : i32
      %broadcast_in_dim3A_987 = vector.broadcast %add3A_986 : i32 to vector<16xi32>
      tpu.vector_store_idx %arg8[%iota3A, %broadcast_in_dim3A_987], %gather3A_982 : memref<16x1024xf32, #tpu.memory_space<vmem>>[vector<16xi32>, vector<16xi32>], vector<16xf32>,
      %slice3A_988 = vector.extract_strided_slice %get3A_799 {offsets = [12], sizes = [1], strides = [1]} : vector<16xi32> to vector<1xi32>
      %squeeze3A_989 = vector.extract %slice3A_988[0] : i32 from vector<1xi32>
      %and3A_990 = arith.constant 127 : i32
      %and3A_991 = arith.andi %squeeze3A_989, %and3A_990 : i32
      %broadcast_in_dim3A_992 = vector.broadcast %and3A_991 : i32 to vector<16xi32>
      %gather3A_993 = arith.constant 12 : i32
      %gather3A_994 = arith.constant 0 : i32
      %gather3A_995 = arith.constant 0 : i32
      %gather3A_996 = tpu.memref_slice %arg6[%gather3A_993, %gather3A_994, %gather3A_995] : memref<16x16x128xf32, #tpu.memory_space<vmem>> -> memref<1x16x128xf32, #tpu.memory_space<vmem>>
      %gather3A_997 = tpu.memref_squeeze %gather3A_996 : memref<1x16x128xf32, #tpu.memory_space<vmem>> -> memref<16x128xf32, #tpu.memory_space<vmem>>
      %gather3A_998 = tpu.vector_load_idx %gather3A_997[%iota3A, %broadcast_in_dim3A_992] : memref<16x128xf32, #tpu.memory_space<vmem>>[vector<16xi32>, vector<16xi32>], vector<16xf32>,
      %mul3A_999 = arith.constant 16 : i32
      %mul3A_1000 = arith.muli %mul3A_587, %mul3A_999 : i32
      %add3A_1001 = arith.constant 12 : i32
      %add3A_1002 = arith.addi %mul3A_1000, %add3A_1001 : i32
      %broadcast_in_dim3A_1003 = vector.broadcast %add3A_1002 : i32 to vector<16xi32>
      tpu.vector_store_idx %arg8[%iota3A, %broadcast_in_dim3A_1003], %gather3A_998 : memref<16x1024xf32, #tpu.memory_space<vmem>>[vector<16xi32>, vector<16xi32>], vector<16xf32>,
      %slice3A_1004 = vector.extract_strided_slice %get3A_799 {offsets = [13], sizes = [1], strides = [1]} : vector<16xi32> to vector<1xi32>
      %squeeze3A_1005 = vector.extract %slice3A_1004[0] : i32 from vector<1xi32>
      %and3A_1006 = arith.constant 127 : i32
      %and3A_1007 = arith.andi %squeeze3A_1005, %and3A_1006 : i32
      %broadcast_in_dim3A_1008 = vector.broadcast %and3A_1007 : i32 to vector<16xi32>
      %gather3A_1009 = arith.constant 13 : i32
      %gather3A_1010 = arith.constant 0 : i32
      %gather3A_1011 = arith.constant 0 : i32
      %gather3A_1012 = tpu.memref_slice %arg6[%gather3A_1009, %gather3A_1010, %gather3A_1011] : memref<16x16x128xf32, #tpu.memory_space<vmem>> -> memref<1x16x128xf32, #tpu.memory_space<vmem>>
      %gather3A_1013 = tpu.memref_squeeze %gather3A_1012 : memref<1x16x128xf32, #tpu.memory_space<vmem>> -> memref<16x128xf32, #tpu.memory_space<vmem>>
      %gather3A_1014 = tpu.vector_load_idx %gather3A_1013[%iota3A, %broadcast_in_dim3A_1008] : memref<16x128xf32, #tpu.memory_space<vmem>>[vector<16xi32>, vector<16xi32>], vector<16xf32>,
      %mul3A_1015 = arith.constant 16 : i32
      %mul3A_1016 = arith.muli %mul3A_587, %mul3A_1015 : i32
      %add3A_1017 = arith.constant 13 : i32
      %add3A_1018 = arith.addi %mul3A_1016, %add3A_1017 : i32
      %broadcast_in_dim3A_1019 = vector.broadcast %add3A_1018 : i32 to vector<16xi32>
      tpu.vector_store_idx %arg8[%iota3A, %broadcast_in_dim3A_1019], %gather3A_1014 : memref<16x1024xf32, #tpu.memory_space<vmem>>[vector<16xi32>, vector<16xi32>], vector<16xf32>,
      %slice3A_1020 = vector.extract_strided_slice %get3A_799 {offsets = [14], sizes = [1], strides = [1]} : vector<16xi32> to vector<1xi32>
      %squeeze3A_1021 = vector.extract %slice3A_1020[0] : i32 from vector<1xi32>
      %and3A_1022 = arith.constant 127 : i32
      %and3A_1023 = arith.andi %squeeze3A_1021, %and3A_1022 : i32
      %broadcast_in_dim3A_1024 = vector.broadcast %and3A_1023 : i32 to vector<16xi32>
      %gather3A_1025 = arith.constant 14 : i32
      %gather3A_1026 = arith.constant 0 : i32
      %gather3A_1027 = arith.constant 0 : i32
      %gather3A_1028 = tpu.memref_slice %arg6[%gather3A_1025, %gather3A_1026, %gather3A_1027] : memref<16x16x128xf32, #tpu.memory_space<vmem>> -> memref<1x16x128xf32, #tpu.memory_space<vmem>>
      %gather3A_1029 = tpu.memref_squeeze %gather3A_1028 : memref<1x16x128xf32, #tpu.memory_space<vmem>> -> memref<16x128xf32, #tpu.memory_space<vmem>>
      %gather3A_1030 = tpu.vector_load_idx %gather3A_1029[%iota3A, %broadcast_in_dim3A_1024] : memref<16x128xf32, #tpu.memory_space<vmem>>[vector<16xi32>, vector<16xi32>], vector<16xf32>,
      %mul3A_1031 = arith.constant 16 : i32
      %mul3A_1032 = arith.muli %mul3A_587, %mul3A_1031 : i32
      %add3A_1033 = arith.constant 14 : i32
      %add3A_1034 = arith.addi %mul3A_1032, %add3A_1033 : i32
      %broadcast_in_dim3A_1035 = vector.broadcast %add3A_1034 : i32 to vector<16xi32>
      tpu.vector_store_idx %arg8[%iota3A, %broadcast_in_dim3A_1035], %gather3A_1030 : memref<16x1024xf32, #tpu.memory_space<vmem>>[vector<16xi32>, vector<16xi32>], vector<16xf32>,
      %slice3A_1036 = vector.extract_strided_slice %get3A_799 {offsets = [15], sizes = [1], strides = [1]} : vector<16xi32> to vector<1xi32>
      %squeeze3A_1037 = vector.extract %slice3A_1036[0] : i32 from vector<1xi32>
      %and3A_1038 = arith.constant 127 : i32
      %and3A_1039 = arith.andi %squeeze3A_1037, %and3A_1038 : i32
      %broadcast_in_dim3A_1040 = vector.broadcast %and3A_1039 : i32 to vector<16xi32>
      %gather3A_1041 = arith.constant 15 : i32
      %gather3A_1042 = arith.constant 0 : i32
      %gather3A_1043 = arith.constant 0 : i32
      %gather3A_1044 = tpu.memref_slice %arg6[%gather3A_1041, %gather3A_1042, %gather3A_1043] : memref<16x16x128xf32, #tpu.memory_space<vmem>> -> memref<1x16x128xf32, #tpu.memory_space<vmem>>
      %gather3A_1045 = tpu.memref_squeeze %gather3A_1044 : memref<1x16x128xf32, #tpu.memory_space<vmem>> -> memref<16x128xf32, #tpu.memory_space<vmem>>
      %gather3A_1046 = tpu.vector_load_idx %gather3A_1045[%iota3A, %broadcast_in_dim3A_1040] : memref<16x128xf32, #tpu.memory_space<vmem>>[vector<16xi32>, vector<16xi32>], vector<16xf32>,
      %mul3A_1047 = arith.constant 16 : i32
      %mul3A_1048 = arith.muli %mul3A_587, %mul3A_1047 : i32
      %add3A_1049 = arith.constant 15 : i32
      %add3A_1050 = arith.addi %mul3A_1048, %add3A_1049 : i32
      %broadcast_in_dim3A_1051 = vector.broadcast %add3A_1050 : i32 to vector<16xi32>
      tpu.vector_store_idx %arg8[%iota3A, %broadcast_in_dim3A_1051], %gather3A_1046 : memref<16x1024xf32, #tpu.memory_space<vmem>>[vector<16xi32>, vector<16xi32>], vector<16xf32>,
      %add3A_1052 = arith.constant 2 : i32
      %add3A_1053 = arith.addi %mul3A_587, %add3A_1052 : i32
      %lt3A = arith.constant 64 : i32
      %lt3A_1054 = arith.cmpi slt, %add3A_1053, %lt3A : i32
      %convert_element_type3A = arith.extui %lt3A_1054 : i1 to i32
      %cond3A = arith.constant 0 : i32
      %cond3A_1055 = arith.cmpi ne, %convert_element_type3A, %cond3A : i32
      scf.if %cond3A_1055 {
        %add3A_1535 = arith.constant 2 : i32
        %add3A_1536 = arith.addi %mul3A_587, %add3A_1535 : i32
        %mul3A_1537 = arith.constant 16 : i32
        %mul3A_1538 = arith.muli %add3A_1536, %mul3A_1537 : i32
        %get3A_1539 = arith.index_cast %mul3A_1538 : i32 to index
        %get3A_1540 = tpu.vector_load %arg5[%get3A_1539] {strides = array<i32>} : memref<1024xi32, #tpu.memory_space<vmem>>, vector<16xi32>,
        %slice3A_1541 = vector.extract_strided_slice %get3A_1540 {offsets = [0], sizes = [1], strides = [1]} : vector<16xi32> to vector<1xi32>
        %squeeze3A_1542 = vector.extract %slice3A_1541[0] : i32 from vector<1xi32>
        %shift_right_arithmetic3A_1543 = arith.constant 7 : i32
        %shift_right_arithmetic3A_1544 = arith.shrsi %squeeze3A_1542, %shift_right_arithmetic3A_1543 : i32
        %shift_left3A_1545 = arith.constant 7 : i32
        %shift_left3A_1546 = arith.shli %shift_right_arithmetic3A_1544, %shift_left3A_1545 : i32
        %multiple_of3A_1547 = tpu.assume_multiple %shift_left3A_1546, 128 : i32
        %dma_start3A_1548 = arith.constant 0 : i32
        %dma_start3A_1549 = arith.constant 0 : i32
        %dma_start3A_1550 = arith.constant 0 : i32
        %dma_start3A_1551 = tpu.memref_slice %arg6[%dma_start3A_1548, %dma_start3A_1549, %dma_start3A_1550] : memref<16x16x128xf32, #tpu.memory_space<vmem>> -> memref<1x16x128xf32, #tpu.memory_space<vmem>>
        %dma_start3A_1552 = tpu.memref_squeeze %dma_start3A_1551 : memref<1x16x128xf32, #tpu.memory_space<vmem>> -> memref<16x128xf32, #tpu.memory_space<vmem>>
        %dma_start3A_1553 = tpu.memref_slice %arg3[%multiple_of3A, %multiple_of3A_1547] : memref<32x1000000xf32, #tpu.memory_space<hbm>> -> memref<16x128xf32, #tpu.memory_space<hbm>>
        %dma_start3A_1554 = arith.constant 0 : i32
        %dma_start3A_1555 = arith.constant 0 : i32
        %dma_start3A_1556 = tpu.memref_slice %arg6[%dma_start3A_1548, %dma_start3A_1554, %dma_start3A_1555] : memref<16x16x128xf32, #tpu.memory_space<vmem>> -> memref<1x16x128xf32, #tpu.memory_space<vmem>>
        %dma_start3A_1557 = tpu.memref_squeeze %dma_start3A_1556 : memref<1x16x128xf32, #tpu.memory_space<vmem>> -> memref<16x128xf32, #tpu.memory_space<vmem>>
        %dma_start3A_1558 = tpu.memref_slice %arg3[%multiple_of3A, %multiple_of3A_1547] : memref<32x1000000xf32, #tpu.memory_space<hbm>> -> memref<16x128xf32, #tpu.memory_space<hbm>>
        tpu.enqueue_dma source(%dma_start3A_1558 : memref<16x128xf32, #tpu.memory_space<hbm>>) target(%dma_start3A_1557 : memref<16x128xf32, #tpu.memory_space<vmem>>) target_semaphore(%arg9 : memref<!tpu.dma_semaphore, #tpu.memory_space<semaphore_mem>>)
        %slice3A_1559 = vector.extract_strided_slice %get3A_1540 {offsets = [1], sizes = [1], strides = [1]} : vector<16xi32> to vector<1xi32>
        %squeeze3A_1560 = vector.extract %slice3A_1559[0] : i32 from vector<1xi32>
        %shift_right_arithmetic3A_1561 = arith.constant 7 : i32
        %shift_right_arithmetic3A_1562 = arith.shrsi %squeeze3A_1560, %shift_right_arithmetic3A_1561 : i32
        %shift_left3A_1563 = arith.constant 7 : i32
        %shift_left3A_1564 = arith.shli %shift_right_arithmetic3A_1562, %shift_left3A_1563 : i32
        %multiple_of3A_1565 = tpu.assume_multiple %shift_left3A_1564, 128 : i32
        %dma_start3A_1566 = arith.constant 1 : i32
        %dma_start3A_1567 = arith.constant 0 : i32
        %dma_start3A_1568 = arith.constant 0 : i32
        %dma_start3A_1569 = tpu.memref_slice %arg6[%dma_start3A_1566, %dma_start3A_1567, %dma_start3A_1568] : memref<16x16x128xf32, #tpu.memory_space<vmem>> -> memref<1x16x128xf32, #tpu.memory_space<vmem>>
        %dma_start3A_1570 = tpu.memref_squeeze %dma_start3A_1569 : memref<1x16x128xf32, #tpu.memory_space<vmem>> -> memref<16x128xf32, #tpu.memory_space<vmem>>
        %dma_start3A_1571 = tpu.memref_slice %arg3[%multiple_of3A, %multiple_of3A_1565] : memref<32x1000000xf32, #tpu.memory_space<hbm>> -> memref<16x128xf32, #tpu.memory_space<hbm>>
        %dma_start3A_1572 = arith.constant 0 : i32
        %dma_start3A_1573 = arith.constant 0 : i32
        %dma_start3A_1574 = tpu.memref_slice %arg6[%dma_start3A_1566, %dma_start3A_1572, %dma_start3A_1573] : memref<16x16x128xf32, #tpu.memory_space<vmem>> -> memref<1x16x128xf32, #tpu.memory_space<vmem>>
        %dma_start3A_1575 = tpu.memref_squeeze %dma_start3A_1574 : memref<1x16x128xf32, #tpu.memory_space<vmem>> -> memref<16x128xf32, #tpu.memory_space<vmem>>
        %dma_start3A_1576 = tpu.memref_slice %arg3[%multiple_of3A, %multiple_of3A_1565] : memref<32x1000000xf32, #tpu.memory_space<hbm>> -> memref<16x128xf32, #tpu.memory_space<hbm>>
        tpu.enqueue_dma source(%dma_start3A_1576 : memref<16x128xf32, #tpu.memory_space<hbm>>) target(%dma_start3A_1575 : memref<16x128xf32, #tpu.memory_space<vmem>>) target_semaphore(%arg9 : memref<!tpu.dma_semaphore, #tpu.memory_space<semaphore_mem>>)
        %slice3A_1577 = vector.extract_strided_slice %get3A_1540 {offsets = [2], sizes = [1], strides = [1]} : vector<16xi32> to vector<1xi32>
        %squeeze3A_1578 = vector.extract %slice3A_1577[0] : i32 from vector<1xi32>
        %shift_right_arithmetic3A_1579 = arith.constant 7 : i32
        %shift_right_arithmetic3A_1580 = arith.shrsi %squeeze3A_1578, %shift_right_arithmetic3A_1579 : i32
        %shift_left3A_1581 = arith.constant 7 : i32
        %shift_left3A_1582 = arith.shli %shift_right_arithmetic3A_1580, %shift_left3A_1581 : i32
        %multiple_of3A_1583 = tpu.assume_multiple %shift_left3A_1582, 128 : i32
        %dma_start3A_1584 = arith.constant 2 : i32
        %dma_start3A_1585 = arith.constant 0 : i32
        %dma_start3A_1586 = arith.constant 0 : i32
        %dma_start3A_1587 = tpu.memref_slice %arg6[%dma_start3A_1584, %dma_start3A_1585, %dma_start3A_1586] : memref<16x16x128xf32, #tpu.memory_space<vmem>> -> memref<1x16x128xf32, #tpu.memory_space<vmem>>
        %dma_start3A_1588 = tpu.memref_squeeze %dma_start3A_1587 : memref<1x16x128xf32, #tpu.memory_space<vmem>> -> memref<16x128xf32, #tpu.memory_space<vmem>>
        %dma_start3A_1589 = tpu.memref_slice %arg3[%multiple_of3A, %multiple_of3A_1583] : memref<32x1000000xf32, #tpu.memory_space<hbm>> -> memref<16x128xf32, #tpu.memory_space<hbm>>
        %dma_start3A_1590 = arith.constant 0 : i32
        %dma_start3A_1591 = arith.constant 0 : i32
        %dma_start3A_1592 = tpu.memref_slice %arg6[%dma_start3A_1584, %dma_start3A_1590, %dma_start3A_1591] : memref<16x16x128xf32, #tpu.memory_space<vmem>> -> memref<1x16x128xf32, #tpu.memory_space<vmem>>
        %dma_start3A_1593 = tpu.memref_squeeze %dma_start3A_1592 : memref<1x16x128xf32, #tpu.memory_space<vmem>> -> memref<16x128xf32, #tpu.memory_space<vmem>>
        %dma_start3A_1594 = tpu.memref_slice %arg3[%multiple_of3A, %multiple_of3A_1583] : memref<32x1000000xf32, #tpu.memory_space<hbm>> -> memref<16x128xf32, #tpu.memory_space<hbm>>
        tpu.enqueue_dma source(%dma_start3A_1594 : memref<16x128xf32, #tpu.memory_space<hbm>>) target(%dma_start3A_1593 : memref<16x128xf32, #tpu.memory_space<vmem>>) target_semaphore(%arg9 : memref<!tpu.dma_semaphore, #tpu.memory_space<semaphore_mem>>)
        %slice3A_1595 = vector.extract_strided_slice %get3A_1540 {offsets = [3], sizes = [1], strides = [1]} : vector<16xi32> to vector<1xi32>
        %squeeze3A_1596 = vector.extract %slice3A_1595[0] : i32 from vector<1xi32>
        %shift_right_arithmetic3A_1597 = arith.constant 7 : i32
        %shift_right_arithmetic3A_1598 = arith.shrsi %squeeze3A_1596, %shift_right_arithmetic3A_1597 : i32
        %shift_left3A_1599 = arith.constant 7 : i32
        %shift_left3A_1600 = arith.shli %shift_right_arithmetic3A_1598, %shift_left3A_1599 : i32
        %multiple_of3A_1601 = tpu.assume_multiple %shift_left3A_1600, 128 : i32
        %dma_start3A_1602 = arith.constant 3 : i32
        %dma_start3A_1603 = arith.constant 0 : i32
        %dma_start3A_1604 = arith.constant 0 : i32
        %dma_start3A_1605 = tpu.memref_slice %arg6[%dma_start3A_1602, %dma_start3A_1603, %dma_start3A_1604] : memref<16x16x128xf32, #tpu.memory_space<vmem>> -> memref<1x16x128xf32, #tpu.memory_space<vmem>>
        %dma_start3A_1606 = tpu.memref_squeeze %dma_start3A_1605 : memref<1x16x128xf32, #tpu.memory_space<vmem>> -> memref<16x128xf32, #tpu.memory_space<vmem>>
        %dma_start3A_1607 = tpu.memref_slice %arg3[%multiple_of3A, %multiple_of3A_1601] : memref<32x1000000xf32, #tpu.memory_space<hbm>> -> memref<16x128xf32, #tpu.memory_space<hbm>>
        %dma_start3A_1608 = arith.constant 0 : i32
        %dma_start3A_1609 = arith.constant 0 : i32
        %dma_start3A_1610 = tpu.memref_slice %arg6[%dma_start3A_1602, %dma_start3A_1608, %dma_start3A_1609] : memref<16x16x128xf32, #tpu.memory_space<vmem>> -> memref<1x16x128xf32, #tpu.memory_space<vmem>>
        %dma_start3A_1611 = tpu.memref_squeeze %dma_start3A_1610 : memref<1x16x128xf32, #tpu.memory_space<vmem>> -> memref<16x128xf32, #tpu.memory_space<vmem>>
        %dma_start3A_1612 = tpu.memref_slice %arg3[%multiple_of3A, %multiple_of3A_1601] : memref<32x1000000xf32, #tpu.memory_space<hbm>> -> memref<16x128xf32, #tpu.memory_space<hbm>>
        tpu.enqueue_dma source(%dma_start3A_1612 : memref<16x128xf32, #tpu.memory_space<hbm>>) target(%dma_start3A_1611 : memref<16x128xf32, #tpu.memory_space<vmem>>) target_semaphore(%arg9 : memref<!tpu.dma_semaphore, #tpu.memory_space<semaphore_mem>>)
        %slice3A_1613 = vector.extract_strided_slice %get3A_1540 {offsets = [4], sizes = [1], strides = [1]} : vector<16xi32> to vector<1xi32>
        %squeeze3A_1614 = vector.extract %slice3A_1613[0] : i32 from vector<1xi32>
        %shift_right_arithmetic3A_1615 = arith.constant 7 : i32
        %shift_right_arithmetic3A_1616 = arith.shrsi %squeeze3A_1614, %shift_right_arithmetic3A_1615 : i32
        %shift_left3A_1617 = arith.constant 7 : i32
        %shift_left3A_1618 = arith.shli %shift_right_arithmetic3A_1616, %shift_left3A_1617 : i32
        %multiple_of3A_1619 = tpu.assume_multiple %shift_left3A_1618, 128 : i32
        %dma_start3A_1620 = arith.constant 4 : i32
        %dma_start3A_1621 = arith.constant 0 : i32
        %dma_start3A_1622 = arith.constant 0 : i32
        %dma_start3A_1623 = tpu.memref_slice %arg6[%dma_start3A_1620, %dma_start3A_1621, %dma_start3A_1622] : memref<16x16x128xf32, #tpu.memory_space<vmem>> -> memref<1x16x128xf32, #tpu.memory_space<vmem>>
        %dma_start3A_1624 = tpu.memref_squeeze %dma_start3A_1623 : memref<1x16x128xf32, #tpu.memory_space<vmem>> -> memref<16x128xf32, #tpu.memory_space<vmem>>
        %dma_start3A_1625 = tpu.memref_slice %arg3[%multiple_of3A, %multiple_of3A_1619] : memref<32x1000000xf32, #tpu.memory_space<hbm>> -> memref<16x128xf32, #tpu.memory_space<hbm>>
        %dma_start3A_1626 = arith.constant 0 : i32
        %dma_start3A_1627 = arith.constant 0 : i32
        %dma_start3A_1628 = tpu.memref_slice %arg6[%dma_start3A_1620, %dma_start3A_1626, %dma_start3A_1627] : memref<16x16x128xf32, #tpu.memory_space<vmem>> -> memref<1x16x128xf32, #tpu.memory_space<vmem>>
        %dma_start3A_1629 = tpu.memref_squeeze %dma_start3A_1628 : memref<1x16x128xf32, #tpu.memory_space<vmem>> -> memref<16x128xf32, #tpu.memory_space<vmem>>
        %dma_start3A_1630 = tpu.memref_slice %arg3[%multiple_of3A, %multiple_of3A_1619] : memref<32x1000000xf32, #tpu.memory_space<hbm>> -> memref<16x128xf32, #tpu.memory_space<hbm>>
        tpu.enqueue_dma source(%dma_start3A_1630 : memref<16x128xf32, #tpu.memory_space<hbm>>) target(%dma_start3A_1629 : memref<16x128xf32, #tpu.memory_space<vmem>>) target_semaphore(%arg9 : memref<!tpu.dma_semaphore, #tpu.memory_space<semaphore_mem>>)
        %slice3A_1631 = vector.extract_strided_slice %get3A_1540 {offsets = [5], sizes = [1], strides = [1]} : vector<16xi32> to vector<1xi32>
        %squeeze3A_1632 = vector.extract %slice3A_1631[0] : i32 from vector<1xi32>
        %shift_right_arithmetic3A_1633 = arith.constant 7 : i32
        %shift_right_arithmetic3A_1634 = arith.shrsi %squeeze3A_1632, %shift_right_arithmetic3A_1633 : i32
        %shift_left3A_1635 = arith.constant 7 : i32
        %shift_left3A_1636 = arith.shli %shift_right_arithmetic3A_1634, %shift_left3A_1635 : i32
        %multiple_of3A_1637 = tpu.assume_multiple %shift_left3A_1636, 128 : i32
        %dma_start3A_1638 = arith.constant 5 : i32
        %dma_start3A_1639 = arith.constant 0 : i32
        %dma_start3A_1640 = arith.constant 0 : i32
        %dma_start3A_1641 = tpu.memref_slice %arg6[%dma_start3A_1638, %dma_start3A_1639, %dma_start3A_1640] : memref<16x16x128xf32, #tpu.memory_space<vmem>> -> memref<1x16x128xf32, #tpu.memory_space<vmem>>
        %dma_start3A_1642 = tpu.memref_squeeze %dma_start3A_1641 : memref<1x16x128xf32, #tpu.memory_space<vmem>> -> memref<16x128xf32, #tpu.memory_space<vmem>>
        %dma_start3A_1643 = tpu.memref_slice %arg3[%multiple_of3A, %multiple_of3A_1637] : memref<32x1000000xf32, #tpu.memory_space<hbm>> -> memref<16x128xf32, #tpu.memory_space<hbm>>
        %dma_start3A_1644 = arith.constant 0 : i32
        %dma_start3A_1645 = arith.constant 0 : i32
        %dma_start3A_1646 = tpu.memref_slice %arg6[%dma_start3A_1638, %dma_start3A_1644, %dma_start3A_1645] : memref<16x16x128xf32, #tpu.memory_space<vmem>> -> memref<1x16x128xf32, #tpu.memory_space<vmem>>
        %dma_start3A_1647 = tpu.memref_squeeze %dma_start3A_1646 : memref<1x16x128xf32, #tpu.memory_space<vmem>> -> memref<16x128xf32, #tpu.memory_space<vmem>>
        %dma_start3A_1648 = tpu.memref_slice %arg3[%multiple_of3A, %multiple_of3A_1637] : memref<32x1000000xf32, #tpu.memory_space<hbm>> -> memref<16x128xf32, #tpu.memory_space<hbm>>
        tpu.enqueue_dma source(%dma_start3A_1648 : memref<16x128xf32, #tpu.memory_space<hbm>>) target(%dma_start3A_1647 : memref<16x128xf32, #tpu.memory_space<vmem>>) target_semaphore(%arg9 : memref<!tpu.dma_semaphore, #tpu.memory_space<semaphore_mem>>)
        %slice3A_1649 = vector.extract_strided_slice %get3A_1540 {offsets = [6], sizes = [1], strides = [1]} : vector<16xi32> to vector<1xi32>
        %squeeze3A_1650 = vector.extract %slice3A_1649[0] : i32 from vector<1xi32>
        %shift_right_arithmetic3A_1651 = arith.constant 7 : i32
        %shift_right_arithmetic3A_1652 = arith.shrsi %squeeze3A_1650, %shift_right_arithmetic3A_1651 : i32
        %shift_left3A_1653 = arith.constant 7 : i32
        %shift_left3A_1654 = arith.shli %shift_right_arithmetic3A_1652, %shift_left3A_1653 : i32
        %multiple_of3A_1655 = tpu.assume_multiple %shift_left3A_1654, 128 : i32
        %dma_start3A_1656 = arith.constant 6 : i32
        %dma_start3A_1657 = arith.constant 0 : i32
        %dma_start3A_1658 = arith.constant 0 : i32
        %dma_start3A_1659 = tpu.memref_slice %arg6[%dma_start3A_1656, %dma_start3A_1657, %dma_start3A_1658] : memref<16x16x128xf32, #tpu.memory_space<vmem>> -> memref<1x16x128xf32, #tpu.memory_space<vmem>>
        %dma_start3A_1660 = tpu.memref_squeeze %dma_start3A_1659 : memref<1x16x128xf32, #tpu.memory_space<vmem>> -> memref<16x128xf32, #tpu.memory_space<vmem>>
        %dma_start3A_1661 = tpu.memref_slice %arg3[%multiple_of3A, %multiple_of3A_1655] : memref<32x1000000xf32, #tpu.memory_space<hbm>> -> memref<16x128xf32, #tpu.memory_space<hbm>>
        %dma_start3A_1662 = arith.constant 0 : i32
        %dma_start3A_1663 = arith.constant 0 : i32
        %dma_start3A_1664 = tpu.memref_slice %arg6[%dma_start3A_1656, %dma_start3A_1662, %dma_start3A_1663] : memref<16x16x128xf32, #tpu.memory_space<vmem>> -> memref<1x16x128xf32, #tpu.memory_space<vmem>>
        %dma_start3A_1665 = tpu.memref_squeeze %dma_start3A_1664 : memref<1x16x128xf32, #tpu.memory_space<vmem>> -> memref<16x128xf32, #tpu.memory_space<vmem>>
        %dma_start3A_1666 = tpu.memref_slice %arg3[%multiple_of3A, %multiple_of3A_1655] : memref<32x1000000xf32, #tpu.memory_space<hbm>> -> memref<16x128xf32, #tpu.memory_space<hbm>>
        tpu.enqueue_dma source(%dma_start3A_1666 : memref<16x128xf32, #tpu.memory_space<hbm>>) target(%dma_start3A_1665 : memref<16x128xf32, #tpu.memory_space<vmem>>) target_semaphore(%arg9 : memref<!tpu.dma_semaphore, #tpu.memory_space<semaphore_mem>>)
        %slice3A_1667 = vector.extract_strided_slice %get3A_1540 {offsets = [7], sizes = [1], strides = [1]} : vector<16xi32> to vector<1xi32>
        %squeeze3A_1668 = vector.extract %slice3A_1667[0] : i32 from vector<1xi32>
        %shift_right_arithmetic3A_1669 = arith.constant 7 : i32
        %shift_right_arithmetic3A_1670 = arith.shrsi %squeeze3A_1668, %shift_right_arithmetic3A_1669 : i32
        %shift_left3A_1671 = arith.constant 7 : i32
        %shift_left3A_1672 = arith.shli %shift_right_arithmetic3A_1670, %shift_left3A_1671 : i32
        %multiple_of3A_1673 = tpu.assume_multiple %shift_left3A_1672, 128 : i32
        %dma_start3A_1674 = arith.constant 7 : i32
        %dma_start3A_1675 = arith.constant 0 : i32
        %dma_start3A_1676 = arith.constant 0 : i32
        %dma_start3A_1677 = tpu.memref_slice %arg6[%dma_start3A_1674, %dma_start3A_1675, %dma_start3A_1676] : memref<16x16x128xf32, #tpu.memory_space<vmem>> -> memref<1x16x128xf32, #tpu.memory_space<vmem>>
        %dma_start3A_1678 = tpu.memref_squeeze %dma_start3A_1677 : memref<1x16x128xf32, #tpu.memory_space<vmem>> -> memref<16x128xf32, #tpu.memory_space<vmem>>
        %dma_start3A_1679 = tpu.memref_slice %arg3[%multiple_of3A, %multiple_of3A_1673] : memref<32x1000000xf32, #tpu.memory_space<hbm>> -> memref<16x128xf32, #tpu.memory_space<hbm>>
        %dma_start3A_1680 = arith.constant 0 : i32
        %dma_start3A_1681 = arith.constant 0 : i32
        %dma_start3A_1682 = tpu.memref_slice %arg6[%dma_start3A_1674, %dma_start3A_1680, %dma_start3A_1681] : memref<16x16x128xf32, #tpu.memory_space<vmem>> -> memref<1x16x128xf32, #tpu.memory_space<vmem>>
        %dma_start3A_1683 = tpu.memref_squeeze %dma_start3A_1682 : memref<1x16x128xf32, #tpu.memory_space<vmem>> -> memref<16x128xf32, #tpu.memory_space<vmem>>
        %dma_start3A_1684 = tpu.memref_slice %arg3[%multiple_of3A, %multiple_of3A_1673] : memref<32x1000000xf32, #tpu.memory_space<hbm>> -> memref<16x128xf32, #tpu.memory_space<hbm>>
        tpu.enqueue_dma source(%dma_start3A_1684 : memref<16x128xf32, #tpu.memory_space<hbm>>) target(%dma_start3A_1683 : memref<16x128xf32, #tpu.memory_space<vmem>>) target_semaphore(%arg9 : memref<!tpu.dma_semaphore, #tpu.memory_space<semaphore_mem>>)
        %slice3A_1685 = vector.extract_strided_slice %get3A_1540 {offsets = [8], sizes = [1], strides = [1]} : vector<16xi32> to vector<1xi32>
        %squeeze3A_1686 = vector.extract %slice3A_1685[0] : i32 from vector<1xi32>
        %shift_right_arithmetic3A_1687 = arith.constant 7 : i32
        %shift_right_arithmetic3A_1688 = arith.shrsi %squeeze3A_1686, %shift_right_arithmetic3A_1687 : i32
        %shift_left3A_1689 = arith.constant 7 : i32
        %shift_left3A_1690 = arith.shli %shift_right_arithmetic3A_1688, %shift_left3A_1689 : i32
        %multiple_of3A_1691 = tpu.assume_multiple %shift_left3A_1690, 128 : i32
        %dma_start3A_1692 = arith.constant 8 : i32
        %dma_start3A_1693 = arith.constant 0 : i32
        %dma_start3A_1694 = arith.constant 0 : i32
        %dma_start3A_1695 = tpu.memref_slice %arg6[%dma_start3A_1692, %dma_start3A_1693, %dma_start3A_1694] : memref<16x16x128xf32, #tpu.memory_space<vmem>> -> memref<1x16x128xf32, #tpu.memory_space<vmem>>
        %dma_start3A_1696 = tpu.memref_squeeze %dma_start3A_1695 : memref<1x16x128xf32, #tpu.memory_space<vmem>> -> memref<16x128xf32, #tpu.memory_space<vmem>>
        %dma_start3A_1697 = tpu.memref_slice %arg3[%multiple_of3A, %multiple_of3A_1691] : memref<32x1000000xf32, #tpu.memory_space<hbm>> -> memref<16x128xf32, #tpu.memory_space<hbm>>
        %dma_start3A_1698 = arith.constant 0 : i32
        %dma_start3A_1699 = arith.constant 0 : i32
        %dma_start3A_1700 = tpu.memref_slice %arg6[%dma_start3A_1692, %dma_start3A_1698, %dma_start3A_1699] : memref<16x16x128xf32, #tpu.memory_space<vmem>> -> memref<1x16x128xf32, #tpu.memory_space<vmem>>
        %dma_start3A_1701 = tpu.memref_squeeze %dma_start3A_1700 : memref<1x16x128xf32, #tpu.memory_space<vmem>> -> memref<16x128xf32, #tpu.memory_space<vmem>>
        %dma_start3A_1702 = tpu.memref_slice %arg3[%multiple_of3A, %multiple_of3A_1691] : memref<32x1000000xf32, #tpu.memory_space<hbm>> -> memref<16x128xf32, #tpu.memory_space<hbm>>
        tpu.enqueue_dma source(%dma_start3A_1702 : memref<16x128xf32, #tpu.memory_space<hbm>>) target(%dma_start3A_1701 : memref<16x128xf32, #tpu.memory_space<vmem>>) target_semaphore(%arg9 : memref<!tpu.dma_semaphore, #tpu.memory_space<semaphore_mem>>)
        %slice3A_1703 = vector.extract_strided_slice %get3A_1540 {offsets = [9], sizes = [1], strides = [1]} : vector<16xi32> to vector<1xi32>
        %squeeze3A_1704 = vector.extract %slice3A_1703[0] : i32 from vector<1xi32>
        %shift_right_arithmetic3A_1705 = arith.constant 7 : i32
        %shift_right_arithmetic3A_1706 = arith.shrsi %squeeze3A_1704, %shift_right_arithmetic3A_1705 : i32
        %shift_left3A_1707 = arith.constant 7 : i32
        %shift_left3A_1708 = arith.shli %shift_right_arithmetic3A_1706, %shift_left3A_1707 : i32
        %multiple_of3A_1709 = tpu.assume_multiple %shift_left3A_1708, 128 : i32
        %dma_start3A_1710 = arith.constant 9 : i32
        %dma_start3A_1711 = arith.constant 0 : i32
        %dma_start3A_1712 = arith.constant 0 : i32
        %dma_start3A_1713 = tpu.memref_slice %arg6[%dma_start3A_1710, %dma_start3A_1711, %dma_start3A_1712] : memref<16x16x128xf32, #tpu.memory_space<vmem>> -> memref<1x16x128xf32, #tpu.memory_space<vmem>>
        %dma_start3A_1714 = tpu.memref_squeeze %dma_start3A_1713 : memref<1x16x128xf32, #tpu.memory_space<vmem>> -> memref<16x128xf32, #tpu.memory_space<vmem>>
        %dma_start3A_1715 = tpu.memref_slice %arg3[%multiple_of3A, %multiple_of3A_1709] : memref<32x1000000xf32, #tpu.memory_space<hbm>> -> memref<16x128xf32, #tpu.memory_space<hbm>>
        %dma_start3A_1716 = arith.constant 0 : i32
        %dma_start3A_1717 = arith.constant 0 : i32
        %dma_start3A_1718 = tpu.memref_slice %arg6[%dma_start3A_1710, %dma_start3A_1716, %dma_start3A_1717] : memref<16x16x128xf32, #tpu.memory_space<vmem>> -> memref<1x16x128xf32, #tpu.memory_space<vmem>>
        %dma_start3A_1719 = tpu.memref_squeeze %dma_start3A_1718 : memref<1x16x128xf32, #tpu.memory_space<vmem>> -> memref<16x128xf32, #tpu.memory_space<vmem>>
        %dma_start3A_1720 = tpu.memref_slice %arg3[%multiple_of3A, %multiple_of3A_1709] : memref<32x1000000xf32, #tpu.memory_space<hbm>> -> memref<16x128xf32, #tpu.memory_space<hbm>>
        tpu.enqueue_dma source(%dma_start3A_1720 : memref<16x128xf32, #tpu.memory_space<hbm>>) target(%dma_start3A_1719 : memref<16x128xf32, #tpu.memory_space<vmem>>) target_semaphore(%arg9 : memref<!tpu.dma_semaphore, #tpu.memory_space<semaphore_mem>>)
        %slice3A_1721 = vector.extract_strided_slice %get3A_1540 {offsets = [10], sizes = [1], strides = [1]} : vector<16xi32> to vector<1xi32>
        %squeeze3A_1722 = vector.extract %slice3A_1721[0] : i32 from vector<1xi32>
        %shift_right_arithmetic3A_1723 = arith.constant 7 : i32
        %shift_right_arithmetic3A_1724 = arith.shrsi %squeeze3A_1722, %shift_right_arithmetic3A_1723 : i32
        %shift_left3A_1725 = arith.constant 7 : i32
        %shift_left3A_1726 = arith.shli %shift_right_arithmetic3A_1724, %shift_left3A_1725 : i32
        %multiple_of3A_1727 = tpu.assume_multiple %shift_left3A_1726, 128 : i32
        %dma_start3A_1728 = arith.constant 10 : i32
        %dma_start3A_1729 = arith.constant 0 : i32
        %dma_start3A_1730 = arith.constant 0 : i32
        %dma_start3A_1731 = tpu.memref_slice %arg6[%dma_start3A_1728, %dma_start3A_1729, %dma_start3A_1730] : memref<16x16x128xf32, #tpu.memory_space<vmem>> -> memref<1x16x128xf32, #tpu.memory_space<vmem>>
        %dma_start3A_1732 = tpu.memref_squeeze %dma_start3A_1731 : memref<1x16x128xf32, #tpu.memory_space<vmem>> -> memref<16x128xf32, #tpu.memory_space<vmem>>
        %dma_start3A_1733 = tpu.memref_slice %arg3[%multiple_of3A, %multiple_of3A_1727] : memref<32x1000000xf32, #tpu.memory_space<hbm>> -> memref<16x128xf32, #tpu.memory_space<hbm>>
        %dma_start3A_1734 = arith.constant 0 : i32
        %dma_start3A_1735 = arith.constant 0 : i32
        %dma_start3A_1736 = tpu.memref_slice %arg6[%dma_start3A_1728, %dma_start3A_1734, %dma_start3A_1735] : memref<16x16x128xf32, #tpu.memory_space<vmem>> -> memref<1x16x128xf32, #tpu.memory_space<vmem>>
        %dma_start3A_1737 = tpu.memref_squeeze %dma_start3A_1736 : memref<1x16x128xf32, #tpu.memory_space<vmem>> -> memref<16x128xf32, #tpu.memory_space<vmem>>
        %dma_start3A_1738 = tpu.memref_slice %arg3[%multiple_of3A, %multiple_of3A_1727] : memref<32x1000000xf32, #tpu.memory_space<hbm>> -> memref<16x128xf32, #tpu.memory_space<hbm>>
        tpu.enqueue_dma source(%dma_start3A_1738 : memref<16x128xf32, #tpu.memory_space<hbm>>) target(%dma_start3A_1737 : memref<16x128xf32, #tpu.memory_space<vmem>>) target_semaphore(%arg9 : memref<!tpu.dma_semaphore, #tpu.memory_space<semaphore_mem>>)
        %slice3A_1739 = vector.extract_strided_slice %get3A_1540 {offsets = [11], sizes = [1], strides = [1]} : vector<16xi32> to vector<1xi32>
        %squeeze3A_1740 = vector.extract %slice3A_1739[0] : i32 from vector<1xi32>
        %shift_right_arithmetic3A_1741 = arith.constant 7 : i32
        %shift_right_arithmetic3A_1742 = arith.shrsi %squeeze3A_1740, %shift_right_arithmetic3A_1741 : i32
        %shift_left3A_1743 = arith.constant 7 : i32
        %shift_left3A_1744 = arith.shli %shift_right_arithmetic3A_1742, %shift_left3A_1743 : i32
        %multiple_of3A_1745 = tpu.assume_multiple %shift_left3A_1744, 128 : i32
        %dma_start3A_1746 = arith.constant 11 : i32
        %dma_start3A_1747 = arith.constant 0 : i32
        %dma_start3A_1748 = arith.constant 0 : i32
        %dma_start3A_1749 = tpu.memref_slice %arg6[%dma_start3A_1746, %dma_start3A_1747, %dma_start3A_1748] : memref<16x16x128xf32, #tpu.memory_space<vmem>> -> memref<1x16x128xf32, #tpu.memory_space<vmem>>
        %dma_start3A_1750 = tpu.memref_squeeze %dma_start3A_1749 : memref<1x16x128xf32, #tpu.memory_space<vmem>> -> memref<16x128xf32, #tpu.memory_space<vmem>>
        %dma_start3A_1751 = tpu.memref_slice %arg3[%multiple_of3A, %multiple_of3A_1745] : memref<32x1000000xf32, #tpu.memory_space<hbm>> -> memref<16x128xf32, #tpu.memory_space<hbm>>
        %dma_start3A_1752 = arith.constant 0 : i32
        %dma_start3A_1753 = arith.constant 0 : i32
        %dma_start3A_1754 = tpu.memref_slice %arg6[%dma_start3A_1746, %dma_start3A_1752, %dma_start3A_1753] : memref<16x16x128xf32, #tpu.memory_space<vmem>> -> memref<1x16x128xf32, #tpu.memory_space<vmem>>
        %dma_start3A_1755 = tpu.memref_squeeze %dma_start3A_1754 : memref<1x16x128xf32, #tpu.memory_space<vmem>> -> memref<16x128xf32, #tpu.memory_space<vmem>>
        %dma_start3A_1756 = tpu.memref_slice %arg3[%multiple_of3A, %multiple_of3A_1745] : memref<32x1000000xf32, #tpu.memory_space<hbm>> -> memref<16x128xf32, #tpu.memory_space<hbm>>
        tpu.enqueue_dma source(%dma_start3A_1756 : memref<16x128xf32, #tpu.memory_space<hbm>>) target(%dma_start3A_1755 : memref<16x128xf32, #tpu.memory_space<vmem>>) target_semaphore(%arg9 : memref<!tpu.dma_semaphore, #tpu.memory_space<semaphore_mem>>)
        %slice3A_1757 = vector.extract_strided_slice %get3A_1540 {offsets = [12], sizes = [1], strides = [1]} : vector<16xi32> to vector<1xi32>
        %squeeze3A_1758 = vector.extract %slice3A_1757[0] : i32 from vector<1xi32>
        %shift_right_arithmetic3A_1759 = arith.constant 7 : i32
        %shift_right_arithmetic3A_1760 = arith.shrsi %squeeze3A_1758, %shift_right_arithmetic3A_1759 : i32
        %shift_left3A_1761 = arith.constant 7 : i32
        %shift_left3A_1762 = arith.shli %shift_right_arithmetic3A_1760, %shift_left3A_1761 : i32
        %multiple_of3A_1763 = tpu.assume_multiple %shift_left3A_1762, 128 : i32
        %dma_start3A_1764 = arith.constant 12 : i32
        %dma_start3A_1765 = arith.constant 0 : i32
        %dma_start3A_1766 = arith.constant 0 : i32
        %dma_start3A_1767 = tpu.memref_slice %arg6[%dma_start3A_1764, %dma_start3A_1765, %dma_start3A_1766] : memref<16x16x128xf32, #tpu.memory_space<vmem>> -> memref<1x16x128xf32, #tpu.memory_space<vmem>>
        %dma_start3A_1768 = tpu.memref_squeeze %dma_start3A_1767 : memref<1x16x128xf32, #tpu.memory_space<vmem>> -> memref<16x128xf32, #tpu.memory_space<vmem>>
        %dma_start3A_1769 = tpu.memref_slice %arg3[%multiple_of3A, %multiple_of3A_1763] : memref<32x1000000xf32, #tpu.memory_space<hbm>> -> memref<16x128xf32, #tpu.memory_space<hbm>>
        %dma_start3A_1770 = arith.constant 0 : i32
        %dma_start3A_1771 = arith.constant 0 : i32
        %dma_start3A_1772 = tpu.memref_slice %arg6[%dma_start3A_1764, %dma_start3A_1770, %dma_start3A_1771] : memref<16x16x128xf32, #tpu.memory_space<vmem>> -> memref<1x16x128xf32, #tpu.memory_space<vmem>>
        %dma_start3A_1773 = tpu.memref_squeeze %dma_start3A_1772 : memref<1x16x128xf32, #tpu.memory_space<vmem>> -> memref<16x128xf32, #tpu.memory_space<vmem>>
        %dma_start3A_1774 = tpu.memref_slice %arg3[%multiple_of3A, %multiple_of3A_1763] : memref<32x1000000xf32, #tpu.memory_space<hbm>> -> memref<16x128xf32, #tpu.memory_space<hbm>>
        tpu.enqueue_dma source(%dma_start3A_1774 : memref<16x128xf32, #tpu.memory_space<hbm>>) target(%dma_start3A_1773 : memref<16x128xf32, #tpu.memory_space<vmem>>) target_semaphore(%arg9 : memref<!tpu.dma_semaphore, #tpu.memory_space<semaphore_mem>>)
        %slice3A_1775 = vector.extract_strided_slice %get3A_1540 {offsets = [13], sizes = [1], strides = [1]} : vector<16xi32> to vector<1xi32>
        %squeeze3A_1776 = vector.extract %slice3A_1775[0] : i32 from vector<1xi32>
        %shift_right_arithmetic3A_1777 = arith.constant 7 : i32
        %shift_right_arithmetic3A_1778 = arith.shrsi %squeeze3A_1776, %shift_right_arithmetic3A_1777 : i32
        %shift_left3A_1779 = arith.constant 7 : i32
        %shift_left3A_1780 = arith.shli %shift_right_arithmetic3A_1778, %shift_left3A_1779 : i32
        %multiple_of3A_1781 = tpu.assume_multiple %shift_left3A_1780, 128 : i32
        %dma_start3A_1782 = arith.constant 13 : i32
        %dma_start3A_1783 = arith.constant 0 : i32
        %dma_start3A_1784 = arith.constant 0 : i32
        %dma_start3A_1785 = tpu.memref_slice %arg6[%dma_start3A_1782, %dma_start3A_1783, %dma_start3A_1784] : memref<16x16x128xf32, #tpu.memory_space<vmem>> -> memref<1x16x128xf32, #tpu.memory_space<vmem>>
        %dma_start3A_1786 = tpu.memref_squeeze %dma_start3A_1785 : memref<1x16x128xf32, #tpu.memory_space<vmem>> -> memref<16x128xf32, #tpu.memory_space<vmem>>
        %dma_start3A_1787 = tpu.memref_slice %arg3[%multiple_of3A, %multiple_of3A_1781] : memref<32x1000000xf32, #tpu.memory_space<hbm>> -> memref<16x128xf32, #tpu.memory_space<hbm>>
        %dma_start3A_1788 = arith.constant 0 : i32
        %dma_start3A_1789 = arith.constant 0 : i32
        %dma_start3A_1790 = tpu.memref_slice %arg6[%dma_start3A_1782, %dma_start3A_1788, %dma_start3A_1789] : memref<16x16x128xf32, #tpu.memory_space<vmem>> -> memref<1x16x128xf32, #tpu.memory_space<vmem>>
        %dma_start3A_1791 = tpu.memref_squeeze %dma_start3A_1790 : memref<1x16x128xf32, #tpu.memory_space<vmem>> -> memref<16x128xf32, #tpu.memory_space<vmem>>
        %dma_start3A_1792 = tpu.memref_slice %arg3[%multiple_of3A, %multiple_of3A_1781] : memref<32x1000000xf32, #tpu.memory_space<hbm>> -> memref<16x128xf32, #tpu.memory_space<hbm>>
        tpu.enqueue_dma source(%dma_start3A_1792 : memref<16x128xf32, #tpu.memory_space<hbm>>) target(%dma_start3A_1791 : memref<16x128xf32, #tpu.memory_space<vmem>>) target_semaphore(%arg9 : memref<!tpu.dma_semaphore, #tpu.memory_space<semaphore_mem>>)
        %slice3A_1793 = vector.extract_strided_slice %get3A_1540 {offsets = [14], sizes = [1], strides = [1]} : vector<16xi32> to vector<1xi32>
        %squeeze3A_1794 = vector.extract %slice3A_1793[0] : i32 from vector<1xi32>
        %shift_right_arithmetic3A_1795 = arith.constant 7 : i32
        %shift_right_arithmetic3A_1796 = arith.shrsi %squeeze3A_1794, %shift_right_arithmetic3A_1795 : i32
        %shift_left3A_1797 = arith.constant 7 : i32
        %shift_left3A_1798 = arith.shli %shift_right_arithmetic3A_1796, %shift_left3A_1797 : i32
        %multiple_of3A_1799 = tpu.assume_multiple %shift_left3A_1798, 128 : i32
        %dma_start3A_1800 = arith.constant 14 : i32
        %dma_start3A_1801 = arith.constant 0 : i32
        %dma_start3A_1802 = arith.constant 0 : i32
        %dma_start3A_1803 = tpu.memref_slice %arg6[%dma_start3A_1800, %dma_start3A_1801, %dma_start3A_1802] : memref<16x16x128xf32, #tpu.memory_space<vmem>> -> memref<1x16x128xf32, #tpu.memory_space<vmem>>
        %dma_start3A_1804 = tpu.memref_squeeze %dma_start3A_1803 : memref<1x16x128xf32, #tpu.memory_space<vmem>> -> memref<16x128xf32, #tpu.memory_space<vmem>>
        %dma_start3A_1805 = tpu.memref_slice %arg3[%multiple_of3A, %multiple_of3A_1799] : memref<32x1000000xf32, #tpu.memory_space<hbm>> -> memref<16x128xf32, #tpu.memory_space<hbm>>
        %dma_start3A_1806 = arith.constant 0 : i32
        %dma_start3A_1807 = arith.constant 0 : i32
        %dma_start3A_1808 = tpu.memref_slice %arg6[%dma_start3A_1800, %dma_start3A_1806, %dma_start3A_1807] : memref<16x16x128xf32, #tpu.memory_space<vmem>> -> memref<1x16x128xf32, #tpu.memory_space<vmem>>
        %dma_start3A_1809 = tpu.memref_squeeze %dma_start3A_1808 : memref<1x16x128xf32, #tpu.memory_space<vmem>> -> memref<16x128xf32, #tpu.memory_space<vmem>>
        %dma_start3A_1810 = tpu.memref_slice %arg3[%multiple_of3A, %multiple_of3A_1799] : memref<32x1000000xf32, #tpu.memory_space<hbm>> -> memref<16x128xf32, #tpu.memory_space<hbm>>
        tpu.enqueue_dma source(%dma_start3A_1810 : memref<16x128xf32, #tpu.memory_space<hbm>>) target(%dma_start3A_1809 : memref<16x128xf32, #tpu.memory_space<vmem>>) target_semaphore(%arg9 : memref<!tpu.dma_semaphore, #tpu.memory_space<semaphore_mem>>)
        %slice3A_1811 = vector.extract_strided_slice %get3A_1540 {offsets = [15], sizes = [1], strides = [1]} : vector<16xi32> to vector<1xi32>
        %squeeze3A_1812 = vector.extract %slice3A_1811[0] : i32 from vector<1xi32>
        %shift_right_arithmetic3A_1813 = arith.constant 7 : i32
        %shift_right_arithmetic3A_1814 = arith.shrsi %squeeze3A_1812, %shift_right_arithmetic3A_1813 : i32
        %shift_left3A_1815 = arith.constant 7 : i32
        %shift_left3A_1816 = arith.shli %shift_right_arithmetic3A_1814, %shift_left3A_1815 : i32
        %multiple_of3A_1817 = tpu.assume_multiple %shift_left3A_1816, 128 : i32
        %dma_start3A_1818 = arith.constant 15 : i32
        %dma_start3A_1819 = arith.constant 0 : i32
        %dma_start3A_1820 = arith.constant 0 : i32
        %dma_start3A_1821 = tpu.memref_slice %arg6[%dma_start3A_1818, %dma_start3A_1819, %dma_start3A_1820] : memref<16x16x128xf32, #tpu.memory_space<vmem>> -> memref<1x16x128xf32, #tpu.memory_space<vmem>>
        %dma_start3A_1822 = tpu.memref_squeeze %dma_start3A_1821 : memref<1x16x128xf32, #tpu.memory_space<vmem>> -> memref<16x128xf32, #tpu.memory_space<vmem>>
        %dma_start3A_1823 = tpu.memref_slice %arg3[%multiple_of3A, %multiple_of3A_1817] : memref<32x1000000xf32, #tpu.memory_space<hbm>> -> memref<16x128xf32, #tpu.memory_space<hbm>>
        %dma_start3A_1824 = arith.constant 0 : i32
        %dma_start3A_1825 = arith.constant 0 : i32
        %dma_start3A_1826 = tpu.memref_slice %arg6[%dma_start3A_1818, %dma_start3A_1824, %dma_start3A_1825] : memref<16x16x128xf32, #tpu.memory_space<vmem>> -> memref<1x16x128xf32, #tpu.memory_space<vmem>>
        %dma_start3A_1827 = tpu.memref_squeeze %dma_start3A_1826 : memref<1x16x128xf32, #tpu.memory_space<vmem>> -> memref<16x128xf32, #tpu.memory_space<vmem>>
        %dma_start3A_1828 = tpu.memref_slice %arg3[%multiple_of3A, %multiple_of3A_1817] : memref<32x1000000xf32, #tpu.memory_space<hbm>> -> memref<16x128xf32, #tpu.memory_space<hbm>>
        tpu.enqueue_dma source(%dma_start3A_1828 : memref<16x128xf32, #tpu.memory_space<hbm>>) target(%dma_start3A_1827 : memref<16x128xf32, #tpu.memory_space<vmem>>) target_semaphore(%arg9 : memref<!tpu.dma_semaphore, #tpu.memory_space<semaphore_mem>>)
      } else {
      }
      %add3A_1056 = arith.constant 1 : i32
      %add3A_1057 = arith.addi %mul3A_587, %add3A_1056 : i32
      %dma_wait3A_1058 = arith.constant 0 : i32
      %dma_wait3A_1059 = arith.constant 0 : i32
      %dma_wait3A_1060 = arith.constant 0 : i32
      %dma_wait3A_1061 = tpu.memref_slice %arg7[%dma_wait3A_1058, %dma_wait3A_1059, %dma_wait3A_1060] : memref<16x16x128xf32, #tpu.memory_space<vmem>> -> memref<1x16x128xf32, #tpu.memory_space<vmem>>
      %dma_wait3A_1062 = tpu.memref_squeeze %dma_wait3A_1061 : memref<1x16x128xf32, #tpu.memory_space<vmem>> -> memref<16x128xf32, #tpu.memory_space<vmem>>
      %dma_wait3A_1063 = arith.constant 0 : i32
      %dma_wait3A_1064 = tpu.memref_slice %arg3[%multiple_of3A, %dma_wait3A_1063] : memref<32x1000000xf32, #tpu.memory_space<hbm>> -> memref<16x128xf32, #tpu.memory_space<hbm>>
      %dma_wait3A_1065 = arith.constant 0 : i32
      %dma_wait3A_1066 = arith.constant 0 : i32
      %dma_wait3A_1067 = tpu.memref_slice %arg7[%dma_wait3A_1058, %dma_wait3A_1065, %dma_wait3A_1066] : memref<16x16x128xf32, #tpu.memory_space<vmem>> -> memref<1x16x128xf32, #tpu.memory_space<vmem>>
      %dma_wait3A_1068 = tpu.memref_squeeze %dma_wait3A_1067 : memref<1x16x128xf32, #tpu.memory_space<vmem>> -> memref<16x128xf32, #tpu.memory_space<vmem>>
      %dma_wait3A_1069 = arith.constant 0 : i32
      %dma_wait3A_1070 = tpu.memref_slice %arg3[%multiple_of3A, %dma_wait3A_1069] : memref<32x1000000xf32, #tpu.memory_space<hbm>> -> memref<16x128xf32, #tpu.memory_space<hbm>>
      tpu.wait_dma2 semaphore(%arg10 : memref<!tpu.dma_semaphore, #tpu.memory_space<semaphore_mem>>) src(%dma_wait3A_1070 : memref<16x128xf32, #tpu.memory_space<hbm>>) dst(%dma_wait3A_1068 : memref<16x128xf32, #tpu.memory_space<vmem>>)
      %dma_wait3A_1071 = arith.constant 1 : i32
      %dma_wait3A_1072 = arith.constant 0 : i32
      %dma_wait3A_1073 = arith.constant 0 : i32
      %dma_wait3A_1074 = tpu.memref_slice %arg7[%dma_wait3A_1071, %dma_wait3A_1072, %dma_wait3A_1073] : memref<16x16x128xf32, #tpu.memory_space<vmem>> -> memref<1x16x128xf32, #tpu.memory_space<vmem>>
      %dma_wait3A_1075 = tpu.memref_squeeze %dma_wait3A_1074 : memref<1x16x128xf32, #tpu.memory_space<vmem>> -> memref<16x128xf32, #tpu.memory_space<vmem>>
      %dma_wait3A_1076 = arith.constant 0 : i32
      %dma_wait3A_1077 = tpu.memref_slice %arg3[%multiple_of3A, %dma_wait3A_1076] : memref<32x1000000xf32, #tpu.memory_space<hbm>> -> memref<16x128xf32, #tpu.memory_space<hbm>>
      %dma_wait3A_1078 = arith.constant 0 : i32
      %dma_wait3A_1079 = arith.constant 0 : i32
      %dma_wait3A_1080 = tpu.memref_slice %arg7[%dma_wait3A_1071, %dma_wait3A_1078, %dma_wait3A_1079] : memref<16x16x128xf32, #tpu.memory_space<vmem>> -> memref<1x16x128xf32, #tpu.memory_space<vmem>>
      %dma_wait3A_1081 = tpu.memref_squeeze %dma_wait3A_1080 : memref<1x16x128xf32, #tpu.memory_space<vmem>> -> memref<16x128xf32, #tpu.memory_space<vmem>>
      %dma_wait3A_1082 = arith.constant 0 : i32
      %dma_wait3A_1083 = tpu.memref_slice %arg3[%multiple_of3A, %dma_wait3A_1082] : memref<32x1000000xf32, #tpu.memory_space<hbm>> -> memref<16x128xf32, #tpu.memory_space<hbm>>
      tpu.wait_dma2 semaphore(%arg10 : memref<!tpu.dma_semaphore, #tpu.memory_space<semaphore_mem>>) src(%dma_wait3A_1083 : memref<16x128xf32, #tpu.memory_space<hbm>>) dst(%dma_wait3A_1081 : memref<16x128xf32, #tpu.memory_space<vmem>>)
      %dma_wait3A_1084 = arith.constant 2 : i32
      %dma_wait3A_1085 = arith.constant 0 : i32
      %dma_wait3A_1086 = arith.constant 0 : i32
      %dma_wait3A_1087 = tpu.memref_slice %arg7[%dma_wait3A_1084, %dma_wait3A_1085, %dma_wait3A_1086] : memref<16x16x128xf32, #tpu.memory_space<vmem>> -> memref<1x16x128xf32, #tpu.memory_space<vmem>>
      %dma_wait3A_1088 = tpu.memref_squeeze %dma_wait3A_1087 : memref<1x16x128xf32, #tpu.memory_space<vmem>> -> memref<16x128xf32, #tpu.memory_space<vmem>>
      %dma_wait3A_1089 = arith.constant 0 : i32
      %dma_wait3A_1090 = tpu.memref_slice %arg3[%multiple_of3A, %dma_wait3A_1089] : memref<32x1000000xf32, #tpu.memory_space<hbm>> -> memref<16x128xf32, #tpu.memory_space<hbm>>
      %dma_wait3A_1091 = arith.constant 0 : i32
      %dma_wait3A_1092 = arith.constant 0 : i32
      %dma_wait3A_1093 = tpu.memref_slice %arg7[%dma_wait3A_1084, %dma_wait3A_1091, %dma_wait3A_1092] : memref<16x16x128xf32, #tpu.memory_space<vmem>> -> memref<1x16x128xf32, #tpu.memory_space<vmem>>
      %dma_wait3A_1094 = tpu.memref_squeeze %dma_wait3A_1093 : memref<1x16x128xf32, #tpu.memory_space<vmem>> -> memref<16x128xf32, #tpu.memory_space<vmem>>
      %dma_wait3A_1095 = arith.constant 0 : i32
      %dma_wait3A_1096 = tpu.memref_slice %arg3[%multiple_of3A, %dma_wait3A_1095] : memref<32x1000000xf32, #tpu.memory_space<hbm>> -> memref<16x128xf32, #tpu.memory_space<hbm>>
      tpu.wait_dma2 semaphore(%arg10 : memref<!tpu.dma_semaphore, #tpu.memory_space<semaphore_mem>>) src(%dma_wait3A_1096 : memref<16x128xf32, #tpu.memory_space<hbm>>) dst(%dma_wait3A_1094 : memref<16x128xf32, #tpu.memory_space<vmem>>)
      %dma_wait3A_1097 = arith.constant 3 : i32
      %dma_wait3A_1098 = arith.constant 0 : i32
      %dma_wait3A_1099 = arith.constant 0 : i32
      %dma_wait3A_1100 = tpu.memref_slice %arg7[%dma_wait3A_1097, %dma_wait3A_1098, %dma_wait3A_1099] : memref<16x16x128xf32, #tpu.memory_space<vmem>> -> memref<1x16x128xf32, #tpu.memory_space<vmem>>
      %dma_wait3A_1101 = tpu.memref_squeeze %dma_wait3A_1100 : memref<1x16x128xf32, #tpu.memory_space<vmem>> -> memref<16x128xf32, #tpu.memory_space<vmem>>
      %dma_wait3A_1102 = arith.constant 0 : i32
      %dma_wait3A_1103 = tpu.memref_slice %arg3[%multiple_of3A, %dma_wait3A_1102] : memref<32x1000000xf32, #tpu.memory_space<hbm>> -> memref<16x128xf32, #tpu.memory_space<hbm>>
      %dma_wait3A_1104 = arith.constant 0 : i32
      %dma_wait3A_1105 = arith.constant 0 : i32
      %dma_wait3A_1106 = tpu.memref_slice %arg7[%dma_wait3A_1097, %dma_wait3A_1104, %dma_wait3A_1105] : memref<16x16x128xf32, #tpu.memory_space<vmem>> -> memref<1x16x128xf32, #tpu.memory_space<vmem>>
      %dma_wait3A_1107 = tpu.memref_squeeze %dma_wait3A_1106 : memref<1x16x128xf32, #tpu.memory_space<vmem>> -> memref<16x128xf32, #tpu.memory_space<vmem>>
      %dma_wait3A_1108 = arith.constant 0 : i32
      %dma_wait3A_1109 = tpu.memref_slice %arg3[%multiple_of3A, %dma_wait3A_1108] : memref<32x1000000xf32, #tpu.memory_space<hbm>> -> memref<16x128xf32, #tpu.memory_space<hbm>>
      tpu.wait_dma2 semaphore(%arg10 : memref<!tpu.dma_semaphore, #tpu.memory_space<semaphore_mem>>) src(%dma_wait3A_1109 : memref<16x128xf32, #tpu.memory_space<hbm>>) dst(%dma_wait3A_1107 : memref<16x128xf32, #tpu.memory_space<vmem>>)
      %dma_wait3A_1110 = arith.constant 4 : i32
      %dma_wait3A_1111 = arith.constant 0 : i32
      %dma_wait3A_1112 = arith.constant 0 : i32
      %dma_wait3A_1113 = tpu.memref_slice %arg7[%dma_wait3A_1110, %dma_wait3A_1111, %dma_wait3A_1112] : memref<16x16x128xf32, #tpu.memory_space<vmem>> -> memref<1x16x128xf32, #tpu.memory_space<vmem>>
      %dma_wait3A_1114 = tpu.memref_squeeze %dma_wait3A_1113 : memref<1x16x128xf32, #tpu.memory_space<vmem>> -> memref<16x128xf32, #tpu.memory_space<vmem>>
      %dma_wait3A_1115 = arith.constant 0 : i32
      %dma_wait3A_1116 = tpu.memref_slice %arg3[%multiple_of3A, %dma_wait3A_1115] : memref<32x1000000xf32, #tpu.memory_space<hbm>> -> memref<16x128xf32, #tpu.memory_space<hbm>>
      %dma_wait3A_1117 = arith.constant 0 : i32
      %dma_wait3A_1118 = arith.constant 0 : i32
      %dma_wait3A_1119 = tpu.memref_slice %arg7[%dma_wait3A_1110, %dma_wait3A_1117, %dma_wait3A_1118] : memref<16x16x128xf32, #tpu.memory_space<vmem>> -> memref<1x16x128xf32, #tpu.memory_space<vmem>>
      %dma_wait3A_1120 = tpu.memref_squeeze %dma_wait3A_1119 : memref<1x16x128xf32, #tpu.memory_space<vmem>> -> memref<16x128xf32, #tpu.memory_space<vmem>>
      %dma_wait3A_1121 = arith.constant 0 : i32
      %dma_wait3A_1122 = tpu.memref_slice %arg3[%multiple_of3A, %dma_wait3A_1121] : memref<32x1000000xf32, #tpu.memory_space<hbm>> -> memref<16x128xf32, #tpu.memory_space<hbm>>
      tpu.wait_dma2 semaphore(%arg10 : memref<!tpu.dma_semaphore, #tpu.memory_space<semaphore_mem>>) src(%dma_wait3A_1122 : memref<16x128xf32, #tpu.memory_space<hbm>>) dst(%dma_wait3A_1120 : memref<16x128xf32, #tpu.memory_space<vmem>>)
      %dma_wait3A_1123 = arith.constant 5 : i32
      %dma_wait3A_1124 = arith.constant 0 : i32
      %dma_wait3A_1125 = arith.constant 0 : i32
      %dma_wait3A_1126 = tpu.memref_slice %arg7[%dma_wait3A_1123, %dma_wait3A_1124, %dma_wait3A_1125] : memref<16x16x128xf32, #tpu.memory_space<vmem>> -> memref<1x16x128xf32, #tpu.memory_space<vmem>>
      %dma_wait3A_1127 = tpu.memref_squeeze %dma_wait3A_1126 : memref<1x16x128xf32, #tpu.memory_space<vmem>> -> memref<16x128xf32, #tpu.memory_space<vmem>>
      %dma_wait3A_1128 = arith.constant 0 : i32
      %dma_wait3A_1129 = tpu.memref_slice %arg3[%multiple_of3A, %dma_wait3A_1128] : memref<32x1000000xf32, #tpu.memory_space<hbm>> -> memref<16x128xf32, #tpu.memory_space<hbm>>
      %dma_wait3A_1130 = arith.constant 0 : i32
      %dma_wait3A_1131 = arith.constant 0 : i32
      %dma_wait3A_1132 = tpu.memref_slice %arg7[%dma_wait3A_1123, %dma_wait3A_1130, %dma_wait3A_1131] : memref<16x16x128xf32, #tpu.memory_space<vmem>> -> memref<1x16x128xf32, #tpu.memory_space<vmem>>
      %dma_wait3A_1133 = tpu.memref_squeeze %dma_wait3A_1132 : memref<1x16x128xf32, #tpu.memory_space<vmem>> -> memref<16x128xf32, #tpu.memory_space<vmem>>
      %dma_wait3A_1134 = arith.constant 0 : i32
      %dma_wait3A_1135 = tpu.memref_slice %arg3[%multiple_of3A, %dma_wait3A_1134] : memref<32x1000000xf32, #tpu.memory_space<hbm>> -> memref<16x128xf32, #tpu.memory_space<hbm>>
      tpu.wait_dma2 semaphore(%arg10 : memref<!tpu.dma_semaphore, #tpu.memory_space<semaphore_mem>>) src(%dma_wait3A_1135 : memref<16x128xf32, #tpu.memory_space<hbm>>) dst(%dma_wait3A_1133 : memref<16x128xf32, #tpu.memory_space<vmem>>)
      %dma_wait3A_1136 = arith.constant 6 : i32
      %dma_wait3A_1137 = arith.constant 0 : i32
      %dma_wait3A_1138 = arith.constant 0 : i32
      %dma_wait3A_1139 = tpu.memref_slice %arg7[%dma_wait3A_1136, %dma_wait3A_1137, %dma_wait3A_1138] : memref<16x16x128xf32, #tpu.memory_space<vmem>> -> memref<1x16x128xf32, #tpu.memory_space<vmem>>
      %dma_wait3A_1140 = tpu.memref_squeeze %dma_wait3A_1139 : memref<1x16x128xf32, #tpu.memory_space<vmem>> -> memref<16x128xf32, #tpu.memory_space<vmem>>
      %dma_wait3A_1141 = arith.constant 0 : i32
      %dma_wait3A_1142 = tpu.memref_slice %arg3[%multiple_of3A, %dma_wait3A_1141] : memref<32x1000000xf32, #tpu.memory_space<hbm>> -> memref<16x128xf32, #tpu.memory_space<hbm>>
      %dma_wait3A_1143 = arith.constant 0 : i32
      %dma_wait3A_1144 = arith.constant 0 : i32
      %dma_wait3A_1145 = tpu.memref_slice %arg7[%dma_wait3A_1136, %dma_wait3A_1143, %dma_wait3A_1144] : memref<16x16x128xf32, #tpu.memory_space<vmem>> -> memref<1x16x128xf32, #tpu.memory_space<vmem>>
      %dma_wait3A_1146 = tpu.memref_squeeze %dma_wait3A_1145 : memref<1x16x128xf32, #tpu.memory_space<vmem>> -> memref<16x128xf32, #tpu.memory_space<vmem>>
      %dma_wait3A_1147 = arith.constant 0 : i32
      %dma_wait3A_1148 = tpu.memref_slice %arg3[%multiple_of3A, %dma_wait3A_1147] : memref<32x1000000xf32, #tpu.memory_space<hbm>> -> memref<16x128xf32, #tpu.memory_space<hbm>>
      tpu.wait_dma2 semaphore(%arg10 : memref<!tpu.dma_semaphore, #tpu.memory_space<semaphore_mem>>) src(%dma_wait3A_1148 : memref<16x128xf32, #tpu.memory_space<hbm>>) dst(%dma_wait3A_1146 : memref<16x128xf32, #tpu.memory_space<vmem>>)
      %dma_wait3A_1149 = arith.constant 7 : i32
      %dma_wait3A_1150 = arith.constant 0 : i32
      %dma_wait3A_1151 = arith.constant 0 : i32
      %dma_wait3A_1152 = tpu.memref_slice %arg7[%dma_wait3A_1149, %dma_wait3A_1150, %dma_wait3A_1151] : memref<16x16x128xf32, #tpu.memory_space<vmem>> -> memref<1x16x128xf32, #tpu.memory_space<vmem>>
      %dma_wait3A_1153 = tpu.memref_squeeze %dma_wait3A_1152 : memref<1x16x128xf32, #tpu.memory_space<vmem>> -> memref<16x128xf32, #tpu.memory_space<vmem>>
      %dma_wait3A_1154 = arith.constant 0 : i32
      %dma_wait3A_1155 = tpu.memref_slice %arg3[%multiple_of3A, %dma_wait3A_1154] : memref<32x1000000xf32, #tpu.memory_space<hbm>> -> memref<16x128xf32, #tpu.memory_space<hbm>>
      %dma_wait3A_1156 = arith.constant 0 : i32
      %dma_wait3A_1157 = arith.constant 0 : i32
      %dma_wait3A_1158 = tpu.memref_slice %arg7[%dma_wait3A_1149, %dma_wait3A_1156, %dma_wait3A_1157] : memref<16x16x128xf32, #tpu.memory_space<vmem>> -> memref<1x16x128xf32, #tpu.memory_space<vmem>>
      %dma_wait3A_1159 = tpu.memref_squeeze %dma_wait3A_1158 : memref<1x16x128xf32, #tpu.memory_space<vmem>> -> memref<16x128xf32, #tpu.memory_space<vmem>>
      %dma_wait3A_1160 = arith.constant 0 : i32
      %dma_wait3A_1161 = tpu.memref_slice %arg3[%multiple_of3A, %dma_wait3A_1160] : memref<32x1000000xf32, #tpu.memory_space<hbm>> -> memref<16x128xf32, #tpu.memory_space<hbm>>
      tpu.wait_dma2 semaphore(%arg10 : memref<!tpu.dma_semaphore, #tpu.memory_space<semaphore_mem>>) src(%dma_wait3A_1161 : memref<16x128xf32, #tpu.memory_space<hbm>>) dst(%dma_wait3A_1159 : memref<16x128xf32, #tpu.memory_space<vmem>>)
      %dma_wait3A_1162 = arith.constant 8 : i32
      %dma_wait3A_1163 = arith.constant 0 : i32
      %dma_wait3A_1164 = arith.constant 0 : i32
      %dma_wait3A_1165 = tpu.memref_slice %arg7[%dma_wait3A_1162, %dma_wait3A_1163, %dma_wait3A_1164] : memref<16x16x128xf32, #tpu.memory_space<vmem>> -> memref<1x16x128xf32, #tpu.memory_space<vmem>>
      %dma_wait3A_1166 = tpu.memref_squeeze %dma_wait3A_1165 : memref<1x16x128xf32, #tpu.memory_space<vmem>> -> memref<16x128xf32, #tpu.memory_space<vmem>>
      %dma_wait3A_1167 = arith.constant 0 : i32
      %dma_wait3A_1168 = tpu.memref_slice %arg3[%multiple_of3A, %dma_wait3A_1167] : memref<32x1000000xf32, #tpu.memory_space<hbm>> -> memref<16x128xf32, #tpu.memory_space<hbm>>
      %dma_wait3A_1169 = arith.constant 0 : i32
      %dma_wait3A_1170 = arith.constant 0 : i32
      %dma_wait3A_1171 = tpu.memref_slice %arg7[%dma_wait3A_1162, %dma_wait3A_1169, %dma_wait3A_1170] : memref<16x16x128xf32, #tpu.memory_space<vmem>> -> memref<1x16x128xf32, #tpu.memory_space<vmem>>
      %dma_wait3A_1172 = tpu.memref_squeeze %dma_wait3A_1171 : memref<1x16x128xf32, #tpu.memory_space<vmem>> -> memref<16x128xf32, #tpu.memory_space<vmem>>
      %dma_wait3A_1173 = arith.constant 0 : i32
      %dma_wait3A_1174 = tpu.memref_slice %arg3[%multiple_of3A, %dma_wait3A_1173] : memref<32x1000000xf32, #tpu.memory_space<hbm>> -> memref<16x128xf32, #tpu.memory_space<hbm>>
      tpu.wait_dma2 semaphore(%arg10 : memref<!tpu.dma_semaphore, #tpu.memory_space<semaphore_mem>>) src(%dma_wait3A_1174 : memref<16x128xf32, #tpu.memory_space<hbm>>) dst(%dma_wait3A_1172 : memref<16x128xf32, #tpu.memory_space<vmem>>)
      %dma_wait3A_1175 = arith.constant 9 : i32
      %dma_wait3A_1176 = arith.constant 0 : i32
      %dma_wait3A_1177 = arith.constant 0 : i32
      %dma_wait3A_1178 = tpu.memref_slice %arg7[%dma_wait3A_1175, %dma_wait3A_1176, %dma_wait3A_1177] : memref<16x16x128xf32, #tpu.memory_space<vmem>> -> memref<1x16x128xf32, #tpu.memory_space<vmem>>
      %dma_wait3A_1179 = tpu.memref_squeeze %dma_wait3A_1178 : memref<1x16x128xf32, #tpu.memory_space<vmem>> -> memref<16x128xf32, #tpu.memory_space<vmem>>
      %dma_wait3A_1180 = arith.constant 0 : i32
      %dma_wait3A_1181 = tpu.memref_slice %arg3[%multiple_of3A, %dma_wait3A_1180] : memref<32x1000000xf32, #tpu.memory_space<hbm>> -> memref<16x128xf32, #tpu.memory_space<hbm>>
      %dma_wait3A_1182 = arith.constant 0 : i32
      %dma_wait3A_1183 = arith.constant 0 : i32
      %dma_wait3A_1184 = tpu.memref_slice %arg7[%dma_wait3A_1175, %dma_wait3A_1182, %dma_wait3A_1183] : memref<16x16x128xf32, #tpu.memory_space<vmem>> -> memref<1x16x128xf32, #tpu.memory_space<vmem>>
      %dma_wait3A_1185 = tpu.memref_squeeze %dma_wait3A_1184 : memref<1x16x128xf32, #tpu.memory_space<vmem>> -> memref<16x128xf32, #tpu.memory_space<vmem>>
      %dma_wait3A_1186 = arith.constant 0 : i32
      %dma_wait3A_1187 = tpu.memref_slice %arg3[%multiple_of3A, %dma_wait3A_1186] : memref<32x1000000xf32, #tpu.memory_space<hbm>> -> memref<16x128xf32, #tpu.memory_space<hbm>>
      tpu.wait_dma2 semaphore(%arg10 : memref<!tpu.dma_semaphore, #tpu.memory_space<semaphore_mem>>) src(%dma_wait3A_1187 : memref<16x128xf32, #tpu.memory_space<hbm>>) dst(%dma_wait3A_1185 : memref<16x128xf32, #tpu.memory_space<vmem>>)
      %dma_wait3A_1188 = arith.constant 10 : i32
      %dma_wait3A_1189 = arith.constant 0 : i32
      %dma_wait3A_1190 = arith.constant 0 : i32
      %dma_wait3A_1191 = tpu.memref_slice %arg7[%dma_wait3A_1188, %dma_wait3A_1189, %dma_wait3A_1190] : memref<16x16x128xf32, #tpu.memory_space<vmem>> -> memref<1x16x128xf32, #tpu.memory_space<vmem>>
      %dma_wait3A_1192 = tpu.memref_squeeze %dma_wait3A_1191 : memref<1x16x128xf32, #tpu.memory_space<vmem>> -> memref<16x128xf32, #tpu.memory_space<vmem>>
      %dma_wait3A_1193 = arith.constant 0 : i32
      %dma_wait3A_1194 = tpu.memref_slice %arg3[%multiple_of3A, %dma_wait3A_1193] : memref<32x1000000xf32, #tpu.memory_space<hbm>> -> memref<16x128xf32, #tpu.memory_space<hbm>>
      %dma_wait3A_1195 = arith.constant 0 : i32
      %dma_wait3A_1196 = arith.constant 0 : i32
      %dma_wait3A_1197 = tpu.memref_slice %arg7[%dma_wait3A_1188, %dma_wait3A_1195, %dma_wait3A_1196] : memref<16x16x128xf32, #tpu.memory_space<vmem>> -> memref<1x16x128xf32, #tpu.memory_space<vmem>>
      %dma_wait3A_1198 = tpu.memref_squeeze %dma_wait3A_1197 : memref<1x16x128xf32, #tpu.memory_space<vmem>> -> memref<16x128xf32, #tpu.memory_space<vmem>>
      %dma_wait3A_1199 = arith.constant 0 : i32
      %dma_wait3A_1200 = tpu.memref_slice %arg3[%multiple_of3A, %dma_wait3A_1199] : memref<32x1000000xf32, #tpu.memory_space<hbm>> -> memref<16x128xf32, #tpu.memory_space<hbm>>
      tpu.wait_dma2 semaphore(%arg10 : memref<!tpu.dma_semaphore, #tpu.memory_space<semaphore_mem>>) src(%dma_wait3A_1200 : memref<16x128xf32, #tpu.memory_space<hbm>>) dst(%dma_wait3A_1198 : memref<16x128xf32, #tpu.memory_space<vmem>>)
      %dma_wait3A_1201 = arith.constant 11 : i32
      %dma_wait3A_1202 = arith.constant 0 : i32
      %dma_wait3A_1203 = arith.constant 0 : i32
      %dma_wait3A_1204 = tpu.memref_slice %arg7[%dma_wait3A_1201, %dma_wait3A_1202, %dma_wait3A_1203] : memref<16x16x128xf32, #tpu.memory_space<vmem>> -> memref<1x16x128xf32, #tpu.memory_space<vmem>>
      %dma_wait3A_1205 = tpu.memref_squeeze %dma_wait3A_1204 : memref<1x16x128xf32, #tpu.memory_space<vmem>> -> memref<16x128xf32, #tpu.memory_space<vmem>>
      %dma_wait3A_1206 = arith.constant 0 : i32
      %dma_wait3A_1207 = tpu.memref_slice %arg3[%multiple_of3A, %dma_wait3A_1206] : memref<32x1000000xf32, #tpu.memory_space<hbm>> -> memref<16x128xf32, #tpu.memory_space<hbm>>
      %dma_wait3A_1208 = arith.constant 0 : i32
      %dma_wait3A_1209 = arith.constant 0 : i32
      %dma_wait3A_1210 = tpu.memref_slice %arg7[%dma_wait3A_1201, %dma_wait3A_1208, %dma_wait3A_1209] : memref<16x16x128xf32, #tpu.memory_space<vmem>> -> memref<1x16x128xf32, #tpu.memory_space<vmem>>
      %dma_wait3A_1211 = tpu.memref_squeeze %dma_wait3A_1210 : memref<1x16x128xf32, #tpu.memory_space<vmem>> -> memref<16x128xf32, #tpu.memory_space<vmem>>
      %dma_wait3A_1212 = arith.constant 0 : i32
      %dma_wait3A_1213 = tpu.memref_slice %arg3[%multiple_of3A, %dma_wait3A_1212] : memref<32x1000000xf32, #tpu.memory_space<hbm>> -> memref<16x128xf32, #tpu.memory_space<hbm>>
      tpu.wait_dma2 semaphore(%arg10 : memref<!tpu.dma_semaphore, #tpu.memory_space<semaphore_mem>>) src(%dma_wait3A_1213 : memref<16x128xf32, #tpu.memory_space<hbm>>) dst(%dma_wait3A_1211 : memref<16x128xf32, #tpu.memory_space<vmem>>)
      %dma_wait3A_1214 = arith.constant 12 : i32
      %dma_wait3A_1215 = arith.constant 0 : i32
      %dma_wait3A_1216 = arith.constant 0 : i32
      %dma_wait3A_1217 = tpu.memref_slice %arg7[%dma_wait3A_1214, %dma_wait3A_1215, %dma_wait3A_1216] : memref<16x16x128xf32, #tpu.memory_space<vmem>> -> memref<1x16x128xf32, #tpu.memory_space<vmem>>
      %dma_wait3A_1218 = tpu.memref_squeeze %dma_wait3A_1217 : memref<1x16x128xf32, #tpu.memory_space<vmem>> -> memref<16x128xf32, #tpu.memory_space<vmem>>
      %dma_wait3A_1219 = arith.constant 0 : i32
      %dma_wait3A_1220 = tpu.memref_slice %arg3[%multiple_of3A, %dma_wait3A_1219] : memref<32x1000000xf32, #tpu.memory_space<hbm>> -> memref<16x128xf32, #tpu.memory_space<hbm>>
      %dma_wait3A_1221 = arith.constant 0 : i32
      %dma_wait3A_1222 = arith.constant 0 : i32
      %dma_wait3A_1223 = tpu.memref_slice %arg7[%dma_wait3A_1214, %dma_wait3A_1221, %dma_wait3A_1222] : memref<16x16x128xf32, #tpu.memory_space<vmem>> -> memref<1x16x128xf32, #tpu.memory_space<vmem>>
      %dma_wait3A_1224 = tpu.memref_squeeze %dma_wait3A_1223 : memref<1x16x128xf32, #tpu.memory_space<vmem>> -> memref<16x128xf32, #tpu.memory_space<vmem>>
      %dma_wait3A_1225 = arith.constant 0 : i32
      %dma_wait3A_1226 = tpu.memref_slice %arg3[%multiple_of3A, %dma_wait3A_1225] : memref<32x1000000xf32, #tpu.memory_space<hbm>> -> memref<16x128xf32, #tpu.memory_space<hbm>>
      tpu.wait_dma2 semaphore(%arg10 : memref<!tpu.dma_semaphore, #tpu.memory_space<semaphore_mem>>) src(%dma_wait3A_1226 : memref<16x128xf32, #tpu.memory_space<hbm>>) dst(%dma_wait3A_1224 : memref<16x128xf32, #tpu.memory_space<vmem>>)
      %dma_wait3A_1227 = arith.constant 13 : i32
      %dma_wait3A_1228 = arith.constant 0 : i32
      %dma_wait3A_1229 = arith.constant 0 : i32
      %dma_wait3A_1230 = tpu.memref_slice %arg7[%dma_wait3A_1227, %dma_wait3A_1228, %dma_wait3A_1229] : memref<16x16x128xf32, #tpu.memory_space<vmem>> -> memref<1x16x128xf32, #tpu.memory_space<vmem>>
      %dma_wait3A_1231 = tpu.memref_squeeze %dma_wait3A_1230 : memref<1x16x128xf32, #tpu.memory_space<vmem>> -> memref<16x128xf32, #tpu.memory_space<vmem>>
      %dma_wait3A_1232 = arith.constant 0 : i32
      %dma_wait3A_1233 = tpu.memref_slice %arg3[%multiple_of3A, %dma_wait3A_1232] : memref<32x1000000xf32, #tpu.memory_space<hbm>> -> memref<16x128xf32, #tpu.memory_space<hbm>>
      %dma_wait3A_1234 = arith.constant 0 : i32
      %dma_wait3A_1235 = arith.constant 0 : i32
      %dma_wait3A_1236 = tpu.memref_slice %arg7[%dma_wait3A_1227, %dma_wait3A_1234, %dma_wait3A_1235] : memref<16x16x128xf32, #tpu.memory_space<vmem>> -> memref<1x16x128xf32, #tpu.memory_space<vmem>>
      %dma_wait3A_1237 = tpu.memref_squeeze %dma_wait3A_1236 : memref<1x16x128xf32, #tpu.memory_space<vmem>> -> memref<16x128xf32, #tpu.memory_space<vmem>>
      %dma_wait3A_1238 = arith.constant 0 : i32
      %dma_wait3A_1239 = tpu.memref_slice %arg3[%multiple_of3A, %dma_wait3A_1238] : memref<32x1000000xf32, #tpu.memory_space<hbm>> -> memref<16x128xf32, #tpu.memory_space<hbm>>
      tpu.wait_dma2 semaphore(%arg10 : memref<!tpu.dma_semaphore, #tpu.memory_space<semaphore_mem>>) src(%dma_wait3A_1239 : memref<16x128xf32, #tpu.memory_space<hbm>>) dst(%dma_wait3A_1237 : memref<16x128xf32, #tpu.memory_space<vmem>>)
      %dma_wait3A_1240 = arith.constant 14 : i32
      %dma_wait3A_1241 = arith.constant 0 : i32
      %dma_wait3A_1242 = arith.constant 0 : i32
      %dma_wait3A_1243 = tpu.memref_slice %arg7[%dma_wait3A_1240, %dma_wait3A_1241, %dma_wait3A_1242] : memref<16x16x128xf32, #tpu.memory_space<vmem>> -> memref<1x16x128xf32, #tpu.memory_space<vmem>>
      %dma_wait3A_1244 = tpu.memref_squeeze %dma_wait3A_1243 : memref<1x16x128xf32, #tpu.memory_space<vmem>> -> memref<16x128xf32, #tpu.memory_space<vmem>>
      %dma_wait3A_1245 = arith.constant 0 : i32
      %dma_wait3A_1246 = tpu.memref_slice %arg3[%multiple_of3A, %dma_wait3A_1245] : memref<32x1000000xf32, #tpu.memory_space<hbm>> -> memref<16x128xf32, #tpu.memory_space<hbm>>
      %dma_wait3A_1247 = arith.constant 0 : i32
      %dma_wait3A_1248 = arith.constant 0 : i32
      %dma_wait3A_1249 = tpu.memref_slice %arg7[%dma_wait3A_1240, %dma_wait3A_1247, %dma_wait3A_1248] : memref<16x16x128xf32, #tpu.memory_space<vmem>> -> memref<1x16x128xf32, #tpu.memory_space<vmem>>
      %dma_wait3A_1250 = tpu.memref_squeeze %dma_wait3A_1249 : memref<1x16x128xf32, #tpu.memory_space<vmem>> -> memref<16x128xf32, #tpu.memory_space<vmem>>
      %dma_wait3A_1251 = arith.constant 0 : i32
      %dma_wait3A_1252 = tpu.memref_slice %arg3[%multiple_of3A, %dma_wait3A_1251] : memref<32x1000000xf32, #tpu.memory_space<hbm>> -> memref<16x128xf32, #tpu.memory_space<hbm>>
      tpu.wait_dma2 semaphore(%arg10 : memref<!tpu.dma_semaphore, #tpu.memory_space<semaphore_mem>>) src(%dma_wait3A_1252 : memref<16x128xf32, #tpu.memory_space<hbm>>) dst(%dma_wait3A_1250 : memref<16x128xf32, #tpu.memory_space<vmem>>)
      %dma_wait3A_1253 = arith.constant 15 : i32
      %dma_wait3A_1254 = arith.constant 0 : i32
      %dma_wait3A_1255 = arith.constant 0 : i32
      %dma_wait3A_1256 = tpu.memref_slice %arg7[%dma_wait3A_1253, %dma_wait3A_1254, %dma_wait3A_1255] : memref<16x16x128xf32, #tpu.memory_space<vmem>> -> memref<1x16x128xf32, #tpu.memory_space<vmem>>
      %dma_wait3A_1257 = tpu.memref_squeeze %dma_wait3A_1256 : memref<1x16x128xf32, #tpu.memory_space<vmem>> -> memref<16x128xf32, #tpu.memory_space<vmem>>
      %dma_wait3A_1258 = arith.constant 0 : i32
      %dma_wait3A_1259 = tpu.memref_slice %arg3[%multiple_of3A, %dma_wait3A_1258] : memref<32x1000000xf32, #tpu.memory_space<hbm>> -> memref<16x128xf32, #tpu.memory_space<hbm>>
      %dma_wait3A_1260 = arith.constant 0 : i32
      %dma_wait3A_1261 = arith.constant 0 : i32
      %dma_wait3A_1262 = tpu.memref_slice %arg7[%dma_wait3A_1253, %dma_wait3A_1260, %dma_wait3A_1261] : memref<16x16x128xf32, #tpu.memory_space<vmem>> -> memref<1x16x128xf32, #tpu.memory_space<vmem>>
      %dma_wait3A_1263 = tpu.memref_squeeze %dma_wait3A_1262 : memref<1x16x128xf32, #tpu.memory_space<vmem>> -> memref<16x128xf32, #tpu.memory_space<vmem>>
      %dma_wait3A_1264 = arith.constant 0 : i32
      %dma_wait3A_1265 = tpu.memref_slice %arg3[%multiple_of3A, %dma_wait3A_1264] : memref<32x1000000xf32, #tpu.memory_space<hbm>> -> memref<16x128xf32, #tpu.memory_space<hbm>>
      tpu.wait_dma2 semaphore(%arg10 : memref<!tpu.dma_semaphore, #tpu.memory_space<semaphore_mem>>) src(%dma_wait3A_1265 : memref<16x128xf32, #tpu.memory_space<hbm>>) dst(%dma_wait3A_1263 : memref<16x128xf32, #tpu.memory_space<vmem>>)
      %add3A_1266 = arith.constant 1 : i32
      %add3A_1267 = arith.addi %mul3A_587, %add3A_1266 : i32
      %mul3A_1268 = arith.constant 16 : i32
      %mul3A_1269 = arith.muli %add3A_1267, %mul3A_1268 : i32
      %get3A_1270 = arith.index_cast %mul3A_1269 : i32 to index
      %get3A_1271 = tpu.vector_load %arg5[%get3A_1270] {strides = array<i32>} : memref<1024xi32, #tpu.memory_space<vmem>>, vector<16xi32>,
      %slice3A_1272 = vector.extract_strided_slice %get3A_1271 {offsets = [0], sizes = [1], strides = [1]} : vector<16xi32> to vector<1xi32>
      %squeeze3A_1273 = vector.extract %slice3A_1272[0] : i32 from vector<1xi32>
      %and3A_1274 = arith.constant 127 : i32
      %and3A_1275 = arith.andi %squeeze3A_1273, %and3A_1274 : i32
      %broadcast_in_dim3A_1276 = vector.broadcast %and3A_1275 : i32 to vector<16xi32>
      %gather3A_1277 = arith.constant 0 : i32
      %gather3A_1278 = arith.constant 0 : i32
      %gather3A_1279 = arith.constant 0 : i32
      %gather3A_1280 = tpu.memref_slice %arg7[%gather3A_1277, %gather3A_1278, %gather3A_1279] : memref<16x16x128xf32, #tpu.memory_space<vmem>> -> memref<1x16x128xf32, #tpu.memory_space<vmem>>
      %gather3A_1281 = tpu.memref_squeeze %gather3A_1280 : memref<1x16x128xf32, #tpu.memory_space<vmem>> -> memref<16x128xf32, #tpu.memory_space<vmem>>
      %gather3A_1282 = tpu.vector_load_idx %gather3A_1281[%iota3A, %broadcast_in_dim3A_1276] : memref<16x128xf32, #tpu.memory_space<vmem>>[vector<16xi32>, vector<16xi32>], vector<16xf32>,
      %mul3A_1283 = arith.constant 16 : i32
      %mul3A_1284 = arith.muli %add3A_1267, %mul3A_1283 : i32
      %add3A_1285 = arith.constant 0 : i32
      %add3A_1286 = arith.addi %mul3A_1284, %add3A_1285 : i32
      %broadcast_in_dim3A_1287 = vector.broadcast %add3A_1286 : i32 to vector<16xi32>
      tpu.vector_store_idx %arg8[%iota3A, %broadcast_in_dim3A_1287], %gather3A_1282 : memref<16x1024xf32, #tpu.memory_space<vmem>>[vector<16xi32>, vector<16xi32>], vector<16xf32>,
      %slice3A_1288 = vector.extract_strided_slice %get3A_1271 {offsets = [1], sizes = [1], strides = [1]} : vector<16xi32> to vector<1xi32>
      %squeeze3A_1289 = vector.extract %slice3A_1288[0] : i32 from vector<1xi32>
      %and3A_1290 = arith.constant 127 : i32
      %and3A_1291 = arith.andi %squeeze3A_1289, %and3A_1290 : i32
      %broadcast_in_dim3A_1292 = vector.broadcast %and3A_1291 : i32 to vector<16xi32>
      %gather3A_1293 = arith.constant 1 : i32
      %gather3A_1294 = arith.constant 0 : i32
      %gather3A_1295 = arith.constant 0 : i32
      %gather3A_1296 = tpu.memref_slice %arg7[%gather3A_1293, %gather3A_1294, %gather3A_1295] : memref<16x16x128xf32, #tpu.memory_space<vmem>> -> memref<1x16x128xf32, #tpu.memory_space<vmem>>
      %gather3A_1297 = tpu.memref_squeeze %gather3A_1296 : memref<1x16x128xf32, #tpu.memory_space<vmem>> -> memref<16x128xf32, #tpu.memory_space<vmem>>
      %gather3A_1298 = tpu.vector_load_idx %gather3A_1297[%iota3A, %broadcast_in_dim3A_1292] : memref<16x128xf32, #tpu.memory_space<vmem>>[vector<16xi32>, vector<16xi32>], vector<16xf32>,
      %mul3A_1299 = arith.constant 16 : i32
      %mul3A_1300 = arith.muli %add3A_1267, %mul3A_1299 : i32
      %add3A_1301 = arith.constant 1 : i32
      %add3A_1302 = arith.addi %mul3A_1300, %add3A_1301 : i32
      %broadcast_in_dim3A_1303 = vector.broadcast %add3A_1302 : i32 to vector<16xi32>
      tpu.vector_store_idx %arg8[%iota3A, %broadcast_in_dim3A_1303], %gather3A_1298 : memref<16x1024xf32, #tpu.memory_space<vmem>>[vector<16xi32>, vector<16xi32>], vector<16xf32>,
      %slice3A_1304 = vector.extract_strided_slice %get3A_1271 {offsets = [2], sizes = [1], strides = [1]} : vector<16xi32> to vector<1xi32>
      %squeeze3A_1305 = vector.extract %slice3A_1304[0] : i32 from vector<1xi32>
      %and3A_1306 = arith.constant 127 : i32
      %and3A_1307 = arith.andi %squeeze3A_1305, %and3A_1306 : i32
      %broadcast_in_dim3A_1308 = vector.broadcast %and3A_1307 : i32 to vector<16xi32>
      %gather3A_1309 = arith.constant 2 : i32
      %gather3A_1310 = arith.constant 0 : i32
      %gather3A_1311 = arith.constant 0 : i32
      %gather3A_1312 = tpu.memref_slice %arg7[%gather3A_1309, %gather3A_1310, %gather3A_1311] : memref<16x16x128xf32, #tpu.memory_space<vmem>> -> memref<1x16x128xf32, #tpu.memory_space<vmem>>
      %gather3A_1313 = tpu.memref_squeeze %gather3A_1312 : memref<1x16x128xf32, #tpu.memory_space<vmem>> -> memref<16x128xf32, #tpu.memory_space<vmem>>
      %gather3A_1314 = tpu.vector_load_idx %gather3A_1313[%iota3A, %broadcast_in_dim3A_1308] : memref<16x128xf32, #tpu.memory_space<vmem>>[vector<16xi32>, vector<16xi32>], vector<16xf32>,
      %mul3A_1315 = arith.constant 16 : i32
      %mul3A_1316 = arith.muli %add3A_1267, %mul3A_1315 : i32
      %add3A_1317 = arith.constant 2 : i32
      %add3A_1318 = arith.addi %mul3A_1316, %add3A_1317 : i32
      %broadcast_in_dim3A_1319 = vector.broadcast %add3A_1318 : i32 to vector<16xi32>
      tpu.vector_store_idx %arg8[%iota3A, %broadcast_in_dim3A_1319], %gather3A_1314 : memref<16x1024xf32, #tpu.memory_space<vmem>>[vector<16xi32>, vector<16xi32>], vector<16xf32>,
      %slice3A_1320 = vector.extract_strided_slice %get3A_1271 {offsets = [3], sizes = [1], strides = [1]} : vector<16xi32> to vector<1xi32>
      %squeeze3A_1321 = vector.extract %slice3A_1320[0] : i32 from vector<1xi32>
      %and3A_1322 = arith.constant 127 : i32
      %and3A_1323 = arith.andi %squeeze3A_1321, %and3A_1322 : i32
      %broadcast_in_dim3A_1324 = vector.broadcast %and3A_1323 : i32 to vector<16xi32>
      %gather3A_1325 = arith.constant 3 : i32
      %gather3A_1326 = arith.constant 0 : i32
      %gather3A_1327 = arith.constant 0 : i32
      %gather3A_1328 = tpu.memref_slice %arg7[%gather3A_1325, %gather3A_1326, %gather3A_1327] : memref<16x16x128xf32, #tpu.memory_space<vmem>> -> memref<1x16x128xf32, #tpu.memory_space<vmem>>
      %gather3A_1329 = tpu.memref_squeeze %gather3A_1328 : memref<1x16x128xf32, #tpu.memory_space<vmem>> -> memref<16x128xf32, #tpu.memory_space<vmem>>
      %gather3A_1330 = tpu.vector_load_idx %gather3A_1329[%iota3A, %broadcast_in_dim3A_1324] : memref<16x128xf32, #tpu.memory_space<vmem>>[vector<16xi32>, vector<16xi32>], vector<16xf32>,
      %mul3A_1331 = arith.constant 16 : i32
      %mul3A_1332 = arith.muli %add3A_1267, %mul3A_1331 : i32
      %add3A_1333 = arith.constant 3 : i32
      %add3A_1334 = arith.addi %mul3A_1332, %add3A_1333 : i32
      %broadcast_in_dim3A_1335 = vector.broadcast %add3A_1334 : i32 to vector<16xi32>
      tpu.vector_store_idx %arg8[%iota3A, %broadcast_in_dim3A_1335], %gather3A_1330 : memref<16x1024xf32, #tpu.memory_space<vmem>>[vector<16xi32>, vector<16xi32>], vector<16xf32>,
      %slice3A_1336 = vector.extract_strided_slice %get3A_1271 {offsets = [4], sizes = [1], strides = [1]} : vector<16xi32> to vector<1xi32>
      %squeeze3A_1337 = vector.extract %slice3A_1336[0] : i32 from vector<1xi32>
      %and3A_1338 = arith.constant 127 : i32
      %and3A_1339 = arith.andi %squeeze3A_1337, %and3A_1338 : i32
      %broadcast_in_dim3A_1340 = vector.broadcast %and3A_1339 : i32 to vector<16xi32>
      %gather3A_1341 = arith.constant 4 : i32
      %gather3A_1342 = arith.constant 0 : i32
      %gather3A_1343 = arith.constant 0 : i32
      %gather3A_1344 = tpu.memref_slice %arg7[%gather3A_1341, %gather3A_1342, %gather3A_1343] : memref<16x16x128xf32, #tpu.memory_space<vmem>> -> memref<1x16x128xf32, #tpu.memory_space<vmem>>
      %gather3A_1345 = tpu.memref_squeeze %gather3A_1344 : memref<1x16x128xf32, #tpu.memory_space<vmem>> -> memref<16x128xf32, #tpu.memory_space<vmem>>
      %gather3A_1346 = tpu.vector_load_idx %gather3A_1345[%iota3A, %broadcast_in_dim3A_1340] : memref<16x128xf32, #tpu.memory_space<vmem>>[vector<16xi32>, vector<16xi32>], vector<16xf32>,
      %mul3A_1347 = arith.constant 16 : i32
      %mul3A_1348 = arith.muli %add3A_1267, %mul3A_1347 : i32
      %add3A_1349 = arith.constant 4 : i32
      %add3A_1350 = arith.addi %mul3A_1348, %add3A_1349 : i32
      %broadcast_in_dim3A_1351 = vector.broadcast %add3A_1350 : i32 to vector<16xi32>
      tpu.vector_store_idx %arg8[%iota3A, %broadcast_in_dim3A_1351], %gather3A_1346 : memref<16x1024xf32, #tpu.memory_space<vmem>>[vector<16xi32>, vector<16xi32>], vector<16xf32>,
      %slice3A_1352 = vector.extract_strided_slice %get3A_1271 {offsets = [5], sizes = [1], strides = [1]} : vector<16xi32> to vector<1xi32>
      %squeeze3A_1353 = vector.extract %slice3A_1352[0] : i32 from vector<1xi32>
      %and3A_1354 = arith.constant 127 : i32
      %and3A_1355 = arith.andi %squeeze3A_1353, %and3A_1354 : i32
      %broadcast_in_dim3A_1356 = vector.broadcast %and3A_1355 : i32 to vector<16xi32>
      %gather3A_1357 = arith.constant 5 : i32
      %gather3A_1358 = arith.constant 0 : i32
      %gather3A_1359 = arith.constant 0 : i32
      %gather3A_1360 = tpu.memref_slice %arg7[%gather3A_1357, %gather3A_1358, %gather3A_1359] : memref<16x16x128xf32, #tpu.memory_space<vmem>> -> memref<1x16x128xf32, #tpu.memory_space<vmem>>
      %gather3A_1361 = tpu.memref_squeeze %gather3A_1360 : memref<1x16x128xf32, #tpu.memory_space<vmem>> -> memref<16x128xf32, #tpu.memory_space<vmem>>
      %gather3A_1362 = tpu.vector_load_idx %gather3A_1361[%iota3A, %broadcast_in_dim3A_1356] : memref<16x128xf32, #tpu.memory_space<vmem>>[vector<16xi32>, vector<16xi32>], vector<16xf32>,
      %mul3A_1363 = arith.constant 16 : i32
      %mul3A_1364 = arith.muli %add3A_1267, %mul3A_1363 : i32
      %add3A_1365 = arith.constant 5 : i32
      %add3A_1366 = arith.addi %mul3A_1364, %add3A_1365 : i32
      %broadcast_in_dim3A_1367 = vector.broadcast %add3A_1366 : i32 to vector<16xi32>
      tpu.vector_store_idx %arg8[%iota3A, %broadcast_in_dim3A_1367], %gather3A_1362 : memref<16x1024xf32, #tpu.memory_space<vmem>>[vector<16xi32>, vector<16xi32>], vector<16xf32>,
      %slice3A_1368 = vector.extract_strided_slice %get3A_1271 {offsets = [6], sizes = [1], strides = [1]} : vector<16xi32> to vector<1xi32>
      %squeeze3A_1369 = vector.extract %slice3A_1368[0] : i32 from vector<1xi32>
      %and3A_1370 = arith.constant 127 : i32
      %and3A_1371 = arith.andi %squeeze3A_1369, %and3A_1370 : i32
      %broadcast_in_dim3A_1372 = vector.broadcast %and3A_1371 : i32 to vector<16xi32>
      %gather3A_1373 = arith.constant 6 : i32
      %gather3A_1374 = arith.constant 0 : i32
      %gather3A_1375 = arith.constant 0 : i32
      %gather3A_1376 = tpu.memref_slice %arg7[%gather3A_1373, %gather3A_1374, %gather3A_1375] : memref<16x16x128xf32, #tpu.memory_space<vmem>> -> memref<1x16x128xf32, #tpu.memory_space<vmem>>
      %gather3A_1377 = tpu.memref_squeeze %gather3A_1376 : memref<1x16x128xf32, #tpu.memory_space<vmem>> -> memref<16x128xf32, #tpu.memory_space<vmem>>
      %gather3A_1378 = tpu.vector_load_idx %gather3A_1377[%iota3A, %broadcast_in_dim3A_1372] : memref<16x128xf32, #tpu.memory_space<vmem>>[vector<16xi32>, vector<16xi32>], vector<16xf32>,
      %mul3A_1379 = arith.constant 16 : i32
      %mul3A_1380 = arith.muli %add3A_1267, %mul3A_1379 : i32
      %add3A_1381 = arith.constant 6 : i32
      %add3A_1382 = arith.addi %mul3A_1380, %add3A_1381 : i32
      %broadcast_in_dim3A_1383 = vector.broadcast %add3A_1382 : i32 to vector<16xi32>
      tpu.vector_store_idx %arg8[%iota3A, %broadcast_in_dim3A_1383], %gather3A_1378 : memref<16x1024xf32, #tpu.memory_space<vmem>>[vector<16xi32>, vector<16xi32>], vector<16xf32>,
      %slice3A_1384 = vector.extract_strided_slice %get3A_1271 {offsets = [7], sizes = [1], strides = [1]} : vector<16xi32> to vector<1xi32>
      %squeeze3A_1385 = vector.extract %slice3A_1384[0] : i32 from vector<1xi32>
      %and3A_1386 = arith.constant 127 : i32
      %and3A_1387 = arith.andi %squeeze3A_1385, %and3A_1386 : i32
      %broadcast_in_dim3A_1388 = vector.broadcast %and3A_1387 : i32 to vector<16xi32>
      %gather3A_1389 = arith.constant 7 : i32
      %gather3A_1390 = arith.constant 0 : i32
      %gather3A_1391 = arith.constant 0 : i32
      %gather3A_1392 = tpu.memref_slice %arg7[%gather3A_1389, %gather3A_1390, %gather3A_1391] : memref<16x16x128xf32, #tpu.memory_space<vmem>> -> memref<1x16x128xf32, #tpu.memory_space<vmem>>
      %gather3A_1393 = tpu.memref_squeeze %gather3A_1392 : memref<1x16x128xf32, #tpu.memory_space<vmem>> -> memref<16x128xf32, #tpu.memory_space<vmem>>
      %gather3A_1394 = tpu.vector_load_idx %gather3A_1393[%iota3A, %broadcast_in_dim3A_1388] : memref<16x128xf32, #tpu.memory_space<vmem>>[vector<16xi32>, vector<16xi32>], vector<16xf32>,
      %mul3A_1395 = arith.constant 16 : i32
      %mul3A_1396 = arith.muli %add3A_1267, %mul3A_1395 : i32
      %add3A_1397 = arith.constant 7 : i32
      %add3A_1398 = arith.addi %mul3A_1396, %add3A_1397 : i32
      %broadcast_in_dim3A_1399 = vector.broadcast %add3A_1398 : i32 to vector<16xi32>
      tpu.vector_store_idx %arg8[%iota3A, %broadcast_in_dim3A_1399], %gather3A_1394 : memref<16x1024xf32, #tpu.memory_space<vmem>>[vector<16xi32>, vector<16xi32>], vector<16xf32>,
      %slice3A_1400 = vector.extract_strided_slice %get3A_1271 {offsets = [8], sizes = [1], strides = [1]} : vector<16xi32> to vector<1xi32>
      %squeeze3A_1401 = vector.extract %slice3A_1400[0] : i32 from vector<1xi32>
      %and3A_1402 = arith.constant 127 : i32
      %and3A_1403 = arith.andi %squeeze3A_1401, %and3A_1402 : i32
      %broadcast_in_dim3A_1404 = vector.broadcast %and3A_1403 : i32 to vector<16xi32>
      %gather3A_1405 = arith.constant 8 : i32
      %gather3A_1406 = arith.constant 0 : i32
      %gather3A_1407 = arith.constant 0 : i32
      %gather3A_1408 = tpu.memref_slice %arg7[%gather3A_1405, %gather3A_1406, %gather3A_1407] : memref<16x16x128xf32, #tpu.memory_space<vmem>> -> memref<1x16x128xf32, #tpu.memory_space<vmem>>
      %gather3A_1409 = tpu.memref_squeeze %gather3A_1408 : memref<1x16x128xf32, #tpu.memory_space<vmem>> -> memref<16x128xf32, #tpu.memory_space<vmem>>
      %gather3A_1410 = tpu.vector_load_idx %gather3A_1409[%iota3A, %broadcast_in_dim3A_1404] : memref<16x128xf32, #tpu.memory_space<vmem>>[vector<16xi32>, vector<16xi32>], vector<16xf32>,
      %mul3A_1411 = arith.constant 16 : i32
      %mul3A_1412 = arith.muli %add3A_1267, %mul3A_1411 : i32
      %add3A_1413 = arith.constant 8 : i32
      %add3A_1414 = arith.addi %mul3A_1412, %add3A_1413 : i32
      %broadcast_in_dim3A_1415 = vector.broadcast %add3A_1414 : i32 to vector<16xi32>
      tpu.vector_store_idx %arg8[%iota3A, %broadcast_in_dim3A_1415], %gather3A_1410 : memref<16x1024xf32, #tpu.memory_space<vmem>>[vector<16xi32>, vector<16xi32>], vector<16xf32>,
      %slice3A_1416 = vector.extract_strided_slice %get3A_1271 {offsets = [9], sizes = [1], strides = [1]} : vector<16xi32> to vector<1xi32>
      %squeeze3A_1417 = vector.extract %slice3A_1416[0] : i32 from vector<1xi32>
      %and3A_1418 = arith.constant 127 : i32
      %and3A_1419 = arith.andi %squeeze3A_1417, %and3A_1418 : i32
      %broadcast_in_dim3A_1420 = vector.broadcast %and3A_1419 : i32 to vector<16xi32>
      %gather3A_1421 = arith.constant 9 : i32
      %gather3A_1422 = arith.constant 0 : i32
      %gather3A_1423 = arith.constant 0 : i32
      %gather3A_1424 = tpu.memref_slice %arg7[%gather3A_1421, %gather3A_1422, %gather3A_1423] : memref<16x16x128xf32, #tpu.memory_space<vmem>> -> memref<1x16x128xf32, #tpu.memory_space<vmem>>
      %gather3A_1425 = tpu.memref_squeeze %gather3A_1424 : memref<1x16x128xf32, #tpu.memory_space<vmem>> -> memref<16x128xf32, #tpu.memory_space<vmem>>
      %gather3A_1426 = tpu.vector_load_idx %gather3A_1425[%iota3A, %broadcast_in_dim3A_1420] : memref<16x128xf32, #tpu.memory_space<vmem>>[vector<16xi32>, vector<16xi32>], vector<16xf32>,
      %mul3A_1427 = arith.constant 16 : i32
      %mul3A_1428 = arith.muli %add3A_1267, %mul3A_1427 : i32
      %add3A_1429 = arith.constant 9 : i32
      %add3A_1430 = arith.addi %mul3A_1428, %add3A_1429 : i32
      %broadcast_in_dim3A_1431 = vector.broadcast %add3A_1430 : i32 to vector<16xi32>
      tpu.vector_store_idx %arg8[%iota3A, %broadcast_in_dim3A_1431], %gather3A_1426 : memref<16x1024xf32, #tpu.memory_space<vmem>>[vector<16xi32>, vector<16xi32>], vector<16xf32>,
      %slice3A_1432 = vector.extract_strided_slice %get3A_1271 {offsets = [10], sizes = [1], strides = [1]} : vector<16xi32> to vector<1xi32>
      %squeeze3A_1433 = vector.extract %slice3A_1432[0] : i32 from vector<1xi32>
      %and3A_1434 = arith.constant 127 : i32
      %and3A_1435 = arith.andi %squeeze3A_1433, %and3A_1434 : i32
      %broadcast_in_dim3A_1436 = vector.broadcast %and3A_1435 : i32 to vector<16xi32>
      %gather3A_1437 = arith.constant 10 : i32
      %gather3A_1438 = arith.constant 0 : i32
      %gather3A_1439 = arith.constant 0 : i32
      %gather3A_1440 = tpu.memref_slice %arg7[%gather3A_1437, %gather3A_1438, %gather3A_1439] : memref<16x16x128xf32, #tpu.memory_space<vmem>> -> memref<1x16x128xf32, #tpu.memory_space<vmem>>
      %gather3A_1441 = tpu.memref_squeeze %gather3A_1440 : memref<1x16x128xf32, #tpu.memory_space<vmem>> -> memref<16x128xf32, #tpu.memory_space<vmem>>
      %gather3A_1442 = tpu.vector_load_idx %gather3A_1441[%iota3A, %broadcast_in_dim3A_1436] : memref<16x128xf32, #tpu.memory_space<vmem>>[vector<16xi32>, vector<16xi32>], vector<16xf32>,
      %mul3A_1443 = arith.constant 16 : i32
      %mul3A_1444 = arith.muli %add3A_1267, %mul3A_1443 : i32
      %add3A_1445 = arith.constant 10 : i32
      %add3A_1446 = arith.addi %mul3A_1444, %add3A_1445 : i32
      %broadcast_in_dim3A_1447 = vector.broadcast %add3A_1446 : i32 to vector<16xi32>
      tpu.vector_store_idx %arg8[%iota3A, %broadcast_in_dim3A_1447], %gather3A_1442 : memref<16x1024xf32, #tpu.memory_space<vmem>>[vector<16xi32>, vector<16xi32>], vector<16xf32>,
      %slice3A_1448 = vector.extract_strided_slice %get3A_1271 {offsets = [11], sizes = [1], strides = [1]} : vector<16xi32> to vector<1xi32>
      %squeeze3A_1449 = vector.extract %slice3A_1448[0] : i32 from vector<1xi32>
      %and3A_1450 = arith.constant 127 : i32
      %and3A_1451 = arith.andi %squeeze3A_1449, %and3A_1450 : i32
      %broadcast_in_dim3A_1452 = vector.broadcast %and3A_1451 : i32 to vector<16xi32>
      %gather3A_1453 = arith.constant 11 : i32
      %gather3A_1454 = arith.constant 0 : i32
      %gather3A_1455 = arith.constant 0 : i32
      %gather3A_1456 = tpu.memref_slice %arg7[%gather3A_1453, %gather3A_1454, %gather3A_1455] : memref<16x16x128xf32, #tpu.memory_space<vmem>> -> memref<1x16x128xf32, #tpu.memory_space<vmem>>
      %gather3A_1457 = tpu.memref_squeeze %gather3A_1456 : memref<1x16x128xf32, #tpu.memory_space<vmem>> -> memref<16x128xf32, #tpu.memory_space<vmem>>
      %gather3A_1458 = tpu.vector_load_idx %gather3A_1457[%iota3A, %broadcast_in_dim3A_1452] : memref<16x128xf32, #tpu.memory_space<vmem>>[vector<16xi32>, vector<16xi32>], vector<16xf32>,
      %mul3A_1459 = arith.constant 16 : i32
      %mul3A_1460 = arith.muli %add3A_1267, %mul3A_1459 : i32
      %add3A_1461 = arith.constant 11 : i32
      %add3A_1462 = arith.addi %mul3A_1460, %add3A_1461 : i32
      %broadcast_in_dim3A_1463 = vector.broadcast %add3A_1462 : i32 to vector<16xi32>
      tpu.vector_store_idx %arg8[%iota3A, %broadcast_in_dim3A_1463], %gather3A_1458 : memref<16x1024xf32, #tpu.memory_space<vmem>>[vector<16xi32>, vector<16xi32>], vector<16xf32>,
      %slice3A_1464 = vector.extract_strided_slice %get3A_1271 {offsets = [12], sizes = [1], strides = [1]} : vector<16xi32> to vector<1xi32>
      %squeeze3A_1465 = vector.extract %slice3A_1464[0] : i32 from vector<1xi32>
      %and3A_1466 = arith.constant 127 : i32
      %and3A_1467 = arith.andi %squeeze3A_1465, %and3A_1466 : i32
      %broadcast_in_dim3A_1468 = vector.broadcast %and3A_1467 : i32 to vector<16xi32>
      %gather3A_1469 = arith.constant 12 : i32
      %gather3A_1470 = arith.constant 0 : i32
      %gather3A_1471 = arith.constant 0 : i32
      %gather3A_1472 = tpu.memref_slice %arg7[%gather3A_1469, %gather3A_1470, %gather3A_1471] : memref<16x16x128xf32, #tpu.memory_space<vmem>> -> memref<1x16x128xf32, #tpu.memory_space<vmem>>
      %gather3A_1473 = tpu.memref_squeeze %gather3A_1472 : memref<1x16x128xf32, #tpu.memory_space<vmem>> -> memref<16x128xf32, #tpu.memory_space<vmem>>
      %gather3A_1474 = tpu.vector_load_idx %gather3A_1473[%iota3A, %broadcast_in_dim3A_1468] : memref<16x128xf32, #tpu.memory_space<vmem>>[vector<16xi32>, vector<16xi32>], vector<16xf32>,
      %mul3A_1475 = arith.constant 16 : i32
      %mul3A_1476 = arith.muli %add3A_1267, %mul3A_1475 : i32
      %add3A_1477 = arith.constant 12 : i32
      %add3A_1478 = arith.addi %mul3A_1476, %add3A_1477 : i32
      %broadcast_in_dim3A_1479 = vector.broadcast %add3A_1478 : i32 to vector<16xi32>
      tpu.vector_store_idx %arg8[%iota3A, %broadcast_in_dim3A_1479], %gather3A_1474 : memref<16x1024xf32, #tpu.memory_space<vmem>>[vector<16xi32>, vector<16xi32>], vector<16xf32>,
      %slice3A_1480 = vector.extract_strided_slice %get3A_1271 {offsets = [13], sizes = [1], strides = [1]} : vector<16xi32> to vector<1xi32>
      %squeeze3A_1481 = vector.extract %slice3A_1480[0] : i32 from vector<1xi32>
      %and3A_1482 = arith.constant 127 : i32
      %and3A_1483 = arith.andi %squeeze3A_1481, %and3A_1482 : i32
      %broadcast_in_dim3A_1484 = vector.broadcast %and3A_1483 : i32 to vector<16xi32>
      %gather3A_1485 = arith.constant 13 : i32
      %gather3A_1486 = arith.constant 0 : i32
      %gather3A_1487 = arith.constant 0 : i32
      %gather3A_1488 = tpu.memref_slice %arg7[%gather3A_1485, %gather3A_1486, %gather3A_1487] : memref<16x16x128xf32, #tpu.memory_space<vmem>> -> memref<1x16x128xf32, #tpu.memory_space<vmem>>
      %gather3A_1489 = tpu.memref_squeeze %gather3A_1488 : memref<1x16x128xf32, #tpu.memory_space<vmem>> -> memref<16x128xf32, #tpu.memory_space<vmem>>
      %gather3A_1490 = tpu.vector_load_idx %gather3A_1489[%iota3A, %broadcast_in_dim3A_1484] : memref<16x128xf32, #tpu.memory_space<vmem>>[vector<16xi32>, vector<16xi32>], vector<16xf32>,
      %mul3A_1491 = arith.constant 16 : i32
      %mul3A_1492 = arith.muli %add3A_1267, %mul3A_1491 : i32
      %add3A_1493 = arith.constant 13 : i32
      %add3A_1494 = arith.addi %mul3A_1492, %add3A_1493 : i32
      %broadcast_in_dim3A_1495 = vector.broadcast %add3A_1494 : i32 to vector<16xi32>
      tpu.vector_store_idx %arg8[%iota3A, %broadcast_in_dim3A_1495], %gather3A_1490 : memref<16x1024xf32, #tpu.memory_space<vmem>>[vector<16xi32>, vector<16xi32>], vector<16xf32>,
      %slice3A_1496 = vector.extract_strided_slice %get3A_1271 {offsets = [14], sizes = [1], strides = [1]} : vector<16xi32> to vector<1xi32>
      %squeeze3A_1497 = vector.extract %slice3A_1496[0] : i32 from vector<1xi32>
      %and3A_1498 = arith.constant 127 : i32
      %and3A_1499 = arith.andi %squeeze3A_1497, %and3A_1498 : i32
      %broadcast_in_dim3A_1500 = vector.broadcast %and3A_1499 : i32 to vector<16xi32>
      %gather3A_1501 = arith.constant 14 : i32
      %gather3A_1502 = arith.constant 0 : i32
      %gather3A_1503 = arith.constant 0 : i32
      %gather3A_1504 = tpu.memref_slice %arg7[%gather3A_1501, %gather3A_1502, %gather3A_1503] : memref<16x16x128xf32, #tpu.memory_space<vmem>> -> memref<1x16x128xf32, #tpu.memory_space<vmem>>
      %gather3A_1505 = tpu.memref_squeeze %gather3A_1504 : memref<1x16x128xf32, #tpu.memory_space<vmem>> -> memref<16x128xf32, #tpu.memory_space<vmem>>
      %gather3A_1506 = tpu.vector_load_idx %gather3A_1505[%iota3A, %broadcast_in_dim3A_1500] : memref<16x128xf32, #tpu.memory_space<vmem>>[vector<16xi32>, vector<16xi32>], vector<16xf32>,
      %mul3A_1507 = arith.constant 16 : i32
      %mul3A_1508 = arith.muli %add3A_1267, %mul3A_1507 : i32
      %add3A_1509 = arith.constant 14 : i32
      %add3A_1510 = arith.addi %mul3A_1508, %add3A_1509 : i32
      %broadcast_in_dim3A_1511 = vector.broadcast %add3A_1510 : i32 to vector<16xi32>
      tpu.vector_store_idx %arg8[%iota3A, %broadcast_in_dim3A_1511], %gather3A_1506 : memref<16x1024xf32, #tpu.memory_space<vmem>>[vector<16xi32>, vector<16xi32>], vector<16xf32>,
      %slice3A_1512 = vector.extract_strided_slice %get3A_1271 {offsets = [15], sizes = [1], strides = [1]} : vector<16xi32> to vector<1xi32>
      %squeeze3A_1513 = vector.extract %slice3A_1512[0] : i32 from vector<1xi32>
      %and3A_1514 = arith.constant 127 : i32
      %and3A_1515 = arith.andi %squeeze3A_1513, %and3A_1514 : i32
      %broadcast_in_dim3A_1516 = vector.broadcast %and3A_1515 : i32 to vector<16xi32>
      %gather3A_1517 = arith.constant 15 : i32
      %gather3A_1518 = arith.constant 0 : i32
      %gather3A_1519 = arith.constant 0 : i32
      %gather3A_1520 = tpu.memref_slice %arg7[%gather3A_1517, %gather3A_1518, %gather3A_1519] : memref<16x16x128xf32, #tpu.memory_space<vmem>> -> memref<1x16x128xf32, #tpu.memory_space<vmem>>
      %gather3A_1521 = tpu.memref_squeeze %gather3A_1520 : memref<1x16x128xf32, #tpu.memory_space<vmem>> -> memref<16x128xf32, #tpu.memory_space<vmem>>
      %gather3A_1522 = tpu.vector_load_idx %gather3A_1521[%iota3A, %broadcast_in_dim3A_1516] : memref<16x128xf32, #tpu.memory_space<vmem>>[vector<16xi32>, vector<16xi32>], vector<16xf32>,
      %mul3A_1523 = arith.constant 16 : i32
      %mul3A_1524 = arith.muli %add3A_1267, %mul3A_1523 : i32
      %add3A_1525 = arith.constant 15 : i32
      %add3A_1526 = arith.addi %mul3A_1524, %add3A_1525 : i32
      %broadcast_in_dim3A_1527 = vector.broadcast %add3A_1526 : i32 to vector<16xi32>
      tpu.vector_store_idx %arg8[%iota3A, %broadcast_in_dim3A_1527], %gather3A_1522 : memref<16x1024xf32, #tpu.memory_space<vmem>>[vector<16xi32>, vector<16xi32>], vector<16xf32>,
      %add3A_1528 = arith.constant 3 : i32
      %add3A_1529 = arith.addi %mul3A_587, %add3A_1528 : i32
      %lt3A_1530 = arith.constant 64 : i32
      %lt3A_1531 = arith.cmpi slt, %add3A_1529, %lt3A_1530 : i32
      %convert_element_type3A_1532 = arith.extui %lt3A_1531 : i1 to i32
      %cond3A_1533 = arith.constant 0 : i32
      %cond3A_1534 = arith.cmpi ne, %convert_element_type3A_1532, %cond3A_1533 : i32
      scf.if %cond3A_1534 {
        %add3A_1535 = arith.constant 3 : i32
        %add3A_1536 = arith.addi %mul3A_587, %add3A_1535 : i32
        %mul3A_1537 = arith.constant 16 : i32
        %mul3A_1538 = arith.muli %add3A_1536, %mul3A_1537 : i32
        %get3A_1539 = arith.index_cast %mul3A_1538 : i32 to index
        %get3A_1540 = tpu.vector_load %arg5[%get3A_1539] {strides = array<i32>} : memref<1024xi32, #tpu.memory_space<vmem>>, vector<16xi32>,
        %slice3A_1541 = vector.extract_strided_slice %get3A_1540 {offsets = [0], sizes = [1], strides = [1]} : vector<16xi32> to vector<1xi32>
        %squeeze3A_1542 = vector.extract %slice3A_1541[0] : i32 from vector<1xi32>
        %shift_right_arithmetic3A_1543 = arith.constant 7 : i32
        %shift_right_arithmetic3A_1544 = arith.shrsi %squeeze3A_1542, %shift_right_arithmetic3A_1543 : i32
        %shift_left3A_1545 = arith.constant 7 : i32
        %shift_left3A_1546 = arith.shli %shift_right_arithmetic3A_1544, %shift_left3A_1545 : i32
        %multiple_of3A_1547 = tpu.assume_multiple %shift_left3A_1546, 128 : i32
        %dma_start3A_1548 = arith.constant 0 : i32
        %dma_start3A_1549 = arith.constant 0 : i32
        %dma_start3A_1550 = arith.constant 0 : i32
        %dma_start3A_1551 = tpu.memref_slice %arg7[%dma_start3A_1548, %dma_start3A_1549, %dma_start3A_1550] : memref<16x16x128xf32, #tpu.memory_space<vmem>> -> memref<1x16x128xf32, #tpu.memory_space<vmem>>
        %dma_start3A_1552 = tpu.memref_squeeze %dma_start3A_1551 : memref<1x16x128xf32, #tpu.memory_space<vmem>> -> memref<16x128xf32, #tpu.memory_space<vmem>>
        %dma_start3A_1553 = tpu.memref_slice %arg3[%multiple_of3A, %multiple_of3A_1547] : memref<32x1000000xf32, #tpu.memory_space<hbm>> -> memref<16x128xf32, #tpu.memory_space<hbm>>
        %dma_start3A_1554 = arith.constant 0 : i32
        %dma_start3A_1555 = arith.constant 0 : i32
        %dma_start3A_1556 = tpu.memref_slice %arg7[%dma_start3A_1548, %dma_start3A_1554, %dma_start3A_1555] : memref<16x16x128xf32, #tpu.memory_space<vmem>> -> memref<1x16x128xf32, #tpu.memory_space<vmem>>
        %dma_start3A_1557 = tpu.memref_squeeze %dma_start3A_1556 : memref<1x16x128xf32, #tpu.memory_space<vmem>> -> memref<16x128xf32, #tpu.memory_space<vmem>>
        %dma_start3A_1558 = tpu.memref_slice %arg3[%multiple_of3A, %multiple_of3A_1547] : memref<32x1000000xf32, #tpu.memory_space<hbm>> -> memref<16x128xf32, #tpu.memory_space<hbm>>
        tpu.enqueue_dma source(%dma_start3A_1558 : memref<16x128xf32, #tpu.memory_space<hbm>>) target(%dma_start3A_1557 : memref<16x128xf32, #tpu.memory_space<vmem>>) target_semaphore(%arg10 : memref<!tpu.dma_semaphore, #tpu.memory_space<semaphore_mem>>)
        %slice3A_1559 = vector.extract_strided_slice %get3A_1540 {offsets = [1], sizes = [1], strides = [1]} : vector<16xi32> to vector<1xi32>
        %squeeze3A_1560 = vector.extract %slice3A_1559[0] : i32 from vector<1xi32>
        %shift_right_arithmetic3A_1561 = arith.constant 7 : i32
        %shift_right_arithmetic3A_1562 = arith.shrsi %squeeze3A_1560, %shift_right_arithmetic3A_1561 : i32
        %shift_left3A_1563 = arith.constant 7 : i32
        %shift_left3A_1564 = arith.shli %shift_right_arithmetic3A_1562, %shift_left3A_1563 : i32
        %multiple_of3A_1565 = tpu.assume_multiple %shift_left3A_1564, 128 : i32
        %dma_start3A_1566 = arith.constant 1 : i32
        %dma_start3A_1567 = arith.constant 0 : i32
        %dma_start3A_1568 = arith.constant 0 : i32
        %dma_start3A_1569 = tpu.memref_slice %arg7[%dma_start3A_1566, %dma_start3A_1567, %dma_start3A_1568] : memref<16x16x128xf32, #tpu.memory_space<vmem>> -> memref<1x16x128xf32, #tpu.memory_space<vmem>>
        %dma_start3A_1570 = tpu.memref_squeeze %dma_start3A_1569 : memref<1x16x128xf32, #tpu.memory_space<vmem>> -> memref<16x128xf32, #tpu.memory_space<vmem>>
        %dma_start3A_1571 = tpu.memref_slice %arg3[%multiple_of3A, %multiple_of3A_1565] : memref<32x1000000xf32, #tpu.memory_space<hbm>> -> memref<16x128xf32, #tpu.memory_space<hbm>>
        %dma_start3A_1572 = arith.constant 0 : i32
        %dma_start3A_1573 = arith.constant 0 : i32
        %dma_start3A_1574 = tpu.memref_slice %arg7[%dma_start3A_1566, %dma_start3A_1572, %dma_start3A_1573] : memref<16x16x128xf32, #tpu.memory_space<vmem>> -> memref<1x16x128xf32, #tpu.memory_space<vmem>>
        %dma_start3A_1575 = tpu.memref_squeeze %dma_start3A_1574 : memref<1x16x128xf32, #tpu.memory_space<vmem>> -> memref<16x128xf32, #tpu.memory_space<vmem>>
        %dma_start3A_1576 = tpu.memref_slice %arg3[%multiple_of3A, %multiple_of3A_1565] : memref<32x1000000xf32, #tpu.memory_space<hbm>> -> memref<16x128xf32, #tpu.memory_space<hbm>>
        tpu.enqueue_dma source(%dma_start3A_1576 : memref<16x128xf32, #tpu.memory_space<hbm>>) target(%dma_start3A_1575 : memref<16x128xf32, #tpu.memory_space<vmem>>) target_semaphore(%arg10 : memref<!tpu.dma_semaphore, #tpu.memory_space<semaphore_mem>>)
        %slice3A_1577 = vector.extract_strided_slice %get3A_1540 {offsets = [2], sizes = [1], strides = [1]} : vector<16xi32> to vector<1xi32>
        %squeeze3A_1578 = vector.extract %slice3A_1577[0] : i32 from vector<1xi32>
        %shift_right_arithmetic3A_1579 = arith.constant 7 : i32
        %shift_right_arithmetic3A_1580 = arith.shrsi %squeeze3A_1578, %shift_right_arithmetic3A_1579 : i32
        %shift_left3A_1581 = arith.constant 7 : i32
        %shift_left3A_1582 = arith.shli %shift_right_arithmetic3A_1580, %shift_left3A_1581 : i32
        %multiple_of3A_1583 = tpu.assume_multiple %shift_left3A_1582, 128 : i32
        %dma_start3A_1584 = arith.constant 2 : i32
        %dma_start3A_1585 = arith.constant 0 : i32
        %dma_start3A_1586 = arith.constant 0 : i32
        %dma_start3A_1587 = tpu.memref_slice %arg7[%dma_start3A_1584, %dma_start3A_1585, %dma_start3A_1586] : memref<16x16x128xf32, #tpu.memory_space<vmem>> -> memref<1x16x128xf32, #tpu.memory_space<vmem>>
        %dma_start3A_1588 = tpu.memref_squeeze %dma_start3A_1587 : memref<1x16x128xf32, #tpu.memory_space<vmem>> -> memref<16x128xf32, #tpu.memory_space<vmem>>
        %dma_start3A_1589 = tpu.memref_slice %arg3[%multiple_of3A, %multiple_of3A_1583] : memref<32x1000000xf32, #tpu.memory_space<hbm>> -> memref<16x128xf32, #tpu.memory_space<hbm>>
        %dma_start3A_1590 = arith.constant 0 : i32
        %dma_start3A_1591 = arith.constant 0 : i32
        %dma_start3A_1592 = tpu.memref_slice %arg7[%dma_start3A_1584, %dma_start3A_1590, %dma_start3A_1591] : memref<16x16x128xf32, #tpu.memory_space<vmem>> -> memref<1x16x128xf32, #tpu.memory_space<vmem>>
        %dma_start3A_1593 = tpu.memref_squeeze %dma_start3A_1592 : memref<1x16x128xf32, #tpu.memory_space<vmem>> -> memref<16x128xf32, #tpu.memory_space<vmem>>
        %dma_start3A_1594 = tpu.memref_slice %arg3[%multiple_of3A, %multiple_of3A_1583] : memref<32x1000000xf32, #tpu.memory_space<hbm>> -> memref<16x128xf32, #tpu.memory_space<hbm>>
        tpu.enqueue_dma source(%dma_start3A_1594 : memref<16x128xf32, #tpu.memory_space<hbm>>) target(%dma_start3A_1593 : memref<16x128xf32, #tpu.memory_space<vmem>>) target_semaphore(%arg10 : memref<!tpu.dma_semaphore, #tpu.memory_space<semaphore_mem>>)
        %slice3A_1595 = vector.extract_strided_slice %get3A_1540 {offsets = [3], sizes = [1], strides = [1]} : vector<16xi32> to vector<1xi32>
        %squeeze3A_1596 = vector.extract %slice3A_1595[0] : i32 from vector<1xi32>
        %shift_right_arithmetic3A_1597 = arith.constant 7 : i32
        %shift_right_arithmetic3A_1598 = arith.shrsi %squeeze3A_1596, %shift_right_arithmetic3A_1597 : i32
        %shift_left3A_1599 = arith.constant 7 : i32
        %shift_left3A_1600 = arith.shli %shift_right_arithmetic3A_1598, %shift_left3A_1599 : i32
        %multiple_of3A_1601 = tpu.assume_multiple %shift_left3A_1600, 128 : i32
        %dma_start3A_1602 = arith.constant 3 : i32
        %dma_start3A_1603 = arith.constant 0 : i32
        %dma_start3A_1604 = arith.constant 0 : i32
        %dma_start3A_1605 = tpu.memref_slice %arg7[%dma_start3A_1602, %dma_start3A_1603, %dma_start3A_1604] : memref<16x16x128xf32, #tpu.memory_space<vmem>> -> memref<1x16x128xf32, #tpu.memory_space<vmem>>
        %dma_start3A_1606 = tpu.memref_squeeze %dma_start3A_1605 : memref<1x16x128xf32, #tpu.memory_space<vmem>> -> memref<16x128xf32, #tpu.memory_space<vmem>>
        %dma_start3A_1607 = tpu.memref_slice %arg3[%multiple_of3A, %multiple_of3A_1601] : memref<32x1000000xf32, #tpu.memory_space<hbm>> -> memref<16x128xf32, #tpu.memory_space<hbm>>
        %dma_start3A_1608 = arith.constant 0 : i32
        %dma_start3A_1609 = arith.constant 0 : i32
        %dma_start3A_1610 = tpu.memref_slice %arg7[%dma_start3A_1602, %dma_start3A_1608, %dma_start3A_1609] : memref<16x16x128xf32, #tpu.memory_space<vmem>> -> memref<1x16x128xf32, #tpu.memory_space<vmem>>
        %dma_start3A_1611 = tpu.memref_squeeze %dma_start3A_1610 : memref<1x16x128xf32, #tpu.memory_space<vmem>> -> memref<16x128xf32, #tpu.memory_space<vmem>>
        %dma_start3A_1612 = tpu.memref_slice %arg3[%multiple_of3A, %multiple_of3A_1601] : memref<32x1000000xf32, #tpu.memory_space<hbm>> -> memref<16x128xf32, #tpu.memory_space<hbm>>
        tpu.enqueue_dma source(%dma_start3A_1612 : memref<16x128xf32, #tpu.memory_space<hbm>>) target(%dma_start3A_1611 : memref<16x128xf32, #tpu.memory_space<vmem>>) target_semaphore(%arg10 : memref<!tpu.dma_semaphore, #tpu.memory_space<semaphore_mem>>)
        %slice3A_1613 = vector.extract_strided_slice %get3A_1540 {offsets = [4], sizes = [1], strides = [1]} : vector<16xi32> to vector<1xi32>
        %squeeze3A_1614 = vector.extract %slice3A_1613[0] : i32 from vector<1xi32>
        %shift_right_arithmetic3A_1615 = arith.constant 7 : i32
        %shift_right_arithmetic3A_1616 = arith.shrsi %squeeze3A_1614, %shift_right_arithmetic3A_1615 : i32
        %shift_left3A_1617 = arith.constant 7 : i32
        %shift_left3A_1618 = arith.shli %shift_right_arithmetic3A_1616, %shift_left3A_1617 : i32
        %multiple_of3A_1619 = tpu.assume_multiple %shift_left3A_1618, 128 : i32
        %dma_start3A_1620 = arith.constant 4 : i32
        %dma_start3A_1621 = arith.constant 0 : i32
        %dma_start3A_1622 = arith.constant 0 : i32
        %dma_start3A_1623 = tpu.memref_slice %arg7[%dma_start3A_1620, %dma_start3A_1621, %dma_start3A_1622] : memref<16x16x128xf32, #tpu.memory_space<vmem>> -> memref<1x16x128xf32, #tpu.memory_space<vmem>>
        %dma_start3A_1624 = tpu.memref_squeeze %dma_start3A_1623 : memref<1x16x128xf32, #tpu.memory_space<vmem>> -> memref<16x128xf32, #tpu.memory_space<vmem>>
        %dma_start3A_1625 = tpu.memref_slice %arg3[%multiple_of3A, %multiple_of3A_1619] : memref<32x1000000xf32, #tpu.memory_space<hbm>> -> memref<16x128xf32, #tpu.memory_space<hbm>>
        %dma_start3A_1626 = arith.constant 0 : i32
        %dma_start3A_1627 = arith.constant 0 : i32
        %dma_start3A_1628 = tpu.memref_slice %arg7[%dma_start3A_1620, %dma_start3A_1626, %dma_start3A_1627] : memref<16x16x128xf32, #tpu.memory_space<vmem>> -> memref<1x16x128xf32, #tpu.memory_space<vmem>>
        %dma_start3A_1629 = tpu.memref_squeeze %dma_start3A_1628 : memref<1x16x128xf32, #tpu.memory_space<vmem>> -> memref<16x128xf32, #tpu.memory_space<vmem>>
        %dma_start3A_1630 = tpu.memref_slice %arg3[%multiple_of3A, %multiple_of3A_1619] : memref<32x1000000xf32, #tpu.memory_space<hbm>> -> memref<16x128xf32, #tpu.memory_space<hbm>>
        tpu.enqueue_dma source(%dma_start3A_1630 : memref<16x128xf32, #tpu.memory_space<hbm>>) target(%dma_start3A_1629 : memref<16x128xf32, #tpu.memory_space<vmem>>) target_semaphore(%arg10 : memref<!tpu.dma_semaphore, #tpu.memory_space<semaphore_mem>>)
        %slice3A_1631 = vector.extract_strided_slice %get3A_1540 {offsets = [5], sizes = [1], strides = [1]} : vector<16xi32> to vector<1xi32>
        %squeeze3A_1632 = vector.extract %slice3A_1631[0] : i32 from vector<1xi32>
        %shift_right_arithmetic3A_1633 = arith.constant 7 : i32
        %shift_right_arithmetic3A_1634 = arith.shrsi %squeeze3A_1632, %shift_right_arithmetic3A_1633 : i32
        %shift_left3A_1635 = arith.constant 7 : i32
        %shift_left3A_1636 = arith.shli %shift_right_arithmetic3A_1634, %shift_left3A_1635 : i32
        %multiple_of3A_1637 = tpu.assume_multiple %shift_left3A_1636, 128 : i32
        %dma_start3A_1638 = arith.constant 5 : i32
        %dma_start3A_1639 = arith.constant 0 : i32
        %dma_start3A_1640 = arith.constant 0 : i32
        %dma_start3A_1641 = tpu.memref_slice %arg7[%dma_start3A_1638, %dma_start3A_1639, %dma_start3A_1640] : memref<16x16x128xf32, #tpu.memory_space<vmem>> -> memref<1x16x128xf32, #tpu.memory_space<vmem>>
        %dma_start3A_1642 = tpu.memref_squeeze %dma_start3A_1641 : memref<1x16x128xf32, #tpu.memory_space<vmem>> -> memref<16x128xf32, #tpu.memory_space<vmem>>
        %dma_start3A_1643 = tpu.memref_slice %arg3[%multiple_of3A, %multiple_of3A_1637] : memref<32x1000000xf32, #tpu.memory_space<hbm>> -> memref<16x128xf32, #tpu.memory_space<hbm>>
        %dma_start3A_1644 = arith.constant 0 : i32
        %dma_start3A_1645 = arith.constant 0 : i32
        %dma_start3A_1646 = tpu.memref_slice %arg7[%dma_start3A_1638, %dma_start3A_1644, %dma_start3A_1645] : memref<16x16x128xf32, #tpu.memory_space<vmem>> -> memref<1x16x128xf32, #tpu.memory_space<vmem>>
        %dma_start3A_1647 = tpu.memref_squeeze %dma_start3A_1646 : memref<1x16x128xf32, #tpu.memory_space<vmem>> -> memref<16x128xf32, #tpu.memory_space<vmem>>
        %dma_start3A_1648 = tpu.memref_slice %arg3[%multiple_of3A, %multiple_of3A_1637] : memref<32x1000000xf32, #tpu.memory_space<hbm>> -> memref<16x128xf32, #tpu.memory_space<hbm>>
        tpu.enqueue_dma source(%dma_start3A_1648 : memref<16x128xf32, #tpu.memory_space<hbm>>) target(%dma_start3A_1647 : memref<16x128xf32, #tpu.memory_space<vmem>>) target_semaphore(%arg10 : memref<!tpu.dma_semaphore, #tpu.memory_space<semaphore_mem>>)
        %slice3A_1649 = vector.extract_strided_slice %get3A_1540 {offsets = [6], sizes = [1], strides = [1]} : vector<16xi32> to vector<1xi32>
        %squeeze3A_1650 = vector.extract %slice3A_1649[0] : i32 from vector<1xi32>
        %shift_right_arithmetic3A_1651 = arith.constant 7 : i32
        %shift_right_arithmetic3A_1652 = arith.shrsi %squeeze3A_1650, %shift_right_arithmetic3A_1651 : i32
        %shift_left3A_1653 = arith.constant 7 : i32
        %shift_left3A_1654 = arith.shli %shift_right_arithmetic3A_1652, %shift_left3A_1653 : i32
        %multiple_of3A_1655 = tpu.assume_multiple %shift_left3A_1654, 128 : i32
        %dma_start3A_1656 = arith.constant 6 : i32
        %dma_start3A_1657 = arith.constant 0 : i32
        %dma_start3A_1658 = arith.constant 0 : i32
        %dma_start3A_1659 = tpu.memref_slice %arg7[%dma_start3A_1656, %dma_start3A_1657, %dma_start3A_1658] : memref<16x16x128xf32, #tpu.memory_space<vmem>> -> memref<1x16x128xf32, #tpu.memory_space<vmem>>
        %dma_start3A_1660 = tpu.memref_squeeze %dma_start3A_1659 : memref<1x16x128xf32, #tpu.memory_space<vmem>> -> memref<16x128xf32, #tpu.memory_space<vmem>>
        %dma_start3A_1661 = tpu.memref_slice %arg3[%multiple_of3A, %multiple_of3A_1655] : memref<32x1000000xf32, #tpu.memory_space<hbm>> -> memref<16x128xf32, #tpu.memory_space<hbm>>
        %dma_start3A_1662 = arith.constant 0 : i32
        %dma_start3A_1663 = arith.constant 0 : i32
        %dma_start3A_1664 = tpu.memref_slice %arg7[%dma_start3A_1656, %dma_start3A_1662, %dma_start3A_1663] : memref<16x16x128xf32, #tpu.memory_space<vmem>> -> memref<1x16x128xf32, #tpu.memory_space<vmem>>
        %dma_start3A_1665 = tpu.memref_squeeze %dma_start3A_1664 : memref<1x16x128xf32, #tpu.memory_space<vmem>> -> memref<16x128xf32, #tpu.memory_space<vmem>>
        %dma_start3A_1666 = tpu.memref_slice %arg3[%multiple_of3A, %multiple_of3A_1655] : memref<32x1000000xf32, #tpu.memory_space<hbm>> -> memref<16x128xf32, #tpu.memory_space<hbm>>
        tpu.enqueue_dma source(%dma_start3A_1666 : memref<16x128xf32, #tpu.memory_space<hbm>>) target(%dma_start3A_1665 : memref<16x128xf32, #tpu.memory_space<vmem>>) target_semaphore(%arg10 : memref<!tpu.dma_semaphore, #tpu.memory_space<semaphore_mem>>)
        %slice3A_1667 = vector.extract_strided_slice %get3A_1540 {offsets = [7], sizes = [1], strides = [1]} : vector<16xi32> to vector<1xi32>
        %squeeze3A_1668 = vector.extract %slice3A_1667[0] : i32 from vector<1xi32>
        %shift_right_arithmetic3A_1669 = arith.constant 7 : i32
        %shift_right_arithmetic3A_1670 = arith.shrsi %squeeze3A_1668, %shift_right_arithmetic3A_1669 : i32
        %shift_left3A_1671 = arith.constant 7 : i32
        %shift_left3A_1672 = arith.shli %shift_right_arithmetic3A_1670, %shift_left3A_1671 : i32
        %multiple_of3A_1673 = tpu.assume_multiple %shift_left3A_1672, 128 : i32
        %dma_start3A_1674 = arith.constant 7 : i32
        %dma_start3A_1675 = arith.constant 0 : i32
        %dma_start3A_1676 = arith.constant 0 : i32
        %dma_start3A_1677 = tpu.memref_slice %arg7[%dma_start3A_1674, %dma_start3A_1675, %dma_start3A_1676] : memref<16x16x128xf32, #tpu.memory_space<vmem>> -> memref<1x16x128xf32, #tpu.memory_space<vmem>>
        %dma_start3A_1678 = tpu.memref_squeeze %dma_start3A_1677 : memref<1x16x128xf32, #tpu.memory_space<vmem>> -> memref<16x128xf32, #tpu.memory_space<vmem>>
        %dma_start3A_1679 = tpu.memref_slice %arg3[%multiple_of3A, %multiple_of3A_1673] : memref<32x1000000xf32, #tpu.memory_space<hbm>> -> memref<16x128xf32, #tpu.memory_space<hbm>>
        %dma_start3A_1680 = arith.constant 0 : i32
        %dma_start3A_1681 = arith.constant 0 : i32
        %dma_start3A_1682 = tpu.memref_slice %arg7[%dma_start3A_1674, %dma_start3A_1680, %dma_start3A_1681] : memref<16x16x128xf32, #tpu.memory_space<vmem>> -> memref<1x16x128xf32, #tpu.memory_space<vmem>>
        %dma_start3A_1683 = tpu.memref_squeeze %dma_start3A_1682 : memref<1x16x128xf32, #tpu.memory_space<vmem>> -> memref<16x128xf32, #tpu.memory_space<vmem>>
        %dma_start3A_1684 = tpu.memref_slice %arg3[%multiple_of3A, %multiple_of3A_1673] : memref<32x1000000xf32, #tpu.memory_space<hbm>> -> memref<16x128xf32, #tpu.memory_space<hbm>>
        tpu.enqueue_dma source(%dma_start3A_1684 : memref<16x128xf32, #tpu.memory_space<hbm>>) target(%dma_start3A_1683 : memref<16x128xf32, #tpu.memory_space<vmem>>) target_semaphore(%arg10 : memref<!tpu.dma_semaphore, #tpu.memory_space<semaphore_mem>>)
        %slice3A_1685 = vector.extract_strided_slice %get3A_1540 {offsets = [8], sizes = [1], strides = [1]} : vector<16xi32> to vector<1xi32>
        %squeeze3A_1686 = vector.extract %slice3A_1685[0] : i32 from vector<1xi32>
        %shift_right_arithmetic3A_1687 = arith.constant 7 : i32
        %shift_right_arithmetic3A_1688 = arith.shrsi %squeeze3A_1686, %shift_right_arithmetic3A_1687 : i32
        %shift_left3A_1689 = arith.constant 7 : i32
        %shift_left3A_1690 = arith.shli %shift_right_arithmetic3A_1688, %shift_left3A_1689 : i32
        %multiple_of3A_1691 = tpu.assume_multiple %shift_left3A_1690, 128 : i32
        %dma_start3A_1692 = arith.constant 8 : i32
        %dma_start3A_1693 = arith.constant 0 : i32
        %dma_start3A_1694 = arith.constant 0 : i32
        %dma_start3A_1695 = tpu.memref_slice %arg7[%dma_start3A_1692, %dma_start3A_1693, %dma_start3A_1694] : memref<16x16x128xf32, #tpu.memory_space<vmem>> -> memref<1x16x128xf32, #tpu.memory_space<vmem>>
        %dma_start3A_1696 = tpu.memref_squeeze %dma_start3A_1695 : memref<1x16x128xf32, #tpu.memory_space<vmem>> -> memref<16x128xf32, #tpu.memory_space<vmem>>
        %dma_start3A_1697 = tpu.memref_slice %arg3[%multiple_of3A, %multiple_of3A_1691] : memref<32x1000000xf32, #tpu.memory_space<hbm>> -> memref<16x128xf32, #tpu.memory_space<hbm>>
        %dma_start3A_1698 = arith.constant 0 : i32
        %dma_start3A_1699 = arith.constant 0 : i32
        %dma_start3A_1700 = tpu.memref_slice %arg7[%dma_start3A_1692, %dma_start3A_1698, %dma_start3A_1699] : memref<16x16x128xf32, #tpu.memory_space<vmem>> -> memref<1x16x128xf32, #tpu.memory_space<vmem>>
        %dma_start3A_1701 = tpu.memref_squeeze %dma_start3A_1700 : memref<1x16x128xf32, #tpu.memory_space<vmem>> -> memref<16x128xf32, #tpu.memory_space<vmem>>
        %dma_start3A_1702 = tpu.memref_slice %arg3[%multiple_of3A, %multiple_of3A_1691] : memref<32x1000000xf32, #tpu.memory_space<hbm>> -> memref<16x128xf32, #tpu.memory_space<hbm>>
        tpu.enqueue_dma source(%dma_start3A_1702 : memref<16x128xf32, #tpu.memory_space<hbm>>) target(%dma_start3A_1701 : memref<16x128xf32, #tpu.memory_space<vmem>>) target_semaphore(%arg10 : memref<!tpu.dma_semaphore, #tpu.memory_space<semaphore_mem>>)
        %slice3A_1703 = vector.extract_strided_slice %get3A_1540 {offsets = [9], sizes = [1], strides = [1]} : vector<16xi32> to vector<1xi32>
        %squeeze3A_1704 = vector.extract %slice3A_1703[0] : i32 from vector<1xi32>
        %shift_right_arithmetic3A_1705 = arith.constant 7 : i32
        %shift_right_arithmetic3A_1706 = arith.shrsi %squeeze3A_1704, %shift_right_arithmetic3A_1705 : i32
        %shift_left3A_1707 = arith.constant 7 : i32
        %shift_left3A_1708 = arith.shli %shift_right_arithmetic3A_1706, %shift_left3A_1707 : i32
        %multiple_of3A_1709 = tpu.assume_multiple %shift_left3A_1708, 128 : i32
        %dma_start3A_1710 = arith.constant 9 : i32
        %dma_start3A_1711 = arith.constant 0 : i32
        %dma_start3A_1712 = arith.constant 0 : i32
        %dma_start3A_1713 = tpu.memref_slice %arg7[%dma_start3A_1710, %dma_start3A_1711, %dma_start3A_1712] : memref<16x16x128xf32, #tpu.memory_space<vmem>> -> memref<1x16x128xf32, #tpu.memory_space<vmem>>
        %dma_start3A_1714 = tpu.memref_squeeze %dma_start3A_1713 : memref<1x16x128xf32, #tpu.memory_space<vmem>> -> memref<16x128xf32, #tpu.memory_space<vmem>>
        %dma_start3A_1715 = tpu.memref_slice %arg3[%multiple_of3A, %multiple_of3A_1709] : memref<32x1000000xf32, #tpu.memory_space<hbm>> -> memref<16x128xf32, #tpu.memory_space<hbm>>
        %dma_start3A_1716 = arith.constant 0 : i32
        %dma_start3A_1717 = arith.constant 0 : i32
        %dma_start3A_1718 = tpu.memref_slice %arg7[%dma_start3A_1710, %dma_start3A_1716, %dma_start3A_1717] : memref<16x16x128xf32, #tpu.memory_space<vmem>> -> memref<1x16x128xf32, #tpu.memory_space<vmem>>
        %dma_start3A_1719 = tpu.memref_squeeze %dma_start3A_1718 : memref<1x16x128xf32, #tpu.memory_space<vmem>> -> memref<16x128xf32, #tpu.memory_space<vmem>>
        %dma_start3A_1720 = tpu.memref_slice %arg3[%multiple_of3A, %multiple_of3A_1709] : memref<32x1000000xf32, #tpu.memory_space<hbm>> -> memref<16x128xf32, #tpu.memory_space<hbm>>
        tpu.enqueue_dma source(%dma_start3A_1720 : memref<16x128xf32, #tpu.memory_space<hbm>>) target(%dma_start3A_1719 : memref<16x128xf32, #tpu.memory_space<vmem>>) target_semaphore(%arg10 : memref<!tpu.dma_semaphore, #tpu.memory_space<semaphore_mem>>)
        %slice3A_1721 = vector.extract_strided_slice %get3A_1540 {offsets = [10], sizes = [1], strides = [1]} : vector<16xi32> to vector<1xi32>
        %squeeze3A_1722 = vector.extract %slice3A_1721[0] : i32 from vector<1xi32>
        %shift_right_arithmetic3A_1723 = arith.constant 7 : i32
        %shift_right_arithmetic3A_1724 = arith.shrsi %squeeze3A_1722, %shift_right_arithmetic3A_1723 : i32
        %shift_left3A_1725 = arith.constant 7 : i32
        %shift_left3A_1726 = arith.shli %shift_right_arithmetic3A_1724, %shift_left3A_1725 : i32
        %multiple_of3A_1727 = tpu.assume_multiple %shift_left3A_1726, 128 : i32
        %dma_start3A_1728 = arith.constant 10 : i32
        %dma_start3A_1729 = arith.constant 0 : i32
        %dma_start3A_1730 = arith.constant 0 : i32
        %dma_start3A_1731 = tpu.memref_slice %arg7[%dma_start3A_1728, %dma_start3A_1729, %dma_start3A_1730] : memref<16x16x128xf32, #tpu.memory_space<vmem>> -> memref<1x16x128xf32, #tpu.memory_space<vmem>>
        %dma_start3A_1732 = tpu.memref_squeeze %dma_start3A_1731 : memref<1x16x128xf32, #tpu.memory_space<vmem>> -> memref<16x128xf32, #tpu.memory_space<vmem>>
        %dma_start3A_1733 = tpu.memref_slice %arg3[%multiple_of3A, %multiple_of3A_1727] : memref<32x1000000xf32, #tpu.memory_space<hbm>> -> memref<16x128xf32, #tpu.memory_space<hbm>>
        %dma_start3A_1734 = arith.constant 0 : i32
        %dma_start3A_1735 = arith.constant 0 : i32
        %dma_start3A_1736 = tpu.memref_slice %arg7[%dma_start3A_1728, %dma_start3A_1734, %dma_start3A_1735] : memref<16x16x128xf32, #tpu.memory_space<vmem>> -> memref<1x16x128xf32, #tpu.memory_space<vmem>>
        %dma_start3A_1737 = tpu.memref_squeeze %dma_start3A_1736 : memref<1x16x128xf32, #tpu.memory_space<vmem>> -> memref<16x128xf32, #tpu.memory_space<vmem>>
        %dma_start3A_1738 = tpu.memref_slice %arg3[%multiple_of3A, %multiple_of3A_1727] : memref<32x1000000xf32, #tpu.memory_space<hbm>> -> memref<16x128xf32, #tpu.memory_space<hbm>>
        tpu.enqueue_dma source(%dma_start3A_1738 : memref<16x128xf32, #tpu.memory_space<hbm>>) target(%dma_start3A_1737 : memref<16x128xf32, #tpu.memory_space<vmem>>) target_semaphore(%arg10 : memref<!tpu.dma_semaphore, #tpu.memory_space<semaphore_mem>>)
        %slice3A_1739 = vector.extract_strided_slice %get3A_1540 {offsets = [11], sizes = [1], strides = [1]} : vector<16xi32> to vector<1xi32>
        %squeeze3A_1740 = vector.extract %slice3A_1739[0] : i32 from vector<1xi32>
        %shift_right_arithmetic3A_1741 = arith.constant 7 : i32
        %shift_right_arithmetic3A_1742 = arith.shrsi %squeeze3A_1740, %shift_right_arithmetic3A_1741 : i32
        %shift_left3A_1743 = arith.constant 7 : i32
        %shift_left3A_1744 = arith.shli %shift_right_arithmetic3A_1742, %shift_left3A_1743 : i32
        %multiple_of3A_1745 = tpu.assume_multiple %shift_left3A_1744, 128 : i32
        %dma_start3A_1746 = arith.constant 11 : i32
        %dma_start3A_1747 = arith.constant 0 : i32
        %dma_start3A_1748 = arith.constant 0 : i32
        %dma_start3A_1749 = tpu.memref_slice %arg7[%dma_start3A_1746, %dma_start3A_1747, %dma_start3A_1748] : memref<16x16x128xf32, #tpu.memory_space<vmem>> -> memref<1x16x128xf32, #tpu.memory_space<vmem>>
        %dma_start3A_1750 = tpu.memref_squeeze %dma_start3A_1749 : memref<1x16x128xf32, #tpu.memory_space<vmem>> -> memref<16x128xf32, #tpu.memory_space<vmem>>
        %dma_start3A_1751 = tpu.memref_slice %arg3[%multiple_of3A, %multiple_of3A_1745] : memref<32x1000000xf32, #tpu.memory_space<hbm>> -> memref<16x128xf32, #tpu.memory_space<hbm>>
        %dma_start3A_1752 = arith.constant 0 : i32
        %dma_start3A_1753 = arith.constant 0 : i32
        %dma_start3A_1754 = tpu.memref_slice %arg7[%dma_start3A_1746, %dma_start3A_1752, %dma_start3A_1753] : memref<16x16x128xf32, #tpu.memory_space<vmem>> -> memref<1x16x128xf32, #tpu.memory_space<vmem>>
        %dma_start3A_1755 = tpu.memref_squeeze %dma_start3A_1754 : memref<1x16x128xf32, #tpu.memory_space<vmem>> -> memref<16x128xf32, #tpu.memory_space<vmem>>
        %dma_start3A_1756 = tpu.memref_slice %arg3[%multiple_of3A, %multiple_of3A_1745] : memref<32x1000000xf32, #tpu.memory_space<hbm>> -> memref<16x128xf32, #tpu.memory_space<hbm>>
        tpu.enqueue_dma source(%dma_start3A_1756 : memref<16x128xf32, #tpu.memory_space<hbm>>) target(%dma_start3A_1755 : memref<16x128xf32, #tpu.memory_space<vmem>>) target_semaphore(%arg10 : memref<!tpu.dma_semaphore, #tpu.memory_space<semaphore_mem>>)
        %slice3A_1757 = vector.extract_strided_slice %get3A_1540 {offsets = [12], sizes = [1], strides = [1]} : vector<16xi32> to vector<1xi32>
        %squeeze3A_1758 = vector.extract %slice3A_1757[0] : i32 from vector<1xi32>
        %shift_right_arithmetic3A_1759 = arith.constant 7 : i32
        %shift_right_arithmetic3A_1760 = arith.shrsi %squeeze3A_1758, %shift_right_arithmetic3A_1759 : i32
        %shift_left3A_1761 = arith.constant 7 : i32
        %shift_left3A_1762 = arith.shli %shift_right_arithmetic3A_1760, %shift_left3A_1761 : i32
        %multiple_of3A_1763 = tpu.assume_multiple %shift_left3A_1762, 128 : i32
        %dma_start3A_1764 = arith.constant 12 : i32
        %dma_start3A_1765 = arith.constant 0 : i32
        %dma_start3A_1766 = arith.constant 0 : i32
        %dma_start3A_1767 = tpu.memref_slice %arg7[%dma_start3A_1764, %dma_start3A_1765, %dma_start3A_1766] : memref<16x16x128xf32, #tpu.memory_space<vmem>> -> memref<1x16x128xf32, #tpu.memory_space<vmem>>
        %dma_start3A_1768 = tpu.memref_squeeze %dma_start3A_1767 : memref<1x16x128xf32, #tpu.memory_space<vmem>> -> memref<16x128xf32, #tpu.memory_space<vmem>>
        %dma_start3A_1769 = tpu.memref_slice %arg3[%multiple_of3A, %multiple_of3A_1763] : memref<32x1000000xf32, #tpu.memory_space<hbm>> -> memref<16x128xf32, #tpu.memory_space<hbm>>
        %dma_start3A_1770 = arith.constant 0 : i32
        %dma_start3A_1771 = arith.constant 0 : i32
        %dma_start3A_1772 = tpu.memref_slice %arg7[%dma_start3A_1764, %dma_start3A_1770, %dma_start3A_1771] : memref<16x16x128xf32, #tpu.memory_space<vmem>> -> memref<1x16x128xf32, #tpu.memory_space<vmem>>
        %dma_start3A_1773 = tpu.memref_squeeze %dma_start3A_1772 : memref<1x16x128xf32, #tpu.memory_space<vmem>> -> memref<16x128xf32, #tpu.memory_space<vmem>>
        %dma_start3A_1774 = tpu.memref_slice %arg3[%multiple_of3A, %multiple_of3A_1763] : memref<32x1000000xf32, #tpu.memory_space<hbm>> -> memref<16x128xf32, #tpu.memory_space<hbm>>
        tpu.enqueue_dma source(%dma_start3A_1774 : memref<16x128xf32, #tpu.memory_space<hbm>>) target(%dma_start3A_1773 : memref<16x128xf32, #tpu.memory_space<vmem>>) target_semaphore(%arg10 : memref<!tpu.dma_semaphore, #tpu.memory_space<semaphore_mem>>)
        %slice3A_1775 = vector.extract_strided_slice %get3A_1540 {offsets = [13], sizes = [1], strides = [1]} : vector<16xi32> to vector<1xi32>
        %squeeze3A_1776 = vector.extract %slice3A_1775[0] : i32 from vector<1xi32>
        %shift_right_arithmetic3A_1777 = arith.constant 7 : i32
        %shift_right_arithmetic3A_1778 = arith.shrsi %squeeze3A_1776, %shift_right_arithmetic3A_1777 : i32
        %shift_left3A_1779 = arith.constant 7 : i32
        %shift_left3A_1780 = arith.shli %shift_right_arithmetic3A_1778, %shift_left3A_1779 : i32
        %multiple_of3A_1781 = tpu.assume_multiple %shift_left3A_1780, 128 : i32
        %dma_start3A_1782 = arith.constant 13 : i32
        %dma_start3A_1783 = arith.constant 0 : i32
        %dma_start3A_1784 = arith.constant 0 : i32
        %dma_start3A_1785 = tpu.memref_slice %arg7[%dma_start3A_1782, %dma_start3A_1783, %dma_start3A_1784] : memref<16x16x128xf32, #tpu.memory_space<vmem>> -> memref<1x16x128xf32, #tpu.memory_space<vmem>>
        %dma_start3A_1786 = tpu.memref_squeeze %dma_start3A_1785 : memref<1x16x128xf32, #tpu.memory_space<vmem>> -> memref<16x128xf32, #tpu.memory_space<vmem>>
        %dma_start3A_1787 = tpu.memref_slice %arg3[%multiple_of3A, %multiple_of3A_1781] : memref<32x1000000xf32, #tpu.memory_space<hbm>> -> memref<16x128xf32, #tpu.memory_space<hbm>>
        %dma_start3A_1788 = arith.constant 0 : i32
        %dma_start3A_1789 = arith.constant 0 : i32
        %dma_start3A_1790 = tpu.memref_slice %arg7[%dma_start3A_1782, %dma_start3A_1788, %dma_start3A_1789] : memref<16x16x128xf32, #tpu.memory_space<vmem>> -> memref<1x16x128xf32, #tpu.memory_space<vmem>>
        %dma_start3A_1791 = tpu.memref_squeeze %dma_start3A_1790 : memref<1x16x128xf32, #tpu.memory_space<vmem>> -> memref<16x128xf32, #tpu.memory_space<vmem>>
        %dma_start3A_1792 = tpu.memref_slice %arg3[%multiple_of3A, %multiple_of3A_1781] : memref<32x1000000xf32, #tpu.memory_space<hbm>> -> memref<16x128xf32, #tpu.memory_space<hbm>>
        tpu.enqueue_dma source(%dma_start3A_1792 : memref<16x128xf32, #tpu.memory_space<hbm>>) target(%dma_start3A_1791 : memref<16x128xf32, #tpu.memory_space<vmem>>) target_semaphore(%arg10 : memref<!tpu.dma_semaphore, #tpu.memory_space<semaphore_mem>>)
        %slice3A_1793 = vector.extract_strided_slice %get3A_1540 {offsets = [14], sizes = [1], strides = [1]} : vector<16xi32> to vector<1xi32>
        %squeeze3A_1794 = vector.extract %slice3A_1793[0] : i32 from vector<1xi32>
        %shift_right_arithmetic3A_1795 = arith.constant 7 : i32
        %shift_right_arithmetic3A_1796 = arith.shrsi %squeeze3A_1794, %shift_right_arithmetic3A_1795 : i32
        %shift_left3A_1797 = arith.constant 7 : i32
        %shift_left3A_1798 = arith.shli %shift_right_arithmetic3A_1796, %shift_left3A_1797 : i32
        %multiple_of3A_1799 = tpu.assume_multiple %shift_left3A_1798, 128 : i32
        %dma_start3A_1800 = arith.constant 14 : i32
        %dma_start3A_1801 = arith.constant 0 : i32
        %dma_start3A_1802 = arith.constant 0 : i32
        %dma_start3A_1803 = tpu.memref_slice %arg7[%dma_start3A_1800, %dma_start3A_1801, %dma_start3A_1802] : memref<16x16x128xf32, #tpu.memory_space<vmem>> -> memref<1x16x128xf32, #tpu.memory_space<vmem>>
        %dma_start3A_1804 = tpu.memref_squeeze %dma_start3A_1803 : memref<1x16x128xf32, #tpu.memory_space<vmem>> -> memref<16x128xf32, #tpu.memory_space<vmem>>
        %dma_start3A_1805 = tpu.memref_slice %arg3[%multiple_of3A, %multiple_of3A_1799] : memref<32x1000000xf32, #tpu.memory_space<hbm>> -> memref<16x128xf32, #tpu.memory_space<hbm>>
        %dma_start3A_1806 = arith.constant 0 : i32
        %dma_start3A_1807 = arith.constant 0 : i32
        %dma_start3A_1808 = tpu.memref_slice %arg7[%dma_start3A_1800, %dma_start3A_1806, %dma_start3A_1807] : memref<16x16x128xf32, #tpu.memory_space<vmem>> -> memref<1x16x128xf32, #tpu.memory_space<vmem>>
        %dma_start3A_1809 = tpu.memref_squeeze %dma_start3A_1808 : memref<1x16x128xf32, #tpu.memory_space<vmem>> -> memref<16x128xf32, #tpu.memory_space<vmem>>
        %dma_start3A_1810 = tpu.memref_slice %arg3[%multiple_of3A, %multiple_of3A_1799] : memref<32x1000000xf32, #tpu.memory_space<hbm>> -> memref<16x128xf32, #tpu.memory_space<hbm>>
        tpu.enqueue_dma source(%dma_start3A_1810 : memref<16x128xf32, #tpu.memory_space<hbm>>) target(%dma_start3A_1809 : memref<16x128xf32, #tpu.memory_space<vmem>>) target_semaphore(%arg10 : memref<!tpu.dma_semaphore, #tpu.memory_space<semaphore_mem>>)
        %slice3A_1811 = vector.extract_strided_slice %get3A_1540 {offsets = [15], sizes = [1], strides = [1]} : vector<16xi32> to vector<1xi32>
        %squeeze3A_1812 = vector.extract %slice3A_1811[0] : i32 from vector<1xi32>
        %shift_right_arithmetic3A_1813 = arith.constant 7 : i32
        %shift_right_arithmetic3A_1814 = arith.shrsi %squeeze3A_1812, %shift_right_arithmetic3A_1813 : i32
        %shift_left3A_1815 = arith.constant 7 : i32
        %shift_left3A_1816 = arith.shli %shift_right_arithmetic3A_1814, %shift_left3A_1815 : i32
        %multiple_of3A_1817 = tpu.assume_multiple %shift_left3A_1816, 128 : i32
        %dma_start3A_1818 = arith.constant 15 : i32
        %dma_start3A_1819 = arith.constant 0 : i32
        %dma_start3A_1820 = arith.constant 0 : i32
        %dma_start3A_1821 = tpu.memref_slice %arg7[%dma_start3A_1818, %dma_start3A_1819, %dma_start3A_1820] : memref<16x16x128xf32, #tpu.memory_space<vmem>> -> memref<1x16x128xf32, #tpu.memory_space<vmem>>
        %dma_start3A_1822 = tpu.memref_squeeze %dma_start3A_1821 : memref<1x16x128xf32, #tpu.memory_space<vmem>> -> memref<16x128xf32, #tpu.memory_space<vmem>>
        %dma_start3A_1823 = tpu.memref_slice %arg3[%multiple_of3A, %multiple_of3A_1817] : memref<32x1000000xf32, #tpu.memory_space<hbm>> -> memref<16x128xf32, #tpu.memory_space<hbm>>
        %dma_start3A_1824 = arith.constant 0 : i32
        %dma_start3A_1825 = arith.constant 0 : i32
        %dma_start3A_1826 = tpu.memref_slice %arg7[%dma_start3A_1818, %dma_start3A_1824, %dma_start3A_1825] : memref<16x16x128xf32, #tpu.memory_space<vmem>> -> memref<1x16x128xf32, #tpu.memory_space<vmem>>
        %dma_start3A_1827 = tpu.memref_squeeze %dma_start3A_1826 : memref<1x16x128xf32, #tpu.memory_space<vmem>> -> memref<16x128xf32, #tpu.memory_space<vmem>>
        %dma_start3A_1828 = tpu.memref_slice %arg3[%multiple_of3A, %multiple_of3A_1817] : memref<32x1000000xf32, #tpu.memory_space<hbm>> -> memref<16x128xf32, #tpu.memory_space<hbm>>
        tpu.enqueue_dma source(%dma_start3A_1828 : memref<16x128xf32, #tpu.memory_space<hbm>>) target(%dma_start3A_1827 : memref<16x128xf32, #tpu.memory_space<vmem>>) target_semaphore(%arg10 : memref<!tpu.dma_semaphore, #tpu.memory_space<semaphore_mem>>)
      } else {
      }
    }
    %scan3A_584 = arith.constant 32 : i32
    "tpu.region"() ({
      %run_scoped3A = tpu.sem_alloc : memref<!tpu.dma_semaphore, #tpu.memory_space<semaphore_mem>>
      %dma_start3A_585 = tpu.memref_slice %arg4[%multiple_of3A, %mul3A_2] : memref<32x16384xf32, #tpu.memory_space<hbm>> -> memref<16x1024xf32, #tpu.memory_space<hbm>>
      %dma_start3A_586 = tpu.memref_slice %arg4[%multiple_of3A, %mul3A_2] : memref<32x16384xf32, #tpu.memory_space<hbm>> -> memref<16x1024xf32, #tpu.memory_space<hbm>>
      tpu.enqueue_dma source(%arg8 : memref<16x1024xf32, #tpu.memory_space<vmem>>) target(%dma_start3A_586 : memref<16x1024xf32, #tpu.memory_space<hbm>>) target_semaphore(%run_scoped3A : memref<!tpu.dma_semaphore, #tpu.memory_space<semaphore_mem>>)
      %dma_wait3A_587 = tpu.memref_slice %arg4[%multiple_of3A, %mul3A_2] : memref<32x16384xf32, #tpu.memory_space<hbm>> -> memref<16x1024xf32, #tpu.memory_space<hbm>>
      %dma_wait3A_588 = tpu.memref_slice %arg4[%multiple_of3A, %mul3A_2] : memref<32x16384xf32, #tpu.memory_space<hbm>> -> memref<16x1024xf32, #tpu.memory_space<hbm>>
      tpu.wait_dma2 semaphore(%run_scoped3A : memref<!tpu.dma_semaphore, #tpu.memory_space<semaphore_mem>>) src(%arg8 : memref<16x1024xf32, #tpu.memory_space<vmem>>) dst(%dma_wait3A_588 : memref<16x1024xf32, #tpu.memory_space<hbm>>)
      tpu.yield
    }) : () -> ()
    return
  }
}

</mosaic_0001>

<sc_bundles>
// kernel: kernel.3.cloned.1.call-start
scs
__scs_entry_jumppad:
0x0: {  	(pc) =	sbr.rel $0x88, $3  }
0x1: {  	(tag) =	ssettag $0x0;
	lr =	simm.s32 $0x1  }
0x2: {  	[smem:$0x3F9F] =	sst lr;
	_ =	strace $0xD0000000  }
0x3: {  	_ = 	snop  }
0x4: {  	_ = 	snop  }
0x5: {  	_ = 	snop  }
0x6: {  	_ = 	snop  }
0x7: {  	_ = 	snop  }
__scs_overlays_trampoline_lowered:
0x8: {  	[smem:$0x3FAE] =	sst s0  }
0x9: {  	[smem:$0x3FAF] =	sst s1  }
0xa: {  	[smem:$0x3FB0] =	sst s2  }
0xb: {  	[smem:$0x3FB1] =	sst s3  }
0xc: {  	[smem:$0x3FB2] =	sst s4  }
0xd: {  	[smem:$0x3FB3] =	sst s5  }
0xe: {  	[smem:$0x3FB4] =	sst s6  }
0xf: {  	[smem:$0x3FB5] =	sst s7  }
0x10: {  	[smem:$0x3FB6] =	sst s8  }
0x11: {  	[smem:$0x3FB7] =	sst s9;
	s0 =	simm.s32 @!p0 $0x0  }
0x12: {  	s1 =	sld [smem:$0x3F9D];
	s0 =	simm.s32 @p0 $0x1  }
0x13: {  	[smem:$0x3FB8] =	sst s0;
	s0 =	simm.s32 @!p1 $0x0  }
0x14: {  	s2 =	sld [smem:$0x3F9C];
	s0 =	simm.s32 @p1 $0x1  }
0x15: {  	[smem:$0x3FB9] =	sst s0;
	s0 =	simm.s32 @!p2 $0x0  }
0x16: {  	s3 =	sld [smem:$0x3FDB];
	s0 =	simm.s32 @p2 $0x1  }
0x17: {  	s4 =	simm.s32 $0x1BF5;
	[smem:$0x3FBB] =	sst s0  }
0x18: {  	s0 =	sld [smem:$0x3F9E];
	_ =	swait.ge [sflag:s4], $0x0  }
0x19: {  	s7 =	sld [smem:$0x3F9F]  }
0x1a: {  	s8 =	sadd.s32 $0xFFFFE003, lr  }
0x1b: {  	s9 =	sadd.s32 $0xFFFFFEF7, lr;
	s5 =	simm.s32 $0xFFFFFFFF;
	p2 =	slt.u32 s8, $0xFFFFF086  }
0x1c: {  	p1 =	slt.u32 s9, $0xF7A;
	s5 =	simm.s32 @!p2 $0x0  }
0x1d: {  	s5 =	simm.s32 @p1 $0x1;
	p0 =	seq.s32 s7, s2  }
0x1e: {  	s7 =	smul.u32 @!p0 $0xF7A, s2;
	p2 =	seq.s32 @!p0 s5, $0x0  }
0x1f: {  	s9 =	smul.u32 $0xF7A, s1;
	s8 =	simm.s32 @!p0 $0x1BF5;
	p2 =	por !p2, p0  }
0x20: {  	[sflag:s8] =	ssyncset.s32 @!p0 $0xFFFFF086;
	s6 =	sadd.s32 @!p0 s3, s7;
	s7 =	simm.s32 @!p0 $0x108  }
0x21: {  	s3 =	sadd.s32 s3, s9;
	s6 =	sadd.s32 @!p0 $0x88, s6;
	s7 =	simm.s32 @p2 $0x1082  }
0x22: {  	[simem:s7], [sflag:s8] =	dma.local @!p0 [hbm:s6], $0xF7A  }
0x23: {  	s9 =	sor.u32 $0xD0000000, s2;
	s6 =	simm.s32 $0x108;
	_ =	swait.ge @!p0 [sflag:s8], $0x0  }
0x24: {  	s3 =	sadd.s32 $0x88, s3;
	s6 =	simm.s32 @!p1 $0x1082;
	[sflag:s4] =	ssyncset.s32 $0xFFFFF086  }
0x25: {  	[simem:s6], [sflag:s4] =	dma.local [hbm:s3], $0xF7A  }
0x26: {  	[smem:$0x3F9F] =	sst s1;
	(tag) =	ssettag s2;
	_ =	strace s9  }
0x27: {  	s1 =	sld [smem:$0x3FAF]  }
0x28: {  	s2 =	sld [smem:$0x3FB0]  }
0x29: {  	s4 =	sld [smem:$0x3FB2]  }
0x2a: {  	p0 =	seq.s32 s5, $0x0;
	s5 =	sld [smem:$0x3FB3]  }
0x2b: {  	s6 =	sld [smem:$0x3FB4]  }
0x2c: {  	s7 =	sld [smem:$0x3FB5]  }
0x2d: {  	s3 =	simm.s32 $0x108;
	s8 =	sld [smem:$0x3FB6]  }
0x2e: {  	s3 =	simm.s32 @!p0 $0x1082;
	s9 =	sld [smem:$0x3FB7]  }
0x2f: {  	lr =	sadd.s32 s0, s3;
	s0 =	sld [smem:$0x3FAE]  }
0x30: {  	s3 =	sld [smem:$0x3FB1]  }
0x31: {  	[smem:$0x3FBA] =	sst s10  }
0x32: {  	s10 =	sld [smem:$0x3FB8];
	_ =	sdelay $0x3  }
0x33: {  	p0 =	seq.s32 s10, $0x1;
	s10 =	sld [smem:$0x3FBA];
	_ =	sdelay $0x3  }
0x34: {  	[smem:$0x3FBA] =	sst s10  }
0x35: {  	s10 =	sld [smem:$0x3FB9];
	_ =	sdelay $0x3  }
0x36: {  	p1 =	seq.s32 s10, $0x1;
	s10 =	sld [smem:$0x3FBA];
	_ =	sdelay $0x3  }
0x37: {  	[smem:$0x3FBA] =	sst s10  }
0x38: {  	s10 =	sld [smem:$0x3FBB]  }
0x39: {  	_ = 	snop;
	(pc) =	sbr.ind lr, $3  }
0x3a: {  	_ = 	snop  }
0x3b: {  	_ = 	snop  }
0x3c: {  	p2 =	seq.s32 s10, $0x1;
	s10 =	sld [smem:$0x3FBA]  }
0x3d: {  	_ =	shalt  }
0x3e: {  	_ =	shalt  }
0x3f: {  	_ =	shalt  }
0x40: {  	_ =	shalt  }
0x41: {  	_ =	shalt  }
0x42: {  	_ =	shalt  }
0x43: {  	_ =	shalt  }
0x44: {  	_ =	shalt  }
0x45: {  	_ =	shalt  }
0x46: {  	_ =	shalt  }
0x47: {  	_ =	shalt  }
0x48: {  	_ =	shalt  }
0x49: {  	_ =	shalt  }
0x4a: {  	_ =	shalt  }
0x4b: {  	_ =	shalt  }
0x4c: {  	_ =	shalt  }
0x4d: {  	_ =	shalt  }
0x4e: {  	_ =	shalt  }
0x4f: {  	_ =	shalt  }
0x50: {  	_ =	shalt  }
0x51: {  	_ =	shalt  }
0x52: {  	_ =	shalt  }
0x53: {  	_ =	shalt  }
0x54: {  	_ =	shalt  }
0x55: {  	_ =	shalt  }
0x56: {  	_ =	shalt  }
0x57: {  	_ =	shalt  }
0x58: {  	_ =	shalt  }
0x59: {  	_ =	shalt  }
0x5a: {  	_ =	shalt  }
0x5b: {  	_ =	shalt  }
0x5c: {  	_ =	shalt  }
0x5d: {  	_ =	shalt  }
0x5e: {  	_ =	shalt  }
0x5f: {  	_ =	shalt  }
0x60: {  	_ =	shalt  }
0x61: {  	_ =	shalt  }
0x62: {  	_ =	shalt  }
0x63: {  	_ =	shalt  }
0x64: {  	_ =	shalt  }
0x65: {  	_ =	shalt  }
0x66: {  	_ =	shalt  }
0x67: {  	_ =	shalt  }
0x68: {  	_ =	shalt  }
0x69: {  	_ =	shalt  }
0x6a: {  	_ =	shalt  }
0x6b: {  	_ =	shalt  }
0x6c: {  	_ =	shalt  }
0x6d: {  	_ =	shalt  }
0x6e: {  	_ =	shalt  }
0x6f: {  	_ =	shalt  }
0x70: {  	_ =	shalt  }
0x71: {  	_ =	shalt  }
0x72: {  	_ =	shalt  }
0x73: {  	_ =	shalt  }
0x74: {  	_ =	shalt  }
0x75: {  	_ =	shalt  }
0x76: {  	_ =	shalt  }
0x77: {  	_ =	shalt  }
0x78: {  	_ =	shalt  }
0x79: {  	_ =	shalt  }
0x7a: {  	_ =	shalt  }
0x7b: {  	_ =	shalt  }
0x7c: {  	_ =	shalt  }
0x7d: {  	_ =	shalt  }
0x7e: {  	_ =	shalt  }
0x7f: {  	_ =	shalt  }
0x80: {  	_ =	shalt  }
0x81: {  	_ =	shalt  }
0x82: {  	_ =	shalt  }
0x83: {  	_ =	shalt  }
0x84: {  	_ =	shalt  }
0x85: {  	_ =	shalt  }
0x86: {  	_ =	shalt  }
0x87: {  	_ =	shalt  }
.Lfunc_end0:
.L_simem_size_0:
called_computation_lowered:
.L_overlay_start_0:
0x88: {  	s2 =	sld [smem:$0x3FD9]  }
0x89: {  	s3 =	sld [smem:$0x3FFE];
	_ =	sdelay $0x1  }
0x8a: {  	s1 =	srdreg.scid  }
0x8b: {  	s0 =	sand.u32 $0x1, s1  }
0x8c: {  	s18 =	sshll.u32 s0, $0xA;
	s2 =	sadd.s32 s3, s2  }
0x8d: {  	s2 =	sadd.s32 s2, s18  }
0x8e: {  	[smem:$0x3FC6] =	sst s2  }
0x8f: {  	_ = 	snop  }
0x90: {  	s2 =	sld [smem:$0x3FC9]  }
0x91: {  	s19 =	sld [smem:$0x3FC8]  }
0x92: {  	s4 =	sld [smem:$0x3FD0];
	(tm) =	ssettm $0x1  }
0x93: {  	s5 =	sld [smem:$0x3FFB];
	_ =	sdelay $0x3  }
0x94: {  	_ =	strace s5  }
0x95: {  	s5 =	sld [smem:$0x3FFC];
	_ =	sdelay $0x3  }
0x96: {  	_ =	strace s5  }
0x97: {  	s5 =	sld [smem:$0x3FFD];
	_ =	sdelay $0x3  }
0x98: {  	_ =	strace s5  }
0x99: {  	_ =	strace $0x8FFFFFFF  }
0x9a: {  	s20 =	sld [smem:$0x3FDB];
	_ =	sdelay $0x1  }
0x9b: {  	s6 =	simm.s32 $_scs_section_size  }
0x9c: {  	s7 =	simm.s32 $_size__tile_overlayer_lowered;
	s8 =	simm.s32 $_tile_overlayer_lowered  }
0x9d: {  	s23 =	simm.s32 $0x1BFF;
	s22 =	sshll.u32 s8, $0x1;
	s5 =	sadd.s32 s6, s20  }
0x9e: {  	s9 =	simm.s32 $0x0;
	s21 =	sshll.u32 s7, $0x1;
	s7 =	sadd.s32 s22, s5  }
0x9f: {  	[timem:s9], [sflag:s23] =	dma.local [hbm:s7], s21  }
0xa0: {  	_ =	swait.ge [sflag:s23], s21  }
0xa1: {  	s6 =	ssub.s32 $0x0, s21;
	[sflag:s23] =	ssyncset.done $0x0  }
0xa2: {  	[sflag:s23] =	ssyncadd.s32 s6;
	_ =	sdelay $0x1  }
0xa3: {  	s24 =	simm.s32 $0x1B8B  }
0xa4: {  	_ =	swait.ge [sflag:s24], $0x1  }
0xa5: {  	[sflag:s24] =	ssyncset.done $0x0  }
0xa6: {  	s25 =	simm.s32 $0x1B8E;
	[sflag:s24] =	ssyncadd.s32 $0xFFFFFFFF  }
0xa7: {  	s26 =	simm.s32 $execute0_lowered;
	[smem:$0x3FD2] =	sst s25  }
0xa8: {  	s6 =	sshll.u32 s26, $0x1;
	_ =	strace $0x80000046;
	[dreg:$0x1] =	wrdreg $0xFFFFFFFF  }
0xa9: {  	s28 =	simm.s32 $_size_execute0_lowered;
	s5 =	sadd.s32 s5, s6;
	[dreg:$0x0] =	wrdreg $0x0  }
0xaa: {  	s6 =	sshll.u32 s28, $0x1;
	[dreg:$0x2] =	wrdreg s5  }
0xab: {  	[dreg:$0x3] =	wrdreg s6  }
0xac: {  	[dreg:$0x4] =	wrdreg $0xC0  }
0xad: {  	_ =	task [dreg:s9], $0x5FFFF  }
0xae: {  	[dreg:$0x1] =	wrdreg $0xFFFFFFFF  }
0xaf: {  	[dreg:$0x0] =	wrdreg $0x60  }
0xb0: {  	[dreg:$0x2] =	wrdreg s2  }
0xb1: {  	[dreg:$0x3] =	wrdreg s19  }
0xb2: {  	[dreg:$0x4] =	wrdreg s4  }
0xb3: {  	[dreg:$0x5] =	wrdreg $0x9  }
0xb4: {  	_ =	task.clear_ibuf [dreg:s9], $0x6FFFF;
	_ =	strace $0x90000046  }
0xb5: {  	s29 =	simm.s32 $0x9;
	_ =	strace $0x80000048  }
0xb6: {  	_ =	swait.ge [sflag:s29], $0x1  }
0xb7: {  	[sflag:s29] =	ssyncadd.s32 $0xFFFFFFFF  }
0xb8: {  	_ =	strace $0x90000048  }
0xb9: {  	_ =	sfence  }
0xba: {  	s30 =	sld [smem:$0x0];
	_ =	sdelay $0x2  }
0xbb: {  	s31 =	sshll.u32 s1, $0xD;
	s1 =	sshrl.u32 s1, $0x2  }
0xbc: {  	s3 =	sand.u32 $0x4000, s31;
	s1 =	sadd.s32 s1, s30  }
0xbd: {  	s0 =	sor.u32 s3, s0;
	s1 =	sshll.u32 s1, $0x11  }
0xbe: {  	s0 =	sor.u32 s1, s0  }
0xbf: {  	s0 =	sadd.s32 $0x8F2B, s0  }
0xc0: {  	[sflag:s0] =	ssyncadd.remote.s32 $0x1  }
0xc1: {  	_ =	sfence.sel $0xFFFF  }
0xc2: {  	[dreg:$0x0] =	wrdreg $0xFFFFFFFF;
	(pc) =	sbr.abs _section_cstart, $3  }
0xc3: {  	[dreg:$0x1] =	wrdreg $0xFFFFFFFF  }
0xc4: {  	_ =	task.clear_ibuf [dreg:s9], $0x2FFFF;
	_ =	strace $0x9FFFFFFF  }
0xc5: {  	(tm) =	ssettm $0x7FFFFFFF  }
tec
execute0_lowered:
.L_overlay_start_1:
0x0: {  	(tag) =	ssettag $0x1  }
0x1: {  	s0 =	rddreg [dreg:$0x0]  }
0x2: {  	s1 =	rddreg [dreg:$0x1]  }
0x3: {  	s2 =	rddreg [dreg:$0x2];
	s3 =	srdreg.scid;
	s4 =	simm.s32 $0x0;
	v0 =	vimm.s32 $0x2380;
	vm0 =	vcmask $0x300  }
0x4: {  	s7 =	stileid.u32;
	vm14 =	vcmask $0x704;
	s8 =	simm.s32 $0x1;
	s9 =	simm.s32 $0x7A1400;
	v0 =	vsel vm0, $0x0, v0  }
0x5: {  	vm15 =	vcmask $0xB08;
	s10 =	simm.s32 $0x400;
	s22 =	simm.s32 $0x6400;
	s23 =	simm.s32 $0x6C00;
	v0 =	vsel vm14, $0x80, v0  }
0x6: {  	vm4 =	vcmask $0xF0C;
	s28 =	simm.s32 $0x8C00;
	s29 =	simm.s32 $0x9400;
	s30 =	simm.s32 $0x9C00;
	v0 =	vsel vm15, $0x100, v0  }
0x7: {  	vm5 =	vcmask $0x1310;
	s31 =	simm.s32 $0xA400;
	s11 =	simm.s32 $0xDC00;
	s12 =	simm.s32 $0xE400;
	v0 =	vsel vm4, $0x180, v0  }
0x8: {  	vm6 =	vcmask $0x1714;
	s13 =	simm.s32 $0xEC00;
	s14 =	simm.s32 $0xF400;
	s15 =	simm.s32 $0xFC00;
	v0 =	vsel vm5, $0x200, v0  }
0x9: {  	vm7 =	vcmask $0x1B18;
	s16 =	simm.s32 $0x10400;
	s17 =	simm.s32 $0x2;
	s20 =	simm.s32 $0x0;
	v0 =	vsel vm6, $0x280, v0  }
0xa: {  	vm8 =	vcmask $0x1F1C;
	s3 =	sand.u32 $0x1, s3;
	[smem:$0x7FF] =	sst s4;
	s6 =	sshll.u32 s7, $0x7;
	v0 =	vsel vm7, $0x300, v0  }
0xb: {  	vm9 =	vcmask $0x2320;
	s7 =	sshll.u32 s7, $0xA;
	s24 =	ssub.s32 $0x2, s3;
	_ =	strace $0x80000047;
	v0 =	vsel vm8, $0x380, v0  }
0xc: {  	vm10 =	vcmask $0x2724;
	s0 =	sadd.s32 s0, s6;
	s25 =	sshll.u32 s3, $0xF;
	s2 =	sadd.s32 s2, s7;
	v0 =	vsel vm9, $0x2000, v0  }
0xd: {  	vm11 =	vcmask $0x2B28;
	s6 =	simm.s32 $0xCC00;
	s7 =	simm.s32 $0xD400;
	s5 =	sshrl.u32 s24, $0x1;
	v0 =	vsel vm10, $0x2080, v0  }
.Ltmp0:
0xe: {  	vm12 =	vcmask $0x2F2C;
	[dreg:$0x4] =	wrdreg s0;
	s0 =	sadd.s32 s25, s2;
	v0 =	vsel vm11, $0x2100, v0;
	(pc) =	sbr.rel .LBB2_1-.Ltmp0, $4  }
0xf: {  	vm13 =	vcmask $0x3330;
	s25 =	simm.s32 $0x7C00;
	s2 =	simm.s32 $0xB400;
	s4 =	ssub.s32 s24, s5;
	v0 =	vsel vm12, $0x2180, v0  }
0x10: {  	vm14 =	vcmask $0x3734;
	s5 =	smul.u32 $0xF42800, s3;
	[dreg:$0x5] =	wrdreg s0;
	s24 =	simm.s32 $0x7400;
	v0 =	vsel vm13, $0x2200, v0  }
0x11: {  	v1 =	vlaneseq.u32;
	vm15 =	vcmask $0x3B38;
	s0 =	simm.s32 $0xAC00;
	s3 =	simm.s32 $0xBC00;
	s26 =	smax.u32 s4, $0x1;
	v2 =	vsel vm14, $0x2280, v0  }
0x12: {  	s4 =	simm.s32 $0xC400;
	[dreg:$0x6] =	wrdreg s26;
	s26 =	simm.s32 $0x8400;
	v0 =	vmul.u32 $0x80, v1;
	v1 =	vsel vm15, $0x2300, v2  }
.LBB2_6:
0x13: {  	s18 =	rddreg [dreg:$0x5];
	s19 =	simm.s32 $0x2000;
	s20 =	simm.s32 $0x20000  }
0x14: {  	[hbm4b:s18+s19] =	stream.strided.scatter [tilespmem:s16], [sflag:$0x3], $0x4000, s20, s19, $0x38;
	[tilespmem:$0x14400] =	vst v63  }
0x15: {  	s19 =	simm.s32 $0x3  }
0x16: {  	_ =	swait.ge [sflag:s19], $0x4000  }
0x17: {  	s18 =	rddreg [dreg:$0x7]  }
0x18: {  	s21 =	rddreg [dreg:$0x6];
	s20 =	sadd.s32 $0x1, s18  }
0x19: {  	p0 =	sne.s32 s20, s21  }
.Ltmp1:
0x1a: {  	_ = 	snop;
	(pc) =	sbr.rel @!p0 .LBB2_7-.Ltmp1, $3  }
0x1b: {  	_ =	sdelay $0x1  }
0x1c: {  	[sflag:s19] =	ssyncset.done $0x0  }
0x1d: {  	[sflag:s19] =	ssyncadd.s32 $0xFFFFC000  }
.LBB2_1:
0x1e: {  	[dreg:$0x7] =	wrdreg s20  }
0x1f: {  	s18 =	simm.s32 $0x0;
	s19 =	rddreg [dreg:$0x4]  }
0x20: {  	[tilespmem:s18], [sflag:$0x1] =	stream.linear.gather [hbm4b:s19+s18], $0x400, $0x38;
	[tilespmem:$0x14400] =	vst v63  }
0x21: {  	_ =	swait.ge [sflag:s8], $0x400  }
0x22: {  	[sflag:s8] =	ssyncset.done $0x0  }
0x23: {  	[sflag:s8] =	ssyncadd.s32 $0xFFFFFC00  }
0x24: {  	v2 =	vld [tilespmem:$0x0];
	_ =	sdelay $0x4  }
0x25: {  	v2 =	vshll.u32 v2, $0x3  }
0x26: {  	(v2sf) =	vpush v2, $0x0;
	_ =	sdelay $0x3  }
0x27: {  	(v2sf) =	vpush v2, $0x1;
	_ =	sdelay $0x4  }
0x28: {  	(v2sf) =	vpush v2, $0x2;
	_ =	sdelay $0x5  }
0x29: {  	s19 =	spop (v2sf)  }
0x2a: {  	(v2sf) =	vpush v2, $0x3;
	s18 =	sand.u32 $0x7FFFFC00, s19  }
0x2b: {  	s18 =	sadd.s32 s5, s18  }
0x2c: {  	s18 =	sshrl.u32 s18, $0x3  }
0x2d: {  	s20 =	spop (v2sf);
	s18 =	sadd.s32 s1, s18  }
0x2e: {  	(v2sf) =	vpush v2, $0x4;
	[tilespmem:s10], [sflag:$0x1] =	stream.strided.gather [hbm4b:s18+s10], $0x800, s9, s10, $0x38;
	[tilespmem:$0x14400] =	vst v63  }
0x2f: {  	s18 =	sand.u32 $0x7FFFFC00, s20  }
0x30: {  	s18 =	sadd.s32 s5, s18  }
0x31: {  	s18 =	sshrl.u32 s18, $0x3  }
0x32: {  	s21 =	simm.s32 $0xC00;
	s20 =	spop (v2sf);
	s18 =	sadd.s32 s1, s18  }
0x33: {  	(v2sf) =	vpush v2, $0x5;
	[tilespmem:s21], [sflag:$0x1] =	stream.strided.gather [hbm4b:s18+s10], $0x800, s9, s10, $0x38;
	[tilespmem:$0x14400] =	vst v63  }
0x34: {  	s18 =	sand.u32 $0x7FFFFC00, s20  }
0x35: {  	s18 =	sadd.s32 s5, s18  }
0x36: {  	s18 =	sshrl.u32 s18, $0x3  }
0x37: {  	s21 =	simm.s32 $0x1400;
	s18 =	sadd.s32 s1, s18  }
0x38: {  	[tilespmem:s21], [sflag:$0x1] =	stream.strided.gather [hbm4b:s18+s10], $0x800, s9, s10, $0x38;
	[tilespmem:$0x14400] =	vst v63  }
0x39: {  	s20 =	spop (v2sf)  }
0x3a: {  	(v2sf) =	vpush v2, $0x6;
	s18 =	sand.u32 $0x7FFFFC00, s20  }
0x3b: {  	s18 =	sadd.s32 s5, s18  }
0x3c: {  	s18 =	sshrl.u32 s18, $0x3  }
0x3d: {  	s21 =	simm.s32 $0x1C00;
	s20 =	spop (v2sf);
	s18 =	sadd.s32 s1, s18  }
0x3e: {  	(v2sf) =	vpush v2, $0x7;
	[tilespmem:s21], [sflag:$0x1] =	stream.strided.gather [hbm4b:s18+s10], $0x800, s9, s10, $0x38;
	[tilespmem:$0x14400] =	vst v63  }
0x3f: {  	s18 =	sand.u32 $0x7FFFFC00, s20  }
0x40: {  	s18 =	sadd.s32 s5, s18  }
0x41: {  	s18 =	sshrl.u32 s18, $0x3  }
0x42: {  	s21 =	simm.s32 $0x2400;
	s20 =	spop (v2sf);
	s18 =	sadd.s32 s1, s18  }
0x43: {  	(v2sf) =	vpush v2, $0x8;
	[tilespmem:s21], [sflag:$0x1] =	stream.strided.gather [hbm4b:s18+s10], $0x800, s9, s10, $0x38;
	[tilespmem:$0x14400] =	vst v63  }
0x44: {  	s18 =	sand.u32 $0x7FFFFC00, s20  }
0x45: {  	s18 =	sadd.s32 s5, s18  }
0x46: {  	s18 =	sshrl.u32 s18, $0x3  }
0x47: {  	s21 =	simm.s32 $0x2C00;
	s18 =	sadd.s32 s1, s18  }
0x48: {  	[tilespmem:s21], [sflag:$0x1] =	stream.strided.gather [hbm4b:s18+s10], $0x800, s9, s10, $0x38;
	[tilespmem:$0x14400] =	vst v63  }
0x49: {  	s20 =	spop (v2sf)  }
0x4a: {  	(v2sf) =	vpush v2, $0x9;
	s18 =	sand.u32 $0x7FFFFC00, s20  }
0x4b: {  	s18 =	sadd.s32 s5, s18  }
0x4c: {  	s18 =	sshrl.u32 s18, $0x3  }
0x4d: {  	s21 =	simm.s32 $0x3400;
	s20 =	spop (v2sf);
	s18 =	sadd.s32 s1, s18  }
0x4e: {  	(v2sf) =	vpush v2, $0xA;
	[tilespmem:s21], [sflag:$0x1] =	stream.strided.gather [hbm4b:s18+s10], $0x800, s9, s10, $0x38;
	[tilespmem:$0x14400] =	vst v63  }
0x4f: {  	s18 =	sand.u32 $0x7FFFFC00, s20  }
0x50: {  	s18 =	sadd.s32 s5, s18  }
0x51: {  	s18 =	sshrl.u32 s18, $0x3  }
0x52: {  	s21 =	simm.s32 $0x3C00;
	s20 =	spop (v2sf);
	s18 =	sadd.s32 s1, s18  }
0x53: {  	(v2sf) =	vpush v2, $0xB;
	[tilespmem:s21], [sflag:$0x1] =	stream.strided.gather [hbm4b:s18+s10], $0x800, s9, s10, $0x38;
	[tilespmem:$0x14400] =	vst v63  }
0x54: {  	s18 =	sand.u32 $0x7FFFFC00, s20  }
0x55: {  	s18 =	sadd.s32 s5, s18  }
0x56: {  	s18 =	sshrl.u32 s18, $0x3  }
0x57: {  	s21 =	simm.s32 $0x4400;
	s18 =	sadd.s32 s1, s18  }
0x58: {  	[tilespmem:s21], [sflag:$0x1] =	stream.strided.gather [hbm4b:s18+s10], $0x800, s9, s10, $0x38;
	[tilespmem:$0x14400] =	vst v63  }
0x59: {  	s20 =	spop (v2sf)  }
0x5a: {  	(v2sf) =	vpush v2, $0xC;
	s18 =	sand.u32 $0x7FFFFC00, s20  }
0x5b: {  	s18 =	sadd.s32 s5, s18  }
0x5c: {  	s18 =	sshrl.u32 s18, $0x3  }
0x5d: {  	s21 =	simm.s32 $0x4C00;
	s20 =	spop (v2sf);
	s18 =	sadd.s32 s1, s18  }
0x5e: {  	(v2sf) =	vpush v2, $0xD;
	[tilespmem:s21], [sflag:$0x1] =	stream.strided.gather [hbm4b:s18+s10], $0x800, s9, s10, $0x38;
	[tilespmem:$0x14400] =	vst v63  }
0x5f: {  	s18 =	sand.u32 $0x7FFFFC00, s20  }
0x60: {  	s18 =	sadd.s32 s5, s18  }
0x61: {  	s18 =	sshrl.u32 s18, $0x3  }
0x62: {  	s21 =	simm.s32 $0x5400;
	s20 =	spop (v2sf);
	s18 =	sadd.s32 s1, s18  }
0x63: {  	(v2sf) =	vpush v2, $0xE;
	[tilespmem:s21], [sflag:$0x1] =	stream.strided.gather [hbm4b:s18+s10], $0x800, s9, s10, $0x38;
	[tilespmem:$0x14400] =	vst v63  }
0x64: {  	s18 =	sand.u32 $0x7FFFFC00, s20  }
0x65: {  	s18 =	sadd.s32 s5, s18  }
0x66: {  	s18 =	sshrl.u32 s18, $0x3  }
0x67: {  	s21 =	simm.s32 $0x5C00;
	s18 =	sadd.s32 s1, s18  }
0x68: {  	[tilespmem:s21], [sflag:$0x1] =	stream.strided.gather [hbm4b:s18+s10], $0x800, s9, s10, $0x38;
	[tilespmem:$0x14400] =	vst v63  }
0x69: {  	s19 =	spop (v2sf)  }
0x6a: {  	(v2sf) =	vpush v2, $0xF;
	s18 =	sand.u32 $0x7FFFFC00, s19  }
0x6b: {  	s18 =	sadd.s32 s5, s18  }
0x6c: {  	s18 =	sshrl.u32 s18, $0x3  }
0x6d: {  	s20 =	spop (v2sf);
	s18 =	sadd.s32 s1, s18  }
0x6e: {  	[tilespmem:s22], [sflag:$0x1] =	stream.strided.gather [hbm4b:s18+s10], $0x800, s9, s10, $0x38;
	[tilespmem:$0x14400] =	vst v63  }
0x6f: {  	s18 =	sand.u32 $0x7FFFFC00, s20  }
0x70: {  	s18 =	sadd.s32 s5, s18  }
0x71: {  	s18 =	sshrl.u32 s18, $0x3  }
0x72: {  	s21 =	spop (v2sf);
	s18 =	sadd.s32 s1, s18  }
0x73: {  	[tilespmem:s23], [sflag:$0x1] =	stream.strided.gather [hbm4b:s18+s10], $0x800, s9, s10, $0x38;
	[tilespmem:$0x14400] =	vst v63  }
0x74: {  	s18 =	sand.u32 $0x7FFFFC00, s21  }
0x75: {  	s18 =	sadd.s32 s5, s18  }
0x76: {  	s18 =	sshrl.u32 s18, $0x3  }
0x77: {  	s18 =	sadd.s32 s1, s18  }
0x78: {  	[tilespmem:s24], [sflag:$0x1] =	stream.strided.gather [hbm4b:s18+s10], $0x800, s9, s10, $0x38;
	[tilespmem:$0x14400] =	vst v63  }
0x79: {  	s19 =	spop (v2sf)  }
0x7a: {  	s18 =	sand.u32 $0x7FFFFC00, s19  }
0x7b: {  	s18 =	sadd.s32 s5, s18  }
0x7c: {  	s18 =	sshrl.u32 s18, $0x3  }
0x7d: {  	s18 =	sadd.s32 s1, s18  }
0x7e: {  	[tilespmem:s25], [sflag:$0x1] =	stream.strided.gather [hbm4b:s18+s10], $0x800, s9, s10, $0x38;
	[tilespmem:$0x14400] =	vst v63  }
0x7f: {  	v2 =	vld [tilespmem:$0x10];
	_ =	sdelay $0x4  }
0x80: {  	v2 =	vshll.u32 v2, $0x3  }
0x81: {  	(v2sf) =	vpush v2, $0x0;
	_ =	sdelay $0x3  }
0x82: {  	(v2sf) =	vpush v2, $0x1;
	_ =	sdelay $0x3  }
0x83: {  	(v2sf) =	vpush v2, $0x2;
	_ =	sdelay $0x6  }
0x84: {  	s20 =	spop (v2sf);
	(v2sf) =	vpush v2, $0x3;
	_ =	sdelay $0x1  }
0x85: {  	s18 =	sand.u32 $0x7FFFFC00, s20  }
0x86: {  	s18 =	sadd.s32 s5, s18  }
0x87: {  	s21 =	spop (v2sf);
	(v2sf) =	vpush v2, $0x4;
	s18 =	sshrl.u32 s18, $0x3  }
0x88: {  	s18 =	sadd.s32 s1, s18  }
0x89: {  	[tilespmem:s26], [sflag:$0x2] =	stream.strided.gather [hbm4b:s18+s10], $0x800, s9, s10, $0x38;
	[tilespmem:$0x14400] =	vst v63  }
0x8a: {  	s18 =	sand.u32 $0x7FFFFC00, s21  }
0x8b: {  	s19 =	spop (v2sf);
	(v2sf) =	vpush v2, $0x5;
	s18 =	sadd.s32 s5, s18  }
0x8c: {  	s18 =	sshrl.u32 s18, $0x3  }
0x8d: {  	s18 =	sadd.s32 s1, s18  }
0x8e: {  	[tilespmem:s28], [sflag:$0x2] =	stream.strided.gather [hbm4b:s18+s10], $0x800, s9, s10, $0x38;
	[tilespmem:$0x14400] =	vst v63  }
0x8f: {  	s18 =	sand.u32 $0x7FFFFC00, s19  }
0x90: {  	s18 =	sadd.s32 s5, s18  }
0x91: {  	s18 =	sshrl.u32 s18, $0x3  }
0x92: {  	s18 =	sadd.s32 s1, s18;
	s20 =	spop (v2sf);
	(v2sf) =	vpush v2, $0x6  }
0x93: {  	[tilespmem:s29], [sflag:$0x2] =	stream.strided.gather [hbm4b:s18+s10], $0x800, s9, s10, $0x38;
	[tilespmem:$0x14400] =	vst v63  }
0x94: {  	s18 =	sand.u32 $0x7FFFFC00, s20  }
0x95: {  	s18 =	sadd.s32 s5, s18  }
0x96: {  	s21 =	spop (v2sf);
	(v2sf) =	vpush v2, $0x7;
	s18 =	sshrl.u32 s18, $0x3  }
0x97: {  	s18 =	sadd.s32 s1, s18  }
0x98: {  	[tilespmem:s30], [sflag:$0x2] =	stream.strided.gather [hbm4b:s18+s10], $0x800, s9, s10, $0x38;
	[tilespmem:$0x14400] =	vst v63  }
0x99: {  	s18 =	sand.u32 $0x7FFFFC00, s21  }
0x9a: {  	s19 =	spop (v2sf);
	(v2sf) =	vpush v2, $0x8;
	s18 =	sadd.s32 s5, s18  }
0x9b: {  	s18 =	sshrl.u32 s18, $0x3  }
0x9c: {  	s18 =	sadd.s32 s1, s18  }
0x9d: {  	[tilespmem:s31], [sflag:$0x2] =	stream.strided.gather [hbm4b:s18+s10], $0x800, s9, s10, $0x38;
	[tilespmem:$0x14400] =	vst v63  }
0x9e: {  	s18 =	sand.u32 $0x7FFFFC00, s19  }
0x9f: {  	s18 =	sadd.s32 s5, s18  }
0xa0: {  	s18 =	sshrl.u32 s18, $0x3  }
0xa1: {  	s18 =	sadd.s32 s1, s18;
	s20 =	spop (v2sf);
	(v2sf) =	vpush v2, $0x9  }
0xa2: {  	[tilespmem:s0], [sflag:$0x2] =	stream.strided.gather [hbm4b:s18+s10], $0x800, s9, s10, $0x38;
	[tilespmem:$0x14400] =	vst v63  }
0xa3: {  	s18 =	sand.u32 $0x7FFFFC00, s20  }
0xa4: {  	s18 =	sadd.s32 s5, s18  }
0xa5: {  	s21 =	spop (v2sf);
	(v2sf) =	vpush v2, $0xA;
	s18 =	sshrl.u32 s18, $0x3  }
0xa6: {  	s18 =	sadd.s32 s1, s18  }
0xa7: {  	[tilespmem:s2], [sflag:$0x2] =	stream.strided.gather [hbm4b:s18+s10], $0x800, s9, s10, $0x38;
	[tilespmem:$0x14400] =	vst v63  }
0xa8: {  	s18 =	sand.u32 $0x7FFFFC00, s21  }
0xa9: {  	s19 =	spop (v2sf);
	(v2sf) =	vpush v2, $0xB;
	s18 =	sadd.s32 s5, s18  }
0xaa: {  	s18 =	sshrl.u32 s18, $0x3  }
0xab: {  	s18 =	sadd.s32 s1, s18  }
0xac: {  	[tilespmem:s3], [sflag:$0x2] =	stream.strided.gather [hbm4b:s18+s10], $0x800, s9, s10, $0x38;
	[tilespmem:$0x14400] =	vst v63  }
0xad: {  	s18 =	sand.u32 $0x7FFFFC00, s19  }
0xae: {  	s18 =	sadd.s32 s5, s18  }
0xaf: {  	s18 =	sshrl.u32 s18, $0x3  }
0xb0: {  	s18 =	sadd.s32 s1, s18;
	s20 =	spop (v2sf);
	(v2sf) =	vpush v2, $0xC  }
0xb1: {  	[tilespmem:s4], [sflag:$0x2] =	stream.strided.gather [hbm4b:s18+s10], $0x800, s9, s10, $0x38;
	[tilespmem:$0x14400] =	vst v63  }
0xb2: {  	s18 =	sand.u32 $0x7FFFFC00, s20  }
0xb3: {  	s18 =	sadd.s32 s5, s18  }
0xb4: {  	s21 =	spop (v2sf);
	(v2sf) =	vpush v2, $0xD;
	s18 =	sshrl.u32 s18, $0x3  }
0xb5: {  	s18 =	sadd.s32 s1, s18  }
0xb6: {  	[tilespmem:s6], [sflag:$0x2] =	stream.strided.gather [hbm4b:s18+s10], $0x800, s9, s10, $0x38;
	[tilespmem:$0x14400] =	vst v63  }
0xb7: {  	s18 =	sand.u32 $0x7FFFFC00, s21  }
0xb8: {  	s19 =	spop (v2sf);
	(v2sf) =	vpush v2, $0xE;
	s18 =	sadd.s32 s5, s18  }
0xb9: {  	s18 =	sshrl.u32 s18, $0x3  }
0xba: {  	s18 =	sadd.s32 s1, s18  }
0xbb: {  	[tilespmem:s7], [sflag:$0x2] =	stream.strided.gather [hbm4b:s18+s10], $0x800, s9, s10, $0x38;
	[tilespmem:$0x14400] =	vst v63  }
0xbc: {  	s18 =	sand.u32 $0x7FFFFC00, s19  }
0xbd: {  	s18 =	sadd.s32 s5, s18  }
0xbe: {  	s18 =	sshrl.u32 s18, $0x3  }
0xbf: {  	s18 =	sadd.s32 s1, s18;
	s20 =	spop (v2sf);
	(v2sf) =	vpush v2, $0xF  }
0xc0: {  	[tilespmem:s11], [sflag:$0x2] =	stream.strided.gather [hbm4b:s18+s10], $0x800, s9, s10, $0x38;
	[tilespmem:$0x14400] =	vst v63  }
0xc1: {  	s18 =	sand.u32 $0x7FFFFC00, s20  }
0xc2: {  	s18 =	sadd.s32 s5, s18  }
0xc3: {  	s21 =	spop (v2sf);
	s18 =	sshrl.u32 s18, $0x3  }
0xc4: {  	s20 =	sand.u32 $0x7FFFFC00, s21;
	s18 =	sadd.s32 s1, s18  }
0xc5: {  	[tilespmem:s12], [sflag:$0x2] =	stream.strided.gather [hbm4b:s18+s10], $0x800, s9, s10, $0x38;
	[tilespmem:$0x14400] =	vst v63  }
0xc6: {  	s18 =	sadd.s32 s5, s20  }
0xc7: {  	s21 =	spop (v2sf);
	s18 =	sshrl.u32 s18, $0x3  }
0xc8: {  	s20 =	sand.u32 $0x7FFFFC00, s21;
	s18 =	sadd.s32 s1, s18  }
0xc9: {  	[tilespmem:s13], [sflag:$0x2] =	stream.strided.gather [hbm4b:s18+s10], $0x800, s9, s10, $0x38;
	[tilespmem:$0x14400] =	vst v63  }
0xca: {  	s18 =	sadd.s32 s5, s20  }
0xcb: {  	s18 =	sshrl.u32 s18, $0x3  }
0xcc: {  	s18 =	sadd.s32 s1, s18  }
0xcd: {  	[tilespmem:s14], [sflag:$0x2] =	stream.strided.gather [hbm4b:s18+s10], $0x800, s9, s10, $0x38;
	[tilespmem:$0x14400] =	vst v63  }
0xce: {  	s21 =	spop (v2sf)  }
0xcf: {  	s18 =	sand.u32 $0x7FFFFC00, s21  }
0xd0: {  	s18 =	sadd.s32 s5, s18  }
0xd1: {  	s18 =	sshrl.u32 s18, $0x3  }
0xd2: {  	s18 =	sadd.s32 s1, s18  }
0xd3: {  	[tilespmem:s15], [sflag:$0x2] =	stream.strided.gather [hbm4b:s18+s10], $0x800, s9, s10, $0x38;
	[tilespmem:$0x14400] =	vst v63  }
0xd4: {  	s19 =	simm.s32 $0x20;
	s18 =	simm.s32 $0x1F  }
.LBB2_2:
0xd5: {  	_ =	swait.ge [sflag:s8], $0x800  }
0xd6: {  	[sflag:s8] =	ssyncset.done $0x0  }
0xd7: {  	[sflag:s8] =	ssyncadd.s32 $0xFFFFF800  }
0xd8: {  	_ =	swait.ge [sflag:s8], $0x800  }
0xd9: {  	[sflag:s8] =	ssyncset.done $0x0  }
0xda: {  	[sflag:s8] =	ssyncadd.s32 $0xFFFFF800  }
0xdb: {  	_ =	swait.ge [sflag:s8], $0x800  }
0xdc: {  	[sflag:s8] =	ssyncset.done $0x0  }
0xdd: {  	[sflag:s8] =	ssyncadd.s32 $0xFFFFF800  }
0xde: {  	_ =	swait.ge [sflag:s8], $0x800  }
0xdf: {  	[sflag:s8] =	ssyncset.done $0x0  }
0xe0: {  	[sflag:s8] =	ssyncadd.s32 $0xFFFFF800  }
0xe1: {  	_ =	swait.ge [sflag:s8], $0x800  }
0xe2: {  	[sflag:s8] =	ssyncset.done $0x0  }
0xe3: {  	[sflag:s8] =	ssyncadd.s32 $0xFFFFF800  }
0xe4: {  	_ =	swait.ge [sflag:s8], $0x800  }
0xe5: {  	[sflag:s8] =	ssyncset.done $0x0  }
0xe6: {  	[sflag:s8] =	ssyncadd.s32 $0xFFFFF800  }
0xe7: {  	_ =	swait.ge [sflag:s8], $0x800  }
0xe8: {  	[sflag:s8] =	ssyncset.done $0x0  }
0xe9: {  	[sflag:s8] =	ssyncadd.s32 $0xFFFFF800  }
0xea: {  	_ =	swait.ge [sflag:s8], $0x800  }
0xeb: {  	[sflag:s8] =	ssyncset.done $0x0  }
0xec: {  	[sflag:s8] =	ssyncadd.s32 $0xFFFFF800  }
0xed: {  	_ =	swait.ge [sflag:s8], $0x800  }
0xee: {  	[sflag:s8] =	ssyncset.done $0x0  }
0xef: {  	[sflag:s8] =	ssyncadd.s32 $0xFFFFF800  }
0xf0: {  	_ =	swait.ge [sflag:s8], $0x800  }
0xf1: {  	[sflag:s8] =	ssyncset.done $0x0  }
0xf2: {  	[sflag:s8] =	ssyncadd.s32 $0xFFFFF800  }
0xf3: {  	_ =	swait.ge [sflag:s8], $0x800  }
0xf4: {  	[sflag:s8] =	ssyncset.done $0x0  }
0xf5: {  	[sflag:s8] =	ssyncadd.s32 $0xFFFFF800  }
0xf6: {  	_ =	swait.ge [sflag:s8], $0x800  }
0xf7: {  	[sflag:s8] =	ssyncset.done $0x0  }
0xf8: {  	[sflag:s8] =	ssyncadd.s32 $0xFFFFF800  }
0xf9: {  	_ =	swait.ge [sflag:s8], $0x800  }
0xfa: {  	[sflag:s8] =	ssyncset.done $0x0  }
0xfb: {  	[sflag:s8] =	ssyncadd.s32 $0xFFFFF800  }
0xfc: {  	_ =	swait.ge [sflag:s8], $0x800  }
0xfd: {  	[sflag:s8] =	ssyncset.done $0x0  }
0xfe: {  	[sflag:s8] =	ssyncadd.s32 $0xFFFFF800  }
0xff: {  	_ =	swait.ge [sflag:s8], $0x800  }
0x100: {  	[sflag:s8] =	ssyncset.done $0x0  }
0x101: {  	[sflag:s8] =	ssyncadd.s32 $0xFFFFF800  }
0x102: {  	_ =	swait.ge [sflag:s8], $0x800  }
0x103: {  	[sflag:s8] =	ssyncset.done $0x0  }
0x104: {  	[sflag:s8] =	ssyncadd.s32 $0xFFFFF800  }
0x105: {  	v2 =	vld [tilespmem:s19+$0xFFFFFFE0];
	_ =	sdelay $0x4  }
0x106: {  	(v2sf) =	vpush v2, $0x0;
	_ =	sdelay $0x5  }
0x107: {  	(v2sf) =	vpush v2, $0x1;
	_ =	sdelay $0x5  }
0x108: {  	(v2sf) =	vpush v2, $0x2;
	_ =	sdelay $0x2  }
0x109: {  	s20 =	spop (v2sf)  }
0x10a: {  	s20 =	sand.u32 $0x7F, s20  }
0x10b: {  	s21 =	sadd.s32 $0xFFFFFFE1, s18;
	v3 =	vor.u32 s20, v0  }
0x10c: {  	v4 =	vmov s21;
	(v2sf) =	vpush v2, $0x3  }
0x10d: {  	v5 =	vshll.u32 v4, $0x3  }
0x10e: {  	v4 =	vand.u32 $0x60, v4;
	v5 =	vand.u32 $0x1C00, v5  }
0x10f: {  	v4 =	vor.u32 v5, v4;
	s21 =	spop (v2sf)  }
0x110: {  	v4 =	vor.u32 v1, v4;
	s20 =	sand.u32 $0x7F, s21;
	v3 =	vld.idx.msk [tilespmem:v3+s10+$0x0], $0xffff  }
0x111: {  	s21 =	sadd.s32 $0xFFFFFFE2, s18;
	v22 =	vor.u32 s20, v0  }
0x112: {  	(v2sf) =	vpush v2, $0x4;
	v6 =	vmov s21  }
0x113: {  	v7 =	vshll.u32 v6, $0x3  }
0x114: {  	v6 =	vand.u32 $0x61, v6;
	v7 =	vand.u32 $0x1C00, v7  }
0x115: {  	s20 =	spop (v2sf);
	s21 =	simm.s32 $0xC00;
	[tilespmem:v4+s16+$0x0] =	vst.idx.msk $0xffff, v3;
	v3 =	vor.u32 v7, v6  }
0x116: {  	s20 =	sand.u32 $0x7F, s20;
	v4 =	vld.idx.msk [tilespmem:v22+s21+$0x0], $0xffff;
	v3 =	vor.u32 v1, v3  }
0x117: {  	v23 =	vor.u32 s20, v0;
	s21 =	sadd.s32 $0xFFFFFFE3, s18  }
0x118: {  	(v2sf) =	vpush v2, $0x5;
	v24 =	vmov s21  }
0x119: {  	v25 =	vshll.u32 v24, $0x3  }
0x11a: {  	v6 =	vand.u32 $0x62, v24;
	v7 =	vand.u32 $0x1C00, v25  }
0x11b: {  	s21 =	simm.s32 $0x1400;
	s20 =	spop (v2sf);
	[tilespmem:v3+s16+$0x0] =	vst.idx.msk $0xffff, v4;
	v3 =	vor.u32 v7, v6  }
0x11c: {  	s20 =	sand.u32 $0x7F, s20;
	v4 =	vld.idx.msk [tilespmem:v23+s21+$0x0], $0xffff;
	v3 =	vor.u32 v1, v3  }
0x11d: {  	v26 =	vor.u32 s20, v0;
	s21 =	sadd.s32 $0xFFFFFFE4, s18  }
0x11e: {  	(v2sf) =	vpush v2, $0x6;
	v27 =	vmov s21  }
0x11f: {  	v28 =	vshll.u32 v27, $0x3  }
0x120: {  	v6 =	vand.u32 $0x63, v27;
	v7 =	vand.u32 $0x1C00, v28  }
0x121: {  	s20 =	spop (v2sf);
	s21 =	simm.s32 $0x1C00;
	[tilespmem:v3+s16+$0x0] =	vst.idx.msk $0xffff, v4;
	v3 =	vor.u32 v7, v6  }
0x122: {  	s20 =	sand.u32 $0x7F, s20;
	v4 =	vld.idx.msk [tilespmem:v26+s21+$0x0], $0xffff;
	v3 =	vor.u32 v1, v3  }
0x123: {  	v29 =	vor.u32 s20, v0;
	s21 =	sadd.s32 $0xFFFFFFE5, s18  }
0x124: {  	(v2sf) =	vpush v2, $0x7;
	v30 =	vmov s21  }
0x125: {  	v31 =	vshll.u32 v30, $0x3  }
0x126: {  	v6 =	vand.u32 $0x64, v30;
	v7 =	vand.u32 $0x1C00, v31  }
0x127: {  	s20 =	spop (v2sf);
	s21 =	simm.s32 $0x2400;
	[tilespmem:v3+s16+$0x0] =	vst.idx.msk $0xffff, v4;
	v3 =	vor.u32 v7, v6  }
0x128: {  	s20 =	sand.u32 $0x7F, s20;
	v4 =	vld.idx.msk [tilespmem:v29+s21+$0x0], $0xffff;
	v3 =	vor.u32 v1, v3  }
0x129: {  	v32 =	vor.u32 s20, v0;
	s21 =	sadd.s32 $0xFFFFFFE6, s18  }
0x12a: {  	(v2sf) =	vpush v2, $0x8;
	v33 =	vmov s21  }
0x12b: {  	v34 =	vshll.u32 v33, $0x3  }
0x12c: {  	v6 =	vand.u32 $0x65, v33;
	v7 =	vand.u32 $0x1C00, v34  }
0x12d: {  	s20 =	spop (v2sf);
	s21 =	simm.s32 $0x2C00;
	[tilespmem:v3+s16+$0x0] =	vst.idx.msk $0xffff, v4;
	v3 =	vor.u32 v7, v6  }
0x12e: {  	s20 =	sand.u32 $0x7F, s20;
	v4 =	vld.idx.msk [tilespmem:v32+s21+$0x0], $0xffff;
	v3 =	vor.u32 v1, v3  }
0x12f: {  	v35 =	vor.u32 s20, v0;
	s21 =	sadd.s32 $0xFFFFFFE7, s18  }
0x130: {  	(v2sf) =	vpush v2, $0x9;
	v36 =	vmov s21  }
0x131: {  	v37 =	vshll.u32 v36, $0x3  }
0x132: {  	v6 =	vand.u32 $0x66, v36;
	v7 =	vand.u32 $0x1C00, v37  }
0x133: {  	s20 =	spop (v2sf);
	s21 =	simm.s32 $0x3400;
	[tilespmem:v3+s16+$0x0] =	vst.idx.msk $0xffff, v4;
	v3 =	vor.u32 v7, v6  }
0x134: {  	s20 =	sand.u32 $0x7F, s20;
	v4 =	vld.idx.msk [tilespmem:v35+s21+$0x0], $0xffff;
	v3 =	vor.u32 v1, v3  }
0x135: {  	v38 =	vor.u32 s20, v0;
	s21 =	sadd.s32 $0xFFFFFFE8, s18  }
0x136: {  	(v2sf) =	vpush v2, $0xA;
	v39 =	vmov s21  }
0x137: {  	v40 =	vshll.u32 v39, $0x3  }
0x138: {  	v6 =	vand.u32 $0x67, v39;
	v7 =	vand.u32 $0x1C00, v40  }
0x139: {  	s20 =	spop (v2sf);
	s21 =	simm.s32 $0x3C00;
	[tilespmem:v3+s16+$0x0] =	vst.idx.msk $0xffff, v4;
	v3 =	vor.u32 v7, v6  }
0x13a: {  	s20 =	sand.u32 $0x7F, s20;
	v4 =	vld.idx.msk [tilespmem:v38+s21+$0x0], $0xffff;
	v3 =	vor.u32 v1, v3  }
0x13b: {  	v41 =	vor.u32 s20, v0;
	s21 =	sadd.s32 $0xFFFFFFE9, s18  }
0x13c: {  	(v2sf) =	vpush v2, $0xB;
	v42 =	vmov s21  }
0x13d: {  	v43 =	vshll.u32 v42, $0x3  }
0x13e: {  	v6 =	vand.u32 $0x68, v42;
	v7 =	vand.u32 $0x1C00, v43  }
0x13f: {  	s20 =	spop (v2sf);
	s21 =	simm.s32 $0x4400;
	[tilespmem:v3+s16+$0x0] =	vst.idx.msk $0xffff, v4;
	v3 =	vor.u32 v7, v6  }
0x140: {  	s20 =	sand.u32 $0x7F, s20;
	v4 =	vld.idx.msk [tilespmem:v41+s21+$0x0], $0xffff;
	v3 =	vor.u32 v1, v3  }
0x141: {  	v44 =	vor.u32 s20, v0;
	s21 =	sadd.s32 $0xFFFFFFEA, s18  }
0x142: {  	(v2sf) =	vpush v2, $0xC;
	v45 =	vmov s21  }
0x143: {  	v46 =	vshll.u32 v45, $0x3  }
0x144: {  	v6 =	vand.u32 $0x69, v45;
	v7 =	vand.u32 $0x1C00, v46  }
0x145: {  	s20 =	spop (v2sf);
	s21 =	simm.s32 $0x4C00;
	[tilespmem:v3+s16+$0x0] =	vst.idx.msk $0xffff, v4;
	v3 =	vor.u32 v7, v6  }
0x146: {  	s20 =	sand.u32 $0x7F, s20;
	v4 =	vld.idx.msk [tilespmem:v44+s21+$0x0], $0xffff;
	v3 =	vor.u32 v1, v3  }
0x147: {  	v47 =	vor.u32 s20, v0;
	s21 =	sadd.s32 $0xFFFFFFEB, s18  }
0x148: {  	(v2sf) =	vpush v2, $0xD;
	v48 =	vmov s21  }
0x149: {  	v49 =	vshll.u32 v48, $0x3  }
0x14a: {  	v6 =	vand.u32 $0x6A, v48;
	v7 =	vand.u32 $0x1C00, v49  }
0x14b: {  	s20 =	spop (v2sf);
	s21 =	simm.s32 $0x5400;
	[tilespmem:v3+s16+$0x0] =	vst.idx.msk $0xffff, v4;
	v3 =	vor.u32 v7, v6  }
0x14c: {  	s20 =	sand.u32 $0x7F, s20;
	v4 =	vld.idx.msk [tilespmem:v47+s21+$0x0], $0xffff;
	v3 =	vor.u32 v1, v3  }
0x14d: {  	v50 =	vor.u32 s20, v0;
	s21 =	sadd.s32 $0xFFFFFFEC, s18  }
0x14e: {  	(v2sf) =	vpush v2, $0xE;
	v51 =	vmov s21  }
0x14f: {  	v52 =	vshll.u32 v51, $0x3  }
0x150: {  	v6 =	vand.u32 $0x6B, v51;
	v7 =	vand.u32 $0x1C00, v52  }
0x151: {  	s20 =	spop (v2sf);
	s21 =	simm.s32 $0x5C00;
	[tilespmem:v3+s16+$0x0] =	vst.idx.msk $0xffff, v4;
	v3 =	vor.u32 v7, v6  }
0x152: {  	s20 =	sand.u32 $0x7F, s20;
	v4 =	vld.idx.msk [tilespmem:v50+s21+$0x0], $0xffff;
	v3 =	vor.u32 v1, v3  }
0x153: {  	v53 =	vor.u32 s20, v0;
	s21 =	sadd.s32 $0xFFFFFFED, s18  }
0x154: {  	(v2sf) =	vpush v2, $0xF;
	v54 =	vmov s21  }
0x155: {  	v2 =	vshll.u32 v54, $0x3  }
0x156: {  	v6 =	vand.u32 $0x6C, v54;
	v2 =	vand.u32 $0x1C00, v2  }
0x157: {  	s21 =	spop (v2sf);
	v2 =	vor.u32 v2, v6;
	[tilespmem:v3+s16+$0x0] =	vst.idx.msk $0xffff, v4  }
0x158: {  	s20 =	sand.u32 $0x7F, s21;
	v2 =	vor.u32 v1, v2;
	v3 =	vld.idx.msk [tilespmem:v53+s22+$0x0], $0xffff  }
0x159: {  	s21 =	sadd.s32 $0xFFFFFFEE, s18;
	v55 =	vor.u32 s20, v0  }
0x15a: {  	v56 =	vmov s21  }
0x15b: {  	v57 =	vshll.u32 v56, $0x3  }
0x15c: {  	v5 =	vand.u32 $0x6D, v56;
	v6 =	vand.u32 $0x1C00, v57  }
0x15d: {  	s21 =	spop (v2sf);
	[tilespmem:v2+s16+$0x0] =	vst.idx.msk $0xffff, v3;
	v2 =	vor.u32 v6, v5  }
0x15e: {  	s20 =	sand.u32 $0x7F, s21;
	v3 =	vld.idx.msk [tilespmem:v55+s23+$0x0], $0xffff;
	v2 =	vor.u32 v1, v2  }
0x15f: {  	s21 =	sadd.s32 $0xFFFFFFEF, s18;
	v58 =	vor.u32 s20, v0  }
0x160: {  	v59 =	vmov s21  }
0x161: {  	v60 =	vshll.u32 v59, $0x3  }
0x162: {  	v5 =	vand.u32 $0x6E, v59;
	v6 =	vand.u32 $0x1C00, v60  }
0x163: {  	s21 =	spop (v2sf);
	[tilespmem:v2+s16+$0x0] =	vst.idx.msk $0xffff, v3;
	v2 =	vor.u32 v6, v5  }
0x164: {  	s20 =	sand.u32 $0x7F, s21;
	v3 =	vld.idx.msk [tilespmem:v58+s24+$0x0], $0xffff;
	v2 =	vor.u32 v1, v2  }
0x165: {  	s21 =	sadd.s32 $0xFFFFFFF0, s18;
	v61 =	vor.u32 s20, v0  }
0x166: {  	v62 =	vmov s21  }
0x167: {  	v63 =	vshll.u32 v62, $0x3  }
0x168: {  	v5 =	vand.u32 $0x6F, v62;
	v6 =	vand.u32 $0x1C00, v63  }
0x169: {  	[tilespmem:v2+s16+$0x0] =	vst.idx.msk $0xffff, v3;
	v2 =	vor.u32 v6, v5  }
0x16a: {  	p0 =	seq.s32 s18, $0x3FF;
	v3 =	vld.idx.msk [tilespmem:v61+s25+$0x0], $0xffff;
	v2 =	vor.u32 v1, v2  }
.Ltmp2:
0x16b: {  	_ = 	snop;
	(pc) =	sbr.rel @p0 .LBB2_4-.Ltmp2, $2  }
0x16c: {  	_ =	sdelay $0x2  }
0x16d: {  	[tilespmem:v2+s16+$0x0] =	vst.idx.msk $0xffff, v3  }
0x16e: {  	v2 =	vld [tilespmem:s19+$0x0];
	_ =	sdelay $0x4  }
0x16f: {  	v2 =	vshll.u32 v2, $0x3  }
0x170: {  	(v2sf) =	vpush v2, $0x0;
	_ =	sdelay $0x3  }
0x171: {  	(v2sf) =	vpush v2, $0x1;
	_ =	sdelay $0x6  }
0x172: {  	(v2sf) =	vpush v2, $0x2;
	_ =	sdelay $0x3  }
0x173: {  	s20 =	spop (v2sf)  }
0x174: {  	s20 =	sand.u32 $0x7FFFFC00, s20  }
0x175: {  	(v2sf) =	vpush v2, $0x3;
	s20 =	sadd.s32 s5, s20  }
0x176: {  	s20 =	sshrl.u32 s20, $0x3  }
0x177: {  	s21 =	spop (v2sf);
	s20 =	sadd.s32 s1, s20  }
0x178: {  	[tilespmem:s10], [sflag:$0x1] =	stream.strided.gather [hbm4b:s20+s10], $0x800, s9, s10, $0x38;
	[tilespmem:$0x14400] =	vst v63  }
0x179: {  	s20 =	sand.u32 $0x7FFFFC00, s21  }
0x17a: {  	s20 =	sadd.s32 s5, s20  }
0x17b: {  	(v2sf) =	vpush v2, $0x4;
	s20 =	sshrl.u32 s20, $0x3  }
0x17c: {  	s21 =	simm.s32 $0xC00;
	s20 =	sadd.s32 s1, s20  }
0x17d: {  	[tilespmem:s21], [sflag:$0x1] =	stream.strided.gather [hbm4b:s20+s10], $0x800, s9, s10, $0x38;
	[tilespmem:$0x14400] =	vst v63  }
0x17e: {  	s21 =	spop (v2sf)  }
0x17f: {  	s20 =	sand.u32 $0x7FFFFC00, s21  }
0x180: {  	s20 =	sadd.s32 s5, s20  }
0x181: {  	(v2sf) =	vpush v2, $0x5;
	s20 =	sshrl.u32 s20, $0x3  }
0x182: {  	s21 =	simm.s32 $0x1400;
	s20 =	sadd.s32 s1, s20  }
0x183: {  	[tilespmem:s21], [sflag:$0x1] =	stream.strided.gather [hbm4b:s20+s10], $0x800, s9, s10, $0x38;
	[tilespmem:$0x14400] =	vst v63  }
0x184: {  	s21 =	spop (v2sf)  }
0x185: {  	s20 =	sand.u32 $0x7FFFFC00, s21  }
0x186: {  	s20 =	sadd.s32 s5, s20  }
0x187: {  	(v2sf) =	vpush v2, $0x6;
	s20 =	sshrl.u32 s20, $0x3  }
0x188: {  	s21 =	simm.s32 $0x1C00;
	s20 =	sadd.s32 s1, s20  }
0x189: {  	[tilespmem:s21], [sflag:$0x1] =	stream.strided.gather [hbm4b:s20+s10], $0x800, s9, s10, $0x38;
	[tilespmem:$0x14400] =	vst v63  }
0x18a: {  	s21 =	spop (v2sf)  }
0x18b: {  	s20 =	sand.u32 $0x7FFFFC00, s21  }
0x18c: {  	s20 =	sadd.s32 s5, s20  }
0x18d: {  	(v2sf) =	vpush v2, $0x7;
	s20 =	sshrl.u32 s20, $0x3  }
0x18e: {  	s21 =	simm.s32 $0x2400;
	s20 =	sadd.s32 s1, s20  }
0x18f: {  	[tilespmem:s21], [sflag:$0x1] =	stream.strided.gather [hbm4b:s20+s10], $0x800, s9, s10, $0x38;
	[tilespmem:$0x14400] =	vst v63  }
0x190: {  	s21 =	spop (v2sf)  }
0x191: {  	s20 =	sand.u32 $0x7FFFFC00, s21  }
0x192: {  	s20 =	sadd.s32 s5, s20  }
0x193: {  	(v2sf) =	vpush v2, $0x8;
	s20 =	sshrl.u32 s20, $0x3  }
0x194: {  	s21 =	simm.s32 $0x2C00;
	s20 =	sadd.s32 s1, s20  }
0x195: {  	[tilespmem:s21], [sflag:$0x1] =	stream.strided.gather [hbm4b:s20+s10], $0x800, s9, s10, $0x38;
	[tilespmem:$0x14400] =	vst v63  }
0x196: {  	s21 =	spop (v2sf)  }
0x197: {  	s20 =	sand.u32 $0x7FFFFC00, s21  }
0x198: {  	s20 =	sadd.s32 s5, s20  }
0x199: {  	(v2sf) =	vpush v2, $0x9;
	s20 =	sshrl.u32 s20, $0x3  }
0x19a: {  	s21 =	simm.s32 $0x3400;
	s20 =	sadd.s32 s1, s20  }
0x19b: {  	[tilespmem:s21], [sflag:$0x1] =	stream.strided.gather [hbm4b:s20+s10], $0x800, s9, s10, $0x38;
	[tilespmem:$0x14400] =	vst v63  }
0x19c: {  	s21 =	spop (v2sf)  }
0x19d: {  	s20 =	sand.u32 $0x7FFFFC00, s21  }
0x19e: {  	s20 =	sadd.s32 s5, s20  }
0x19f: {  	(v2sf) =	vpush v2, $0xA;
	s20 =	sshrl.u32 s20, $0x3  }
0x1a0: {  	s21 =	simm.s32 $0x3C00;
	s20 =	sadd.s32 s1, s20  }
0x1a1: {  	[tilespmem:s21], [sflag:$0x1] =	stream.strided.gather [hbm4b:s20+s10], $0x800, s9, s10, $0x38;
	[tilespmem:$0x14400] =	vst v63  }
0x1a2: {  	s21 =	spop (v2sf)  }
0x1a3: {  	s20 =	sand.u32 $0x7FFFFC00, s21  }
0x1a4: {  	s20 =	sadd.s32 s5, s20  }
0x1a5: {  	(v2sf) =	vpush v2, $0xB;
	s20 =	sshrl.u32 s20, $0x3  }
0x1a6: {  	s21 =	simm.s32 $0x4400;
	s20 =	sadd.s32 s1, s20  }
0x1a7: {  	[tilespmem:s21], [sflag:$0x1] =	stream.strided.gather [hbm4b:s20+s10], $0x800, s9, s10, $0x38;
	[tilespmem:$0x14400] =	vst v63  }
0x1a8: {  	s21 =	spop (v2sf)  }
0x1a9: {  	s20 =	sand.u32 $0x7FFFFC00, s21  }
0x1aa: {  	s20 =	sadd.s32 s5, s20  }
0x1ab: {  	(v2sf) =	vpush v2, $0xC;
	s20 =	sshrl.u32 s20, $0x3  }
0x1ac: {  	s21 =	simm.s32 $0x4C00;
	s20 =	sadd.s32 s1, s20  }
0x1ad: {  	[tilespmem:s21], [sflag:$0x1] =	stream.strided.gather [hbm4b:s20+s10], $0x800, s9, s10, $0x38;
	[tilespmem:$0x14400] =	vst v63  }
0x1ae: {  	s21 =	spop (v2sf)  }
0x1af: {  	s20 =	sand.u32 $0x7FFFFC00, s21  }
0x1b0: {  	s20 =	sadd.s32 s5, s20  }
0x1b1: {  	(v2sf) =	vpush v2, $0xD;
	s20 =	sshrl.u32 s20, $0x3  }
0x1b2: {  	s21 =	simm.s32 $0x5400;
	s20 =	sadd.s32 s1, s20  }
0x1b3: {  	[tilespmem:s21], [sflag:$0x1] =	stream.strided.gather [hbm4b:s20+s10], $0x800, s9, s10, $0x38;
	[tilespmem:$0x14400] =	vst v63  }
0x1b4: {  	s21 =	spop (v2sf)  }
0x1b5: {  	s20 =	sand.u32 $0x7FFFFC00, s21  }
0x1b6: {  	s20 =	sadd.s32 s5, s20  }
0x1b7: {  	(v2sf) =	vpush v2, $0xE;
	s20 =	sshrl.u32 s20, $0x3  }
0x1b8: {  	s21 =	simm.s32 $0x5C00;
	s20 =	sadd.s32 s1, s20  }
0x1b9: {  	[tilespmem:s21], [sflag:$0x1] =	stream.strided.gather [hbm4b:s20+s10], $0x800, s9, s10, $0x38;
	[tilespmem:$0x14400] =	vst v63  }
0x1ba: {  	s21 =	spop (v2sf)  }
0x1bb: {  	s20 =	sand.u32 $0x7FFFFC00, s21  }
0x1bc: {  	s20 =	sadd.s32 s5, s20  }
0x1bd: {  	(v2sf) =	vpush v2, $0xF;
	s20 =	sshrl.u32 s20, $0x3  }
0x1be: {  	s20 =	sadd.s32 s1, s20  }
0x1bf: {  	[tilespmem:s22], [sflag:$0x1] =	stream.strided.gather [hbm4b:s20+s10], $0x800, s9, s10, $0x38;
	[tilespmem:$0x14400] =	vst v63  }
0x1c0: {  	s21 =	spop (v2sf)  }
0x1c1: {  	s20 =	sand.u32 $0x7FFFFC00, s21  }
0x1c2: {  	s20 =	sadd.s32 s5, s20  }
0x1c3: {  	s20 =	sshrl.u32 s20, $0x3  }
0x1c4: {  	s20 =	sadd.s32 s1, s20  }
0x1c5: {  	[tilespmem:s23], [sflag:$0x1] =	stream.strided.gather [hbm4b:s20+s10], $0x800, s9, s10, $0x38;
	[tilespmem:$0x14400] =	vst v63  }
0x1c6: {  	s21 =	spop (v2sf)  }
0x1c7: {  	s20 =	sand.u32 $0x7FFFFC00, s21  }
0x1c8: {  	s20 =	sadd.s32 s5, s20  }
0x1c9: {  	s20 =	sshrl.u32 s20, $0x3  }
0x1ca: {  	s20 =	sadd.s32 s1, s20  }
0x1cb: {  	[tilespmem:s24], [sflag:$0x1] =	stream.strided.gather [hbm4b:s20+s10], $0x800, s9, s10, $0x38;
	[tilespmem:$0x14400] =	vst v63  }
0x1cc: {  	s21 =	spop (v2sf)  }
0x1cd: {  	s20 =	sand.u32 $0x7FFFFC00, s21  }
0x1ce: {  	s20 =	sadd.s32 s5, s20  }
0x1cf: {  	s20 =	sshrl.u32 s20, $0x3  }
0x1d0: {  	s20 =	sadd.s32 s1, s20  }
0x1d1: {  	[tilespmem:s25], [sflag:$0x1] =	stream.strided.gather [hbm4b:s20+s10], $0x800, s9, s10, $0x38;
	[tilespmem:$0x14400] =	vst v63  }
.LBB2_4:
0x1d2: {  	_ =	swait.ge [sflag:s17], $0x800  }
0x1d3: {  	[sflag:s17] =	ssyncset.done $0x0  }
0x1d4: {  	[sflag:s17] =	ssyncadd.s32 $0xFFFFF800  }
0x1d5: {  	_ =	swait.ge [sflag:s17], $0x800  }
0x1d6: {  	[sflag:s17] =	ssyncset.done $0x0  }
0x1d7: {  	[sflag:s17] =	ssyncadd.s32 $0xFFFFF800  }
0x1d8: {  	_ =	swait.ge [sflag:s17], $0x800  }
0x1d9: {  	[sflag:s17] =	ssyncset.done $0x0  }
0x1da: {  	[sflag:s17] =	ssyncadd.s32 $0xFFFFF800  }
0x1db: {  	_ =	swait.ge [sflag:s17], $0x800  }
0x1dc: {  	[sflag:s17] =	ssyncset.done $0x0  }
0x1dd: {  	[sflag:s17] =	ssyncadd.s32 $0xFFFFF800  }
0x1de: {  	_ =	swait.ge [sflag:s17], $0x800  }
0x1df: {  	[sflag:s17] =	ssyncset.done $0x0  }
0x1e0: {  	[sflag:s17] =	ssyncadd.s32 $0xFFFFF800  }
0x1e1: {  	_ =	swait.ge [sflag:s17], $0x800  }
0x1e2: {  	[sflag:s17] =	ssyncset.done $0x0  }
0x1e3: {  	[sflag:s17] =	ssyncadd.s32 $0xFFFFF800  }
0x1e4: {  	_ =	swait.ge [sflag:s17], $0x800  }
0x1e5: {  	[sflag:s17] =	ssyncset.done $0x0  }
0x1e6: {  	[sflag:s17] =	ssyncadd.s32 $0xFFFFF800  }
0x1e7: {  	_ =	swait.ge [sflag:s17], $0x800  }
0x1e8: {  	[sflag:s17] =	ssyncset.done $0x0  }
0x1e9: {  	[sflag:s17] =	ssyncadd.s32 $0xFFFFF800  }
0x1ea: {  	_ =	swait.ge [sflag:s17], $0x800  }
0x1eb: {  	[sflag:s17] =	ssyncset.done $0x0  }
0x1ec: {  	[sflag:s17] =	ssyncadd.s32 $0xFFFFF800  }
0x1ed: {  	_ =	swait.ge [sflag:s17], $0x800  }
0x1ee: {  	[sflag:s17] =	ssyncset.done $0x0  }
0x1ef: {  	[sflag:s17] =	ssyncadd.s32 $0xFFFFF800  }
0x1f0: {  	_ =	swait.ge [sflag:s17], $0x800  }
0x1f1: {  	[sflag:s17] =	ssyncset.done $0x0  }
0x1f2: {  	[sflag:s17] =	ssyncadd.s32 $0xFFFFF800  }
0x1f3: {  	_ =	swait.ge [sflag:s17], $0x800  }
0x1f4: {  	[sflag:s17] =	ssyncset.done $0x0  }
0x1f5: {  	[sflag:s17] =	ssyncadd.s32 $0xFFFFF800  }
0x1f6: {  	_ =	swait.ge [sflag:s17], $0x800  }
0x1f7: {  	[sflag:s17] =	ssyncset.done $0x0  }
0x1f8: {  	[sflag:s17] =	ssyncadd.s32 $0xFFFFF800  }
0x1f9: {  	_ =	swait.ge [sflag:s17], $0x800  }
0x1fa: {  	[sflag:s17] =	ssyncset.done $0x0  }
0x1fb: {  	[sflag:s17] =	ssyncadd.s32 $0xFFFFF800  }
0x1fc: {  	_ =	swait.ge [sflag:s17], $0x800  }
0x1fd: {  	[sflag:s17] =	ssyncset.done $0x0  }
0x1fe: {  	[sflag:s17] =	ssyncadd.s32 $0xFFFFF800  }
0x1ff: {  	_ =	swait.ge [sflag:s17], $0x800  }
0x200: {  	[sflag:s17] =	ssyncset.done $0x0  }
0x201: {  	[sflag:s17] =	ssyncadd.s32 $0xFFFFF800  }
0x202: {  	v2 =	vld [tilespmem:s19+$0xFFFFFFF0];
	_ =	sdelay $0x4  }
0x203: {  	(v2sf) =	vpush v2, $0x0;
	_ =	sdelay $0x5  }
0x204: {  	(v2sf) =	vpush v2, $0x1;
	_ =	sdelay $0x5  }
0x205: {  	(v2sf) =	vpush v2, $0x2;
	_ =	sdelay $0x2  }
0x206: {  	s20 =	spop (v2sf)  }
0x207: {  	s20 =	sand.u32 $0x7F, s20  }
0x208: {  	s21 =	sadd.s32 $0xFFFFFFF1, s18;
	v3 =	vor.u32 s20, v0  }
0x209: {  	v4 =	vmov s21;
	(v2sf) =	vpush v2, $0x3  }
0x20a: {  	v5 =	vshll.u32 v4, $0x3  }
0x20b: {  	v4 =	vand.u32 $0x70, v4;
	v5 =	vand.u32 $0x1C00, v5  }
0x20c: {  	v4 =	vor.u32 v5, v4;
	s21 =	spop (v2sf)  }
0x20d: {  	v4 =	vor.u32 v1, v4;
	s20 =	sand.u32 $0x7F, s21;
	v3 =	vld.idx.msk [tilespmem:v3+s26+$0x0], $0xffff  }
0x20e: {  	s21 =	sadd.s32 $0xFFFFFFF2, s18;
	v22 =	vor.u32 s20, v0  }
0x20f: {  	(v2sf) =	vpush v2, $0x4;
	v6 =	vmov s21  }
0x210: {  	v7 =	vshll.u32 v6, $0x3  }
0x211: {  	v6 =	vand.u32 $0x71, v6;
	v7 =	vand.u32 $0x1C00, v7  }
0x212: {  	s21 =	spop (v2sf);
	[tilespmem:v4+s16+$0x0] =	vst.idx.msk $0xffff, v3;
	v3 =	vor.u32 v7, v6  }
0x213: {  	s20 =	sand.u32 $0x7F, s21;
	v4 =	vld.idx.msk [tilespmem:v22+s28+$0x0], $0xffff;
	v3 =	vor.u32 v1, v3  }
0x214: {  	s21 =	sadd.s32 $0xFFFFFFF3, s18;
	v23 =	vor.u32 s20, v0  }
0x215: {  	(v2sf) =	vpush v2, $0x5;
	v24 =	vmov s21  }
0x216: {  	v25 =	vshll.u32 v24, $0x3  }
0x217: {  	v6 =	vand.u32 $0x72, v24;
	v7 =	vand.u32 $0x1C00, v25  }
0x218: {  	s21 =	spop (v2sf);
	[tilespmem:v3+s16+$0x0] =	vst.idx.msk $0xffff, v4;
	v3 =	vor.u32 v7, v6  }
0x219: {  	s20 =	sand.u32 $0x7F, s21;
	v4 =	vld.idx.msk [tilespmem:v23+s29+$0x0], $0xffff;
	v3 =	vor.u32 v1, v3  }
0x21a: {  	s21 =	sadd.s32 $0xFFFFFFF4, s18;
	v26 =	vor.u32 s20, v0  }
0x21b: {  	(v2sf) =	vpush v2, $0x6;
	v27 =	vmov s21  }
0x21c: {  	v28 =	vshll.u32 v27, $0x3  }
0x21d: {  	v6 =	vand.u32 $0x73, v27;
	v7 =	vand.u32 $0x1C00, v28  }
0x21e: {  	s21 =	spop (v2sf);
	[tilespmem:v3+s16+$0x0] =	vst.idx.msk $0xffff, v4;
	v3 =	vor.u32 v7, v6  }
0x21f: {  	s20 =	sand.u32 $0x7F, s21;
	v4 =	vld.idx.msk [tilespmem:v26+s30+$0x0], $0xffff;
	v3 =	vor.u32 v1, v3  }
0x220: {  	s21 =	sadd.s32 $0xFFFFFFF5, s18;
	v29 =	vor.u32 s20, v0  }
0x221: {  	(v2sf) =	vpush v2, $0x7;
	v30 =	vmov s21  }
0x222: {  	v31 =	vshll.u32 v30, $0x3  }
0x223: {  	v6 =	vand.u32 $0x74, v30;
	v7 =	vand.u32 $0x1C00, v31  }
0x224: {  	s21 =	spop (v2sf);
	[tilespmem:v3+s16+$0x0] =	vst.idx.msk $0xffff, v4;
	v3 =	vor.u32 v7, v6  }
0x225: {  	s20 =	sand.u32 $0x7F, s21;
	v4 =	vld.idx.msk [tilespmem:v29+s31+$0x0], $0xffff;
	v3 =	vor.u32 v1, v3  }
0x226: {  	s21 =	sadd.s32 $0xFFFFFFF6, s18;
	v32 =	vor.u32 s20, v0  }
0x227: {  	(v2sf) =	vpush v2, $0x8;
	v33 =	vmov s21  }
0x228: {  	v34 =	vshll.u32 v33, $0x3  }
0x229: {  	v6 =	vand.u32 $0x75, v33;
	v7 =	vand.u32 $0x1C00, v34  }
0x22a: {  	s21 =	spop (v2sf);
	[tilespmem:v3+s16+$0x0] =	vst.idx.msk $0xffff, v4;
	v3 =	vor.u32 v7, v6  }
0x22b: {  	s20 =	sand.u32 $0x7F, s21;
	v4 =	vld.idx.msk [tilespmem:v32+s0+$0x0], $0xffff;
	v3 =	vor.u32 v1, v3  }
0x22c: {  	s21 =	sadd.s32 $0xFFFFFFF7, s18;
	v35 =	vor.u32 s20, v0  }
0x22d: {  	(v2sf) =	vpush v2, $0x9;
	v36 =	vmov s21  }
0x22e: {  	v37 =	vshll.u32 v36, $0x3  }
0x22f: {  	v6 =	vand.u32 $0x76, v36;
	v7 =	vand.u32 $0x1C00, v37  }
0x230: {  	s21 =	spop (v2sf);
	[tilespmem:v3+s16+$0x0] =	vst.idx.msk $0xffff, v4;
	v3 =	vor.u32 v7, v6  }
0x231: {  	s20 =	sand.u32 $0x7F, s21;
	v4 =	vld.idx.msk [tilespmem:v35+s2+$0x0], $0xffff;
	v3 =	vor.u32 v1, v3  }
0x232: {  	s21 =	sadd.s32 $0xFFFFFFF8, s18;
	v38 =	vor.u32 s20, v0  }
0x233: {  	(v2sf) =	vpush v2, $0xA;
	v39 =	vmov s21  }
0x234: {  	v40 =	vshll.u32 v39, $0x3  }
0x235: {  	v6 =	vand.u32 $0x77, v39;
	v7 =	vand.u32 $0x1C00, v40  }
0x236: {  	s21 =	spop (v2sf);
	[tilespmem:v3+s16+$0x0] =	vst.idx.msk $0xffff, v4;
	v3 =	vor.u32 v7, v6  }
0x237: {  	s20 =	sand.u32 $0x7F, s21;
	v4 =	vld.idx.msk [tilespmem:v38+s3+$0x0], $0xffff;
	v3 =	vor.u32 v1, v3  }
0x238: {  	s21 =	sadd.s32 $0xFFFFFFF9, s18;
	v41 =	vor.u32 s20, v0  }
0x239: {  	(v2sf) =	vpush v2, $0xB;
	v42 =	vmov s21  }
0x23a: {  	v43 =	vshll.u32 v42, $0x3  }
0x23b: {  	v6 =	vand.u32 $0x78, v42;
	v7 =	vand.u32 $0x1C00, v43  }
0x23c: {  	s21 =	spop (v2sf);
	[tilespmem:v3+s16+$0x0] =	vst.idx.msk $0xffff, v4;
	v3 =	vor.u32 v7, v6  }
0x23d: {  	s20 =	sand.u32 $0x7F, s21;
	v4 =	vld.idx.msk [tilespmem:v41+s4+$0x0], $0xffff;
	v3 =	vor.u32 v1, v3  }
0x23e: {  	s21 =	sadd.s32 $0xFFFFFFFA, s18;
	v44 =	vor.u32 s20, v0  }
0x23f: {  	(v2sf) =	vpush v2, $0xC;
	v45 =	vmov s21  }
0x240: {  	v46 =	vshll.u32 v45, $0x3  }
0x241: {  	v6 =	vand.u32 $0x79, v45;
	v7 =	vand.u32 $0x1C00, v46  }
0x242: {  	s21 =	spop (v2sf);
	[tilespmem:v3+s16+$0x0] =	vst.idx.msk $0xffff, v4;
	v3 =	vor.u32 v7, v6  }
0x243: {  	s20 =	sand.u32 $0x7F, s21;
	v4 =	vld.idx.msk [tilespmem:v44+s6+$0x0], $0xffff;
	v3 =	vor.u32 v1, v3  }
0x244: {  	s21 =	sadd.s32 $0xFFFFFFFB, s18;
	v47 =	vor.u32 s20, v0  }
0x245: {  	(v2sf) =	vpush v2, $0xD;
	v48 =	vmov s21  }
0x246: {  	v49 =	vshll.u32 v48, $0x3  }
0x247: {  	v6 =	vand.u32 $0x7A, v48;
	v7 =	vand.u32 $0x1C00, v49  }
0x248: {  	s21 =	spop (v2sf);
	[tilespmem:v3+s16+$0x0] =	vst.idx.msk $0xffff, v4;
	v3 =	vor.u32 v7, v6  }
0x249: {  	s20 =	sand.u32 $0x7F, s21;
	v4 =	vld.idx.msk [tilespmem:v47+s7+$0x0], $0xffff;
	v3 =	vor.u32 v1, v3  }
0x24a: {  	s21 =	sadd.s32 $0xFFFFFFFC, s18;
	v50 =	vor.u32 s20, v0  }
0x24b: {  	(v2sf) =	vpush v2, $0xE;
	v51 =	vmov s21  }
0x24c: {  	v52 =	vshll.u32 v51, $0x3  }
0x24d: {  	v6 =	vand.u32 $0x7B, v51;
	v7 =	vand.u32 $0x1C00, v52  }
0x24e: {  	s21 =	spop (v2sf);
	[tilespmem:v3+s16+$0x0] =	vst.idx.msk $0xffff, v4;
	v3 =	vor.u32 v7, v6  }
0x24f: {  	s20 =	sand.u32 $0x7F, s21;
	v4 =	vld.idx.msk [tilespmem:v50+s11+$0x0], $0xffff;
	v3 =	vor.u32 v1, v3  }
0x250: {  	s21 =	sadd.s32 $0xFFFFFFFD, s18;
	v53 =	vor.u32 s20, v0  }
0x251: {  	(v2sf) =	vpush v2, $0xF;
	v54 =	vmov s21  }
0x252: {  	v2 =	vshll.u32 v54, $0x3  }
0x253: {  	v2 =	vand.u32 $0x1C00, v2;
	v6 =	vand.u32 $0x7C, v54  }
0x254: {  	s21 =	spop (v2sf);
	v2 =	vor.u32 v2, v6;
	[tilespmem:v3+s16+$0x0] =	vst.idx.msk $0xffff, v4  }
0x255: {  	s20 =	sand.u32 $0x7F, s21;
	v2 =	vor.u32 v1, v2;
	v3 =	vld.idx.msk [tilespmem:v53+s12+$0x0], $0xffff  }
0x256: {  	s21 =	sadd.s32 $0xFFFFFFFE, s18;
	v55 =	vor.u32 s20, v0  }
0x257: {  	v56 =	vmov s21  }
0x258: {  	v57 =	vshll.u32 v56, $0x3  }
0x259: {  	v5 =	vand.u32 $0x7D, v56;
	v6 =	vand.u32 $0x1C00, v57  }
0x25a: {  	s21 =	spop (v2sf);
	[tilespmem:v2+s16+$0x0] =	vst.idx.msk $0xffff, v3;
	v2 =	vor.u32 v6, v5  }
0x25b: {  	s20 =	sand.u32 $0x7F, s21;
	v3 =	vld.idx.msk [tilespmem:v55+s13+$0x0], $0xffff;
	v2 =	vor.u32 v1, v2  }
0x25c: {  	s21 =	sadd.s32 $0xFFFFFFFF, s18;
	v58 =	vor.u32 s20, v0  }
0x25d: {  	v59 =	vmov s21  }
0x25e: {  	v60 =	vshll.u32 v59, $0x3  }
0x25f: {  	v5 =	vand.u32 $0x7E, v59;
	v6 =	vand.u32 $0x1C00, v60  }
0x260: {  	s21 =	spop (v2sf);
	[tilespmem:v2+s16+$0x0] =	vst.idx.msk $0xffff, v3;
	v2 =	vor.u32 v6, v5  }
0x261: {  	s20 =	sand.u32 $0x7F, s21;
	v3 =	vld.idx.msk [tilespmem:v58+s14+$0x0], $0xffff;
	v2 =	vor.u32 v1, v2  }
0x262: {  	v61 =	vor.u32 s20, v0  }
0x263: {  	v62 =	vmov s18  }
0x264: {  	v63 =	vshll.u32 v62, $0x3  }
0x265: {  	v5 =	vand.u32 $0x7F, v62;
	v6 =	vand.u32 $0x1C00, v63  }
0x266: {  	[tilespmem:v2+s16+$0x0] =	vst.idx.msk $0xffff, v3;
	v2 =	vor.u32 v6, v5  }
0x267: {  	v3 =	vld.idx.msk [tilespmem:v61+s15+$0x0], $0xffff;
	v2 =	vor.u32 v1, v2  }
.Ltmp3:
0x268: {  	_ = 	snop;
	(pc) =	sbr.rel @p0 .LBB2_6-.Ltmp3, $2  }
0x269: {  	_ =	sdelay $0x2  }
0x26a: {  	[tilespmem:v2+s16+$0x0] =	vst.idx.msk $0xffff, v3  }
0x26b: {  	v2 =	vld [tilespmem:s19+$0x10];
	_ =	sdelay $0x4  }
0x26c: {  	v2 =	vshll.u32 v2, $0x3  }
0x26d: {  	(v2sf) =	vpush v2, $0x0;
	_ =	sdelay $0x3  }
0x26e: {  	(v2sf) =	vpush v2, $0x1;
	_ =	sdelay $0x4  }
0x26f: {  	(v2sf) =	vpush v2, $0x2;
	_ =	sdelay $0x5  }
0x270: {  	s20 =	spop (v2sf)  }
0x271: {  	(v2sf) =	vpush v2, $0x3;
	s20 =	sand.u32 $0x7FFFFC00, s20  }
0x272: {  	s20 =	sadd.s32 s5, s20  }
0x273: {  	s20 =	sshrl.u32 s20, $0x3  }
0x274: {  	s21 =	spop (v2sf);
	s20 =	sadd.s32 s1, s20  }
0x275: {  	(v2sf) =	vpush v2, $0x4;
	[tilespmem:s26], [sflag:$0x2] =	stream.strided.gather [hbm4b:s20+s10], $0x800, s9, s10, $0x38;
	[tilespmem:$0x14400] =	vst v63  }
0x276: {  	s20 =	sand.u32 $0x7FFFFC00, s21  }
0x277: {  	s20 =	sadd.s32 s5, s20  }
0x278: {  	s20 =	sshrl.u32 s20, $0x3  }
0x279: {  	s21 =	spop (v2sf);
	s20 =	sadd.s32 s1, s20  }
0x27a: {  	(v2sf) =	vpush v2, $0x5;
	[tilespmem:s28], [sflag:$0x2] =	stream.strided.gather [hbm4b:s20+s10], $0x800, s9, s10, $0x38;
	[tilespmem:$0x14400] =	vst v63  }
0x27b: {  	s20 =	sand.u32 $0x7FFFFC00, s21  }
0x27c: {  	s20 =	sadd.s32 s5, s20  }
0x27d: {  	s20 =	sshrl.u32 s20, $0x3  }
0x27e: {  	s20 =	sadd.s32 s1, s20  }
0x27f: {  	[tilespmem:s29], [sflag:$0x2] =	stream.strided.gather [hbm4b:s20+s10], $0x800, s9, s10, $0x38;
	[tilespmem:$0x14400] =	vst v63  }
0x280: {  	s21 =	spop (v2sf)  }
0x281: {  	(v2sf) =	vpush v2, $0x6;
	s20 =	sand.u32 $0x7FFFFC00, s21  }
0x282: {  	s20 =	sadd.s32 s5, s20  }
0x283: {  	s20 =	sshrl.u32 s20, $0x3  }
0x284: {  	s21 =	spop (v2sf);
	s20 =	sadd.s32 s1, s20  }
0x285: {  	(v2sf) =	vpush v2, $0x7;
	[tilespmem:s30], [sflag:$0x2] =	stream.strided.gather [hbm4b:s20+s10], $0x800, s9, s10, $0x38;
	[tilespmem:$0x14400] =	vst v63  }
0x286: {  	s20 =	sand.u32 $0x7FFFFC00, s21  }
0x287: {  	s20 =	sadd.s32 s5, s20  }
0x288: {  	s20 =	sshrl.u32 s20, $0x3  }
0x289: {  	s21 =	spop (v2sf);
	s20 =	sadd.s32 s1, s20  }
0x28a: {  	(v2sf) =	vpush v2, $0x8;
	[tilespmem:s31], [sflag:$0x2] =	stream.strided.gather [hbm4b:s20+s10], $0x800, s9, s10, $0x38;
	[tilespmem:$0x14400] =	vst v63  }
0x28b: {  	s20 =	sand.u32 $0x7FFFFC00, s21  }
0x28c: {  	s20 =	sadd.s32 s5, s20  }
0x28d: {  	s20 =	sshrl.u32 s20, $0x3  }
0x28e: {  	s20 =	sadd.s32 s1, s20  }
0x28f: {  	[tilespmem:s0], [sflag:$0x2] =	stream.strided.gather [hbm4b:s20+s10], $0x800, s9, s10, $0x38;
	[tilespmem:$0x14400] =	vst v63  }
0x290: {  	s21 =	spop (v2sf)  }
0x291: {  	(v2sf) =	vpush v2, $0x9;
	s20 =	sand.u32 $0x7FFFFC00, s21  }
0x292: {  	s20 =	sadd.s32 s5, s20  }
0x293: {  	s20 =	sshrl.u32 s20, $0x3  }
0x294: {  	s21 =	spop (v2sf);
	s20 =	sadd.s32 s1, s20  }
0x295: {  	(v2sf) =	vpush v2, $0xA;
	[tilespmem:s2], [sflag:$0x2] =	stream.strided.gather [hbm4b:s20+s10], $0x800, s9, s10, $0x38;
	[tilespmem:$0x14400] =	vst v63  }
0x296: {  	s20 =	sand.u32 $0x7FFFFC00, s21  }
0x297: {  	s20 =	sadd.s32 s5, s20  }
0x298: {  	s20 =	sshrl.u32 s20, $0x3  }
0x299: {  	s21 =	spop (v2sf);
	s20 =	sadd.s32 s1, s20  }
0x29a: {  	(v2sf) =	vpush v2, $0xB;
	[tilespmem:s3], [sflag:$0x2] =	stream.strided.gather [hbm4b:s20+s10], $0x800, s9, s10, $0x38;
	[tilespmem:$0x14400] =	vst v63  }
0x29b: {  	s20 =	sand.u32 $0x7FFFFC00, s21  }
0x29c: {  	s20 =	sadd.s32 s5, s20  }
0x29d: {  	s20 =	sshrl.u32 s20, $0x3  }
0x29e: {  	s20 =	sadd.s32 s1, s20  }
0x29f: {  	[tilespmem:s4], [sflag:$0x2] =	stream.strided.gather [hbm4b:s20+s10], $0x800, s9, s10, $0x38;
	[tilespmem:$0x14400] =	vst v63  }
0x2a0: {  	s21 =	spop (v2sf)  }
0x2a1: {  	(v2sf) =	vpush v2, $0xC;
	s20 =	sand.u32 $0x7FFFFC00, s21  }
0x2a2: {  	s20 =	sadd.s32 s5, s20  }
0x2a3: {  	s20 =	sshrl.u32 s20, $0x3  }
0x2a4: {  	s21 =	spop (v2sf);
	s20 =	sadd.s32 s1, s20  }
0x2a5: {  	(v2sf) =	vpush v2, $0xD;
	[tilespmem:s6], [sflag:$0x2] =	stream.strided.gather [hbm4b:s20+s10], $0x800, s9, s10, $0x38;
	[tilespmem:$0x14400] =	vst v63  }
0x2a6: {  	s20 =	sand.u32 $0x7FFFFC00, s21  }
0x2a7: {  	s20 =	sadd.s32 s5, s20  }
0x2a8: {  	s20 =	sshrl.u32 s20, $0x3  }
0x2a9: {  	s21 =	spop (v2sf);
	s20 =	sadd.s32 s1, s20  }
0x2aa: {  	(v2sf) =	vpush v2, $0xE;
	[tilespmem:s7], [sflag:$0x2] =	stream.strided.gather [hbm4b:s20+s10], $0x800, s9, s10, $0x38;
	[tilespmem:$0x14400] =	vst v63  }
0x2ab: {  	s20 =	sand.u32 $0x7FFFFC00, s21  }
0x2ac: {  	s20 =	sadd.s32 s5, s20  }
0x2ad: {  	s20 =	sshrl.u32 s20, $0x3  }
0x2ae: {  	s20 =	sadd.s32 s1, s20  }
0x2af: {  	[tilespmem:s11], [sflag:$0x2] =	stream.strided.gather [hbm4b:s20+s10], $0x800, s9, s10, $0x38;
	[tilespmem:$0x14400] =	vst v63  }
0x2b0: {  	s21 =	spop (v2sf)  }
0x2b1: {  	(v2sf) =	vpush v2, $0xF;
	s20 =	sand.u32 $0x7FFFFC00, s21  }
0x2b2: {  	s20 =	sadd.s32 s5, s20  }
0x2b3: {  	s20 =	sshrl.u32 s20, $0x3  }
0x2b4: {  	s21 =	spop (v2sf);
	s20 =	sadd.s32 s1, s20  }
0x2b5: {  	[tilespmem:s12], [sflag:$0x2] =	stream.strided.gather [hbm4b:s20+s10], $0x800, s9, s10, $0x38;
	[tilespmem:$0x14400] =	vst v63  }
0x2b6: {  	s20 =	sand.u32 $0x7FFFFC00, s21  }
0x2b7: {  	s20 =	sadd.s32 s5, s20  }
0x2b8: {  	s20 =	sshrl.u32 s20, $0x3  }
0x2b9: {  	s21 =	spop (v2sf);
	s20 =	sadd.s32 s1, s20  }
0x2ba: {  	[tilespmem:s13], [sflag:$0x2] =	stream.strided.gather [hbm4b:s20+s10], $0x800, s9, s10, $0x38;
	[tilespmem:$0x14400] =	vst v63  }
0x2bb: {  	s20 =	sand.u32 $0x7FFFFC00, s21  }
0x2bc: {  	s20 =	sadd.s32 s5, s20  }
0x2bd: {  	s20 =	sshrl.u32 s20, $0x3  }
0x2be: {  	s20 =	sadd.s32 s1, s20  }
0x2bf: {  	[tilespmem:s14], [sflag:$0x2] =	stream.strided.gather [hbm4b:s20+s10], $0x800, s9, s10, $0x38;
	[tilespmem:$0x14400] =	vst v63  }
0x2c0: {  	s21 =	spop (v2sf)  }
.Ltmp4:
0x2c1: {  	s20 =	sand.u32 $0x7FFFFC00, s21;
	(pc) =	sbr.rel .LBB2_2-.Ltmp4, $4  }
0x2c2: {  	s20 =	sadd.s32 s5, s20  }
0x2c3: {  	s20 =	sshrl.u32 s20, $0x3  }
0x2c4: {  	s18 =	sadd.s32 $0x20, s18;
	s19 =	sadd.s32 $0x20, s19;
	s20 =	sadd.s32 s1, s20  }
0x2c5: {  	[tilespmem:s15], [sflag:$0x2] =	stream.strided.gather [hbm4b:s20+s10], $0x800, s9, s10, $0x38;
	[tilespmem:$0x14400] =	vst v63  }
.LBB2_7:
0x2c6: {  	_ =	sfence.sel $0x180000  }
0x2c7: {  	[bflag:$0x0] =	sbarrier.arrive $0xFFFF  }
0x2c8: {  	_ =	strace $0x90000047  }
0x2c9: {  	s0 =	stileid.u32;
	[bflag:$0x2] =	sbarrier.arrive $0xFFFF  }
0x2ca: {  	p0 =	sne.s32 s0, $0x0;
	s0 =	rddreg [dreg:$0x3]  }
0x2cb: {  	s0 =	sadd.s32 @!p0 $0x100000, s0  }
0x2cc: {  	[sflag:s0] =	ssyncadd.tile.s32 @!p0 $0x1;
	_ =	shalt  }
.Lfunc_end2:
_tile_overlayer_lowered:
.L_overlay_start_2:
0x2cd: {  	(tag) =	ssettag $0x2  }
0x2ce: {  	s0 =	rddreg [dreg:$0x0];
	s2 =	stileid.u32  }
0x2cf: {  	s1 =	rddreg [dreg:$0x1];
	p0 =	sne.s32 s2, $0x0  }
0x2d0: {  	s3 =	rddreg [dreg:$0x2];
	[bflag:$0x3] =	sbarrier.arrive $0xFFFF;
	s2 =	simm.s32 @!p0 $0x1C03  }
0x2d1: {  	[timem:s3], [sflag:s2] =	dma.local @!p0 [hbm:s0], s1  }
0x2d2: {  	s0 =	simm.s32 @!p0 $0x3  }
0x2d3: {  	_ =	swait.ge @!p0 [sflag:s0], s1  }
0x2d4: {  	s1 =	ssub.s32 @!p0 $0x0, s1;
	[sflag:s0] =	ssyncset.done @!p0 $0x0  }
0x2d5: {  	[sflag:s0] =	ssyncadd.s32 @!p0 s1  }
0x2d6: {  	[bflag:$0x3] =	sbarrier.arrive $0xFFFF  }
0x2d7: {  	_ =	shalt  }

</sc_bundles>
